<compile_context>
chip_gen: v7x
topology: tpu7x:2x2x1
jax: 0.10.2.dev20260603
libtpu: 0.0.44.dev20260713+nightly
codegen_flags: <defaults>
</compile_context>

<pallas_src>
import functools

import jax
import jax.numpy as jnp
from jax import lax
from jax.experimental import pallas as pl
from jax.experimental.pallas import tpu as pltpu
from jax.experimental.pallas import tpu_sc as plsc

N = 10000
E = 320000
D = 128
NC_OUT = 40

N_PAD = 10240
CH = 128
NCORES = 2
NSUB = 16
NW = NCORES * NSUB
CPT = 80
GRP = 8
E_PAD = NW * CPT * CH
ROWS_PER_TILE = N_PAD // NSUB



def _sc_mesh():
    return plsc.VectorSubcoreMesh(core_axis_name="c", subcore_axis_name="s")


def _deg_kernel_body(dst_hbm, zeros_hbm, out_hbm, dst_v, ones_v, accd, sem):
    cid = lax.axis_index("c")
    sid = lax.axis_index("s")
    tile = cid * NSUB + sid

    def fill_ones(i, c):
        ones_v[i] = jnp.ones((16,), jnp.float32)
        return c
    lax.fori_loop(0, CH, fill_ones, 0)

    r0 = sid * ROWS_PER_TILE
    pltpu.sync_copy(zeros_hbm.at[pl.ds(r0, ROWS_PER_TILE)],
                    accd.at[pl.ds(r0, ROWS_PER_TILE)])
    plsc.subcore_barrier()

    base = tile * CPT
    pltpu.sync_copy(dst_hbm.at[pl.ds(base, CPT)], dst_v)

    def body(j, c):
        pltpu.sync_copy(ones_v, accd.at[dst_v.at[j]], add=True)
        return c
    lax.fori_loop(0, CPT, body, 0)
    plsc.subcore_barrier()

    pltpu.sync_copy(accd.at[pl.ds(r0, ROWS_PER_TILE)],
                    out_hbm.at[cid, pl.ds(r0, ROWS_PER_TILE)])


def _make_deg_kernel():
    return functools.partial(
        pl.kernel,
        mesh=_sc_mesh(),
        out_type=jax.ShapeDtypeStruct((NCORES, N_PAD, 16), jnp.float32),
        scratch_types=[
            pltpu.VMEM((CPT, CH), jnp.int32),
            pltpu.VMEM((CH, 16), jnp.float32),
            pltpu.VMEM_SHARED((N_PAD, 16), jnp.float32),
            pltpu.SemaphoreType.DMA,
        ],
    )(_deg_kernel_body)


def _scat_kernel_body(z_hbm, sd_hbm, zeros_hbm, out_hbm,
                      sd_a, sd_b, rows_a, rows_b, accs, sem_i, sem_a, sem_b):
    cid = lax.axis_index("c")
    sid = lax.axis_index("s")
    tile = cid * NSUB + sid

    r0 = sid * ROWS_PER_TILE
    pltpu.sync_copy(zeros_hbm.at[pl.ds(r0, ROWS_PER_TILE)],
                    accs.at[pl.ds(r0, ROWS_PER_TILE)])
    plsc.subcore_barrier()

    gbase = tile * (CPT // GRP)

    def body(i, c):
        for p, sd_v in enumerate((sd_a, sd_b)):
            g = 2 * i + p
            pltpu.async_copy(sd_hbm.at[gbase + g], sd_v, sem_i).wait()
            for k in range(GRP):
                pltpu.async_copy(
                    z_hbm.at[sd_v.at[k, 0]], rows_a, sem_a).wait()
                pltpu.sync_copy(rows_a, accs.at[sd_v.at[k, 1]], add=True)
        return c
    lax.fori_loop(0, CPT // GRP // 2, body, 0)
    plsc.subcore_barrier()

    pltpu.sync_copy(accs.at[pl.ds(r0, ROWS_PER_TILE)],
                    out_hbm.at[cid, pl.ds(r0, ROWS_PER_TILE)])


def _make_scat_kernel():
    return functools.partial(
        pl.kernel,
        mesh=_sc_mesh(),
        out_type=jax.ShapeDtypeStruct((NCORES, N_PAD, D), jnp.float32),
        scratch_types=[
            pltpu.VMEM((GRP, 2, CH), jnp.int32),
            pltpu.VMEM((GRP, 2, CH), jnp.int32),
            pltpu.VMEM((CH, D), jnp.float32),
            pltpu.VMEM((CH, D), jnp.float32),
            pltpu.VMEM_SHARED((N_PAD, D), jnp.float32),
            pltpu.SemaphoreType.DMA,
            pltpu.SemaphoreType.DMA,
            pltpu.SemaphoreType.DMA,
        ],
    )(_scat_kernel_body)



_BLK = 1024


def _tc_b_body(x_ref, w_ref, degp_ref, z_ref, d_ref):
    deg = 1.0 + degp_ref[0, :, 0] + degp_ref[1, :, 0]
    d = lax.rsqrt(deg)
    z = jnp.dot(x_ref[...], w_ref[...], preferred_element_type=jnp.float32)
    z_ref[...] = z * d[:, None]
    d_ref[...] = d[:, None]


def _tc_b(x_pad, W0, degp):
    grid = (N_PAD // _BLK,)
    return pl.pallas_call(
        _tc_b_body,
        grid=grid,
        in_specs=[
            pl.BlockSpec((_BLK, D), lambda i: (i, 0)),
            pl.BlockSpec((D, D), lambda i: (0, 0)),
            pl.BlockSpec((NCORES, _BLK, 16), lambda i: (0, i, 0)),
        ],
        out_specs=[
            pl.BlockSpec((_BLK, D), lambda i: (i, 0)),
            pl.BlockSpec((_BLK, 1), lambda i: (i, 0)),
        ],
        out_shape=[
            jax.ShapeDtypeStruct((N_PAD, D), jnp.float32),
            jax.ShapeDtypeStruct((N_PAD, 1), jnp.float32),
        ],
    )(x_pad, W0, degp)


def _tc_d_body(z_ref, p_ref, d_ref, b_ref, w_ref, z1_ref):
    s = p_ref[0] + p_ref[1] + z_ref[...]
    h = jnp.maximum(d_ref[...] * s + b_ref[...], 0.0)
    z1 = jnp.dot(h, w_ref[...], preferred_element_type=jnp.float32)
    z1_ref[...] = z1 * d_ref[...]


def _tc_d(z0, p, d, b0, W1):
    grid = (N_PAD // _BLK,)
    return pl.pallas_call(
        _tc_d_body,
        grid=grid,
        in_specs=[
            pl.BlockSpec((_BLK, D), lambda i: (i, 0)),
            pl.BlockSpec((NCORES, _BLK, D), lambda i: (0, i, 0)),
            pl.BlockSpec((_BLK, 1), lambda i: (i, 0)),
            pl.BlockSpec((1, D), lambda i: (0, 0)),
            pl.BlockSpec((D, D), lambda i: (0, 0)),
        ],
        out_specs=pl.BlockSpec((_BLK, D), lambda i: (i, 0)),
        out_shape=jax.ShapeDtypeStruct((N_PAD, D), jnp.float32),
    )(z0, p, d, b0, W1)


def _tc_e_body(z_ref, p_ref, d_ref, b_ref, wc_ref, bc_ref, o_ref):
    s = p_ref[0] + p_ref[1] + z_ref[...]
    h = jnp.maximum(d_ref[...] * s + b_ref[...], 0.0)
    logits = jnp.dot(h, wc_ref[...], preferred_element_type=jnp.float32)
    logits = logits + bc_ref[...]
    m = jnp.max(logits, axis=1, keepdims=True)
    ex = jnp.exp(logits - m)
    lse = jnp.log(jnp.sum(ex, axis=1, keepdims=True)) + m
    o_ref[...] = logits - lse


def _tc_e(z1, p, d, b1, Wc_pad, bc_pad):
    grid = (N_PAD // _BLK,)
    return pl.pallas_call(
        _tc_e_body,
        grid=grid,
        in_specs=[
            pl.BlockSpec((_BLK, D), lambda i: (i, 0)),
            pl.BlockSpec((NCORES, _BLK, D), lambda i: (0, i, 0)),
            pl.BlockSpec((_BLK, 1), lambda i: (i, 0)),
            pl.BlockSpec((1, D), lambda i: (0, 0)),
            pl.BlockSpec((D, D), lambda i: (0, 0)),
            pl.BlockSpec((1, D), lambda i: (0, 0)),
        ],
        out_specs=pl.BlockSpec((_BLK, D), lambda i: (i, 0)),
        out_shape=jax.ShapeDtypeStruct((N_PAD, D), jnp.float32),
    )(z1, p, d, b1, Wc_pad, bc_pad)



def kernel(x, edge_index, W0, b0, W1, b1, Wc, bc):
    src = edge_index[0]
    dst = edge_index[1]
    pad = E_PAD - src.shape[0]
    pad_idx = N + (jnp.arange(pad, dtype=jnp.int32) % (N_PAD - N))
    src_p = jnp.concatenate([src, pad_idx])
    dst_p = jnp.concatenate([dst, pad_idx])
    src2d = src_p.reshape(NW * CPT, CH)
    dst2d = dst_p.reshape(NW * CPT, CH)
    sd4d = jnp.stack([src2d, dst2d], axis=1).reshape(NW * CPT // GRP, GRP, 2, CH)

    x_pad = jnp.zeros((N_PAD, D), jnp.float32).at[:N].set(x)
    zeros16 = jnp.zeros((N_PAD, 16), jnp.float32)
    zerosD = jnp.zeros((N_PAD, D), jnp.float32)
    b0r = b0.reshape(1, D)
    b1r = b1.reshape(1, D)
    Wc_pad = jnp.zeros((D, D), jnp.float32).at[:, :NC_OUT].set(Wc)
    bc_pad = jnp.full((1, D), -1e30, jnp.float32).at[0, :NC_OUT].set(bc)

    deg_k = _make_deg_kernel()
    scat_k = _make_scat_kernel()

    degp = deg_k(dst2d, zeros16)
    z0, d = _tc_b(x_pad, W0, degp)
    p0 = scat_k(z0, sd4d, zerosD)
    z1 = _tc_d(z0, p0, d, b0r, W1)
    p1 = scat_k(z1, sd4d, zerosD)
    full = _tc_e(z1, p1, d, b1r, Wc_pad, bc_pad)
    return full[:N, :NC_OUT]

# --- scband reference (transcript-rebuilt; emitter-appended) ---
"""Pipeline reference for scband-gcn-36481452212961 (READ-ONLY COPY).

The authoritative reference and input builder live on the scoring server;
editing this copy changes nothing except your own understanding.
"""

import jax, jax.numpy as jnp
import numpy as np

N = 10000
E = 320000
D_IN = 128
D_MID = 128
N_CLASSES = 40


def gcn_conv(x, edge_index, W, b):
    num_nodes = x.shape[0]
    src = edge_index[0]
    dst = edge_index[1]
    # add self loops (PyG GCNConv default)
    loop = jnp.arange(num_nodes, dtype=src.dtype)
    src = jnp.concatenate([src, loop])
    dst = jnp.concatenate([dst, loop])
    # symmetric normalization D^{-1/2} A_hat D^{-1/2}
    deg = jnp.zeros((num_nodes,), dtype=jnp.float32).at[dst].add(1.0)
    deg_inv_sqrt = jnp.where(deg > 0, 1.0 / jnp.sqrt(deg), 0.0)
    norm = deg_inv_sqrt[src] * deg_inv_sqrt[dst]
    xw = x @ W
    msg = xw[src] * norm[:, None]
    out = jnp.zeros((num_nodes, W.shape[1]), dtype=jnp.float32).at[dst].add(msg)
    return out + b


def setup_inputs(seed: int = 0) -> dict:
    key = jax.random.key(seed)
    ks = jax.random.split(key, 8)
    x = jax.random.normal(ks[0], (N, D_IN), dtype=jnp.float32)
    edge_index = jax.random.randint(ks[1], (2, E), 0, N, dtype=jnp.int32)
    W0 = jax.random.normal(ks[2], (D_IN, D_MID), dtype=jnp.float32) * (1.0 / np.sqrt(D_IN))
    b0 = jnp.zeros((D_MID,), dtype=jnp.float32)
    W1 = jax.random.normal(ks[3], (D_MID, D_MID), dtype=jnp.float32) * (1.0 / np.sqrt(D_MID))
    b1 = jnp.zeros((D_MID,), dtype=jnp.float32)
    Wc = jax.random.normal(ks[4], (D_MID, N_CLASSES), dtype=jnp.float32) * (1.0 / np.sqrt(D_MID))
    bc = jnp.zeros((N_CLASSES,), dtype=jnp.float32)
    return {"x": x, "edge_index": edge_index, "W0": W0, "b0": b0, "W1": W1, "b1": b1, "Wc": Wc, "bc": bc}


def reference(x, edge_index, W0, b0, W1, b1, Wc, bc):
    h = gcn_conv(x, edge_index, W0, b0)
    h = jax.nn.relu(h)
    h = gcn_conv(h, edge_index, W1, b1)
    h = jax.nn.relu(h)
    logits = h @ Wc + bc
    return jax.nn.log_softmax(logits, axis=1)

if __name__ == "__main__":
    import jax
    _d = setup_inputs()
    print(jax.jit(kernel)(*tuple(_d.values())))

</pallas_src>

<mosaic_0001>
#map = affine_map<(d0, d1) -> (0, 0)>
#map1 = affine_map<(d0, d1) -> (0, 0, 0)>
module attributes {stable_mosaic.version = 14 : i64} {
  func.func @_deg_kernel_body(%arg0: i32, %arg1: i32, %arg2: memref<2560x128xi32, #tpu.memory_space<hbm>>, %arg3: memref<10240x16xf32, #tpu.memory_space<hbm>>, %arg4: memref<2x10240x16xf32, #tpu.memory_space<hbm>>, %arg5: memref<80x128xi32, #tpu.memory_space<vmem>>, %arg6: memref<128x16xf32, #tpu.memory_space<vmem>>, %arg7: memref<10240x16xf32, #tpu.memory_space<vmem_shared>>, %arg8: memref<!tpu.dma_semaphore, #tpu.memory_space<semaphore_mem>>) attributes {dimension_semantics = [#tpu.dimension_semantics<core_parallel>, #tpu.dimension_semantics<subcore_parallel>], iteration_bounds = array<i64: 2, 16>, scalar_prefetch = 0 : i64, scratch_operands = 4 : i64, tpu.core_type = #tpu.core_type<sc_vector_subcore>, window_params = [{transform_indices = #map}, {transform_indices = #map}, {transform_indices = #map1}]} {
    %mul3A = arith.constant 16 : i32
    %mul3A_0 = arith.muli %arg0, %mul3A : i32
    %add3A = arith.addi %mul3A_0, %arg1 : i32
    %scan3A = arith.constant 0 : i32
    %scan3A_1 = arith.constant 0 : i32
    %scan3A_2 = arith.constant 128 : i32
    %scan3A_3 = arith.addi %scan3A_1, %scan3A_2 : i32
    %scan3A_4 = arith.constant 1 : i32
    scf.for %scan3A_17 = %scan3A_1 to %scan3A_3 step %scan3A_4  : i32 {
      %broadcast_in_dim3A = arith.constant 1.000000e+00 : f32
      %broadcast_in_dim3A_18 = vector.broadcast %broadcast_in_dim3A : f32 to vector<16xf32>
      %swap3A = arith.index_cast %scan3A_17 : i32 to index
      %swap3A_19 = arith.constant 0 : index
      %swap3A_20 = tpu.vector_load %arg6[%swap3A, %swap3A_19] {strides = array<i32>} : memref<128x16xf32, #tpu.memory_space<vmem>>, vector<1x16xf32>,
      %swap3A_21 = vector.shape_cast %swap3A_20 : vector<1x16xf32> to vector<16xf32>
      %swap3A_22 = vector.shape_cast %broadcast_in_dim3A_18 : vector<16xf32> to vector<1x16xf32>
      tpu.vector_store %arg6[%swap3A, %swap3A_19], %swap3A_22 {strides = array<i32>} : memref<128x16xf32, #tpu.memory_space<vmem>>, vector<1x16xf32>,
    }
    %scan3A_5 = arith.constant 128 : i32
    %mul3A_6 = arith.constant 640 : i32
    %mul3A_7 = arith.muli %arg1, %mul3A_6 : i32
    "tpu.region"() ({
      %run_scoped3A = tpu.sem_alloc : memref<!tpu.dma_semaphore, #tpu.memory_space<semaphore_mem>>
      %dma_start3A = arith.constant 0 : i32
      %dma_start3A_17 = tpu.memref_slice %arg7[%mul3A_7, %dma_start3A] : memref<10240x16xf32, #tpu.memory_space<vmem_shared>> -> memref<640x16xf32, #tpu.memory_space<vmem_shared>>
      %dma_start3A_18 = arith.constant 0 : i32
      %dma_start3A_19 = tpu.memref_slice %arg3[%mul3A_7, %dma_start3A_18] : memref<10240x16xf32, #tpu.memory_space<hbm>> -> memref<640x16xf32, #tpu.memory_space<hbm>>
      tpu.enqueue_dma source(%dma_start3A_19 : memref<640x16xf32, #tpu.memory_space<hbm>>) target(%dma_start3A_17 : memref<640x16xf32, #tpu.memory_space<vmem_shared>>) target_semaphore(%run_scoped3A : memref<!tpu.dma_semaphore, #tpu.memory_space<semaphore_mem>>)
      %dma_wait3A = arith.constant 0 : i32
      %dma_wait3A_20 = tpu.memref_slice %arg7[%mul3A_7, %dma_wait3A] : memref<10240x16xf32, #tpu.memory_space<vmem_shared>> -> memref<640x16xf32, #tpu.memory_space<vmem_shared>>
      %dma_wait3A_21 = arith.constant 0 : i32
      %dma_wait3A_22 = tpu.memref_slice %arg3[%mul3A_7, %dma_wait3A_21] : memref<10240x16xf32, #tpu.memory_space<hbm>> -> memref<640x16xf32, #tpu.memory_space<hbm>>
      tpu.wait_dma2 semaphore(%run_scoped3A : memref<!tpu.dma_semaphore, #tpu.memory_space<semaphore_mem>>) src(%dma_wait3A_22 : memref<640x16xf32, #tpu.memory_space<hbm>>) dst(%dma_wait3A_20 : memref<640x16xf32, #tpu.memory_space<vmem_shared>>)
      tpu.yield
    }) : () -> ()
    %barrier3A = arith.constant 0 : index
    tpu.barrier barrier_id(%barrier3A)
    %mul3A_8 = arith.constant 80 : i32
    %mul3A_9 = arith.muli %add3A, %mul3A_8 : i32
    "tpu.region"() ({
      %run_scoped3A = tpu.sem_alloc : memref<!tpu.dma_semaphore, #tpu.memory_space<semaphore_mem>>
      %dma_start3A = arith.constant 0 : i32
      %dma_start3A_17 = tpu.memref_slice %arg2[%mul3A_9, %dma_start3A] : memref<2560x128xi32, #tpu.memory_space<hbm>> -> memref<80x128xi32, #tpu.memory_space<hbm>>
      %dma_start3A_18 = arith.constant 0 : i32
      %dma_start3A_19 = tpu.memref_slice %arg2[%mul3A_9, %dma_start3A_18] : memref<2560x128xi32, #tpu.memory_space<hbm>> -> memref<80x128xi32, #tpu.memory_space<hbm>>
      tpu.enqueue_dma source(%dma_start3A_19 : memref<80x128xi32, #tpu.memory_space<hbm>>) target(%arg5 : memref<80x128xi32, #tpu.memory_space<vmem>>) target_semaphore(%run_scoped3A : memref<!tpu.dma_semaphore, #tpu.memory_space<semaphore_mem>>)
      %dma_wait3A = arith.constant 0 : i32
      %dma_wait3A_20 = tpu.memref_slice %arg2[%mul3A_9, %dma_wait3A] : memref<2560x128xi32, #tpu.memory_space<hbm>> -> memref<80x128xi32, #tpu.memory_space<hbm>>
      %dma_wait3A_21 = arith.constant 0 : i32
      %dma_wait3A_22 = tpu.memref_slice %arg2[%mul3A_9, %dma_wait3A_21] : memref<2560x128xi32, #tpu.memory_space<hbm>> -> memref<80x128xi32, #tpu.memory_space<hbm>>
      tpu.wait_dma2 semaphore(%run_scoped3A : memref<!tpu.dma_semaphore, #tpu.memory_space<semaphore_mem>>) src(%dma_wait3A_22 : memref<80x128xi32, #tpu.memory_space<hbm>>) dst(%arg5 : memref<80x128xi32, #tpu.memory_space<vmem>>)
      tpu.yield
    }) : () -> ()
    %scan3A_10 = arith.constant 0 : i32
    %scan3A_11 = arith.constant 0 : i32
    %scan3A_12 = arith.constant 80 : i32
    %scan3A_13 = arith.addi %scan3A_11, %scan3A_12 : i32
    %scan3A_14 = arith.constant 1 : i32
    scf.for %scan3A_17 = %scan3A_11 to %scan3A_13 step %scan3A_14  : i32 {
      "tpu.region"() ({
        %run_scoped3A = tpu.sem_alloc : memref<!tpu.dma_semaphore, #tpu.memory_space<semaphore_mem>>
        %dma_start3A = arith.constant 0 : i32
        %dma_start3A_18 = tpu.memref_slice %arg5[%scan3A_17, %dma_start3A] : memref<80x128xi32, #tpu.memory_space<vmem>> -> memref<1x128xi32, #tpu.memory_space<vmem>>
        %dma_start3A_19 = tpu.memref_squeeze %dma_start3A_18 : memref<1x128xi32, #tpu.memory_space<vmem>> -> memref<128xi32, #tpu.memory_space<vmem>>
        %dma_start3A_20 = arith.constant 0 : i32
        %dma_start3A_21 = arith.constant 0 : i32
        %dma_start3A_22 = tpu.memref_slice %arg7[%dma_start3A_20, %dma_start3A_21] : memref<10240x16xf32, #tpu.memory_space<vmem_shared>> -> memref<10240x16xf32, #tpu.memory_space<vmem_shared>>
        tpu.enqueue_indirect_dma source(%arg6 : memref<128x16xf32, #tpu.memory_space<vmem>>) target(%dma_start3A_22 : memref<10240x16xf32, #tpu.memory_space<vmem_shared>>) offsets(%dma_start3A_19 : memref<128xi32, #tpu.memory_space<vmem>>) semaphore(%run_scoped3A : memref<!tpu.dma_semaphore, #tpu.memory_space<semaphore_mem>>) {add = true}
        %dma_wait3A = arith.constant 0 : i32
        %dma_wait3A_23 = tpu.memref_slice %arg5[%scan3A_17, %dma_wait3A] : memref<80x128xi32, #tpu.memory_space<vmem>> -> memref<1x128xi32, #tpu.memory_space<vmem>>
        %dma_wait3A_24 = tpu.memref_squeeze %dma_wait3A_23 : memref<1x128xi32, #tpu.memory_space<vmem>> -> memref<128xi32, #tpu.memory_space<vmem>>
        %dma_wait3A_25 = arith.constant 0 : i32
        %dma_wait3A_26 = arith.constant 0 : i32
        %dma_wait3A_27 = tpu.memref_slice %arg7[%dma_wait3A_25, %dma_wait3A_26] : memref<10240x16xf32, #tpu.memory_space<vmem_shared>> -> memref<10240x16xf32, #tpu.memory_space<vmem_shared>>
        tpu.wait_indirect_dma semaphore(%run_scoped3A : memref<!tpu.dma_semaphore, #tpu.memory_space<semaphore_mem>>) src(%arg6 : memref<128x16xf32, #tpu.memory_space<vmem>>) dst(%dma_wait3A_27 : memref<10240x16xf32, #tpu.memory_space<vmem_shared>>)
        tpu.yield
      }) : () -> ()
    }
    %scan3A_15 = arith.constant 80 : i32
    %barrier3A_16 = arith.constant 0 : index
    tpu.barrier barrier_id(%barrier3A_16)
    "tpu.region"() ({
      %run_scoped3A = tpu.sem_alloc : memref<!tpu.dma_semaphore, #tpu.memory_space<semaphore_mem>>
      %dma_start3A = arith.constant 0 : i32
      %dma_start3A_17 = tpu.memref_slice %arg4[%arg0, %mul3A_7, %dma_start3A] : memref<2x10240x16xf32, #tpu.memory_space<hbm>> -> memref<1x640x16xf32, #tpu.memory_space<hbm>>
      %dma_start3A_18 = tpu.memref_squeeze %dma_start3A_17 : memref<1x640x16xf32, #tpu.memory_space<hbm>> -> memref<640x16xf32, #tpu.memory_space<hbm>>
      %dma_start3A_19 = arith.constant 0 : i32
      %dma_start3A_20 = tpu.memref_slice %arg7[%mul3A_7, %dma_start3A_19] : memref<10240x16xf32, #tpu.memory_space<vmem_shared>> -> memref<640x16xf32, #tpu.memory_space<vmem_shared>>
      tpu.enqueue_dma source(%dma_start3A_20 : memref<640x16xf32, #tpu.memory_space<vmem_shared>>) target(%dma_start3A_18 : memref<640x16xf32, #tpu.memory_space<hbm>>) target_semaphore(%run_scoped3A : memref<!tpu.dma_semaphore, #tpu.memory_space<semaphore_mem>>)
      %dma_wait3A = arith.constant 0 : i32
      %dma_wait3A_21 = tpu.memref_slice %arg4[%arg0, %mul3A_7, %dma_wait3A] : memref<2x10240x16xf32, #tpu.memory_space<hbm>> -> memref<1x640x16xf32, #tpu.memory_space<hbm>>
      %dma_wait3A_22 = tpu.memref_squeeze %dma_wait3A_21 : memref<1x640x16xf32, #tpu.memory_space<hbm>> -> memref<640x16xf32, #tpu.memory_space<hbm>>
      %dma_wait3A_23 = arith.constant 0 : i32
      %dma_wait3A_24 = tpu.memref_slice %arg7[%mul3A_7, %dma_wait3A_23] : memref<10240x16xf32, #tpu.memory_space<vmem_shared>> -> memref<640x16xf32, #tpu.memory_space<vmem_shared>>
      tpu.wait_dma2 semaphore(%run_scoped3A : memref<!tpu.dma_semaphore, #tpu.memory_space<semaphore_mem>>) src(%dma_wait3A_24 : memref<640x16xf32, #tpu.memory_space<vmem_shared>>) dst(%dma_wait3A_22 : memref<640x16xf32, #tpu.memory_space<hbm>>)
      tpu.yield
    }) : () -> ()
    return
  }
}

#map = affine_map<(d0, d1) -> (0, 0)>
#map1 = affine_map<(d0, d1) -> (0, 0, 0, 0)>
#map2 = affine_map<(d0, d1) -> (0, 0, 0)>
module attributes {stable_mosaic.version = 14 : i64} {
  func.func @_scat_kernel_body(%arg0: i32, %arg1: i32, %arg2: memref<10240x128xf32, #tpu.memory_space<hbm>>, %arg3: memref<320x8x2x128xi32, #tpu.memory_space<hbm>>, %arg4: memref<10240x128xf32, #tpu.memory_space<hbm>>, %arg5: memref<2x10240x128xf32, #tpu.memory_space<hbm>>, %arg6: memref<8x2x128xi32, #tpu.memory_space<vmem>>, %arg7: memref<8x2x128xi32, #tpu.memory_space<vmem>>, %arg8: memref<128x128xf32, #tpu.memory_space<vmem>>, %arg9: memref<128x128xf32, #tpu.memory_space<vmem>>, %arg10: memref<10240x128xf32, #tpu.memory_space<vmem_shared>>, %arg11: memref<!tpu.dma_semaphore, #tpu.memory_space<semaphore_mem>>, %arg12: memref<!tpu.dma_semaphore, #tpu.memory_space<semaphore_mem>>, %arg13: memref<!tpu.dma_semaphore, #tpu.memory_space<semaphore_mem>>) attributes {dimension_semantics = [#tpu.dimension_semantics<core_parallel>, #tpu.dimension_semantics<subcore_parallel>], iteration_bounds = array<i64: 2, 16>, scalar_prefetch = 0 : i64, scratch_operands = 8 : i64, tpu.core_type = #tpu.core_type<sc_vector_subcore>, window_params = [{transform_indices = #map}, {transform_indices = #map1}, {transform_indices = #map}, {transform_indices = #map2}]} {
    %mul3A = arith.constant 16 : i32
    %mul3A_0 = arith.muli %arg0, %mul3A : i32
    %add3A = arith.addi %mul3A_0, %arg1 : i32
    %mul3A_1 = arith.constant 640 : i32
    %mul3A_2 = arith.muli %arg1, %mul3A_1 : i32
    "tpu.region"() ({
      %run_scoped3A = tpu.sem_alloc : memref<!tpu.dma_semaphore, #tpu.memory_space<semaphore_mem>>
      %dma_start3A = arith.constant 0 : i32
      %dma_start3A_11 = tpu.memref_slice %arg10[%mul3A_2, %dma_start3A] : memref<10240x128xf32, #tpu.memory_space<vmem_shared>> -> memref<640x128xf32, #tpu.memory_space<vmem_shared>>
      %dma_start3A_12 = arith.constant 0 : i32
      %dma_start3A_13 = tpu.memref_slice %arg4[%mul3A_2, %dma_start3A_12] : memref<10240x128xf32, #tpu.memory_space<hbm>> -> memref<640x128xf32, #tpu.memory_space<hbm>>
      tpu.enqueue_dma source(%dma_start3A_13 : memref<640x128xf32, #tpu.memory_space<hbm>>) target(%dma_start3A_11 : memref<640x128xf32, #tpu.memory_space<vmem_shared>>) target_semaphore(%run_scoped3A : memref<!tpu.dma_semaphore, #tpu.memory_space<semaphore_mem>>)
      %dma_wait3A = arith.constant 0 : i32
      %dma_wait3A_14 = tpu.memref_slice %arg10[%mul3A_2, %dma_wait3A] : memref<10240x128xf32, #tpu.memory_space<vmem_shared>> -> memref<640x128xf32, #tpu.memory_space<vmem_shared>>
      %dma_wait3A_15 = arith.constant 0 : i32
      %dma_wait3A_16 = tpu.memref_slice %arg4[%mul3A_2, %dma_wait3A_15] : memref<10240x128xf32, #tpu.memory_space<hbm>> -> memref<640x128xf32, #tpu.memory_space<hbm>>
      tpu.wait_dma2 semaphore(%run_scoped3A : memref<!tpu.dma_semaphore, #tpu.memory_space<semaphore_mem>>) src(%dma_wait3A_16 : memref<640x128xf32, #tpu.memory_space<hbm>>) dst(%dma_wait3A_14 : memref<640x128xf32, #tpu.memory_space<vmem_shared>>)
      tpu.yield
    }) : () -> ()
    %barrier3A = arith.constant 0 : index
    tpu.barrier barrier_id(%barrier3A)
    %mul3A_3 = arith.constant 10 : i32
    %mul3A_4 = arith.muli %add3A, %mul3A_3 : i32
    %scan3A = arith.constant 0 : i32
    %scan3A_5 = arith.constant 0 : i32
    %scan3A_6 = arith.constant 5 : i32
    %scan3A_7 = arith.addi %scan3A_5, %scan3A_6 : i32
    %scan3A_8 = arith.constant 1 : i32
    scf.for %scan3A_11 = %scan3A_5 to %scan3A_7 step %scan3A_8  : i32 {
      %mul3A_12 = arith.constant 2 : i32
      %mul3A_13 = arith.muli %mul3A_12, %scan3A_11 : i32
      %add3A_14 = arith.constant 0 : i32
      %add3A_15 = arith.addi %mul3A_13, %add3A_14 : i32
      %add3A_16 = arith.addi %mul3A_4, %add3A_15 : i32
      %dma_start3A = arith.constant 0 : i32
      %dma_start3A_17 = arith.constant 0 : i32
      %dma_start3A_18 = arith.constant 0 : i32
      %dma_start3A_19 = tpu.memref_slice %arg3[%add3A_16, %dma_start3A, %dma_start3A_17, %dma_start3A_18] : memref<320x8x2x128xi32, #tpu.memory_space<hbm>> -> memref<1x8x2x128xi32, #tpu.memory_space<hbm>>
      %dma_start3A_20 = tpu.memref_squeeze %dma_start3A_19 : memref<1x8x2x128xi32, #tpu.memory_space<hbm>> -> memref<8x2x128xi32, #tpu.memory_space<hbm>>
      %dma_start3A_21 = arith.constant 0 : i32
      %dma_start3A_22 = arith.constant 0 : i32
      %dma_start3A_23 = arith.constant 0 : i32
      %dma_start3A_24 = tpu.memref_slice %arg3[%add3A_16, %dma_start3A_21, %dma_start3A_22, %dma_start3A_23] : memref<320x8x2x128xi32, #tpu.memory_space<hbm>> -> memref<1x8x2x128xi32, #tpu.memory_space<hbm>>
      %dma_start3A_25 = tpu.memref_squeeze %dma_start3A_24 : memref<1x8x2x128xi32, #tpu.memory_space<hbm>> -> memref<8x2x128xi32, #tpu.memory_space<hbm>>
      tpu.enqueue_dma source(%dma_start3A_25 : memref<8x2x128xi32, #tpu.memory_space<hbm>>) target(%arg6 : memref<8x2x128xi32, #tpu.memory_space<vmem>>) target_semaphore(%arg11 : memref<!tpu.dma_semaphore, #tpu.memory_space<semaphore_mem>>)
      %dma_wait3A = arith.constant 0 : i32
      %dma_wait3A_26 = arith.constant 0 : i32
      %dma_wait3A_27 = arith.constant 0 : i32
      %dma_wait3A_28 = tpu.memref_slice %arg3[%add3A_16, %dma_wait3A, %dma_wait3A_26, %dma_wait3A_27] : memref<320x8x2x128xi32, #tpu.memory_space<hbm>> -> memref<1x8x2x128xi32, #tpu.memory_space<hbm>>
      %dma_wait3A_29 = tpu.memref_squeeze %dma_wait3A_28 : memref<1x8x2x128xi32, #tpu.memory_space<hbm>> -> memref<8x2x128xi32, #tpu.memory_space<hbm>>
      %dma_wait3A_30 = arith.constant 0 : i32
      %dma_wait3A_31 = arith.constant 0 : i32
      %dma_wait3A_32 = arith.constant 0 : i32
      %dma_wait3A_33 = tpu.memref_slice %arg3[%add3A_16, %dma_wait3A_30, %dma_wait3A_31, %dma_wait3A_32] : memref<320x8x2x128xi32, #tpu.memory_space<hbm>> -> memref<1x8x2x128xi32, #tpu.memory_space<hbm>>
      %dma_wait3A_34 = tpu.memref_squeeze %dma_wait3A_33 : memref<1x8x2x128xi32, #tpu.memory_space<hbm>> -> memref<8x2x128xi32, #tpu.memory_space<hbm>>
      tpu.wait_dma2 semaphore(%arg11 : memref<!tpu.dma_semaphore, #tpu.memory_space<semaphore_mem>>) src(%dma_wait3A_34 : memref<8x2x128xi32, #tpu.memory_space<hbm>>) dst(%arg6 : memref<8x2x128xi32, #tpu.memory_space<vmem>>)
      %dma_start3A_35 = arith.constant 0 : i32
      %dma_start3A_36 = arith.constant 0 : i32
      %dma_start3A_37 = arith.constant 0 : i32
      %dma_start3A_38 = tpu.memref_slice %arg6[%dma_start3A_35, %dma_start3A_36, %dma_start3A_37] : memref<8x2x128xi32, #tpu.memory_space<vmem>> -> memref<1x1x128xi32, #tpu.memory_space<vmem>>
      %dma_start3A_39 = tpu.memref_squeeze %dma_start3A_38 : memref<1x1x128xi32, #tpu.memory_space<vmem>> -> memref<128xi32, #tpu.memory_space<vmem>>
      %dma_start3A_40 = arith.constant 0 : i32
      %dma_start3A_41 = arith.constant 0 : i32
      %dma_start3A_42 = tpu.memref_slice %arg2[%dma_start3A_40, %dma_start3A_41] : memref<10240x128xf32, #tpu.memory_space<hbm>> -> memref<10240x128xf32, #tpu.memory_space<hbm>>
      tpu.enqueue_indirect_dma source(%dma_start3A_42 : memref<10240x128xf32, #tpu.memory_space<hbm>>) target(%arg8 : memref<128x128xf32, #tpu.memory_space<vmem>>) offsets(%dma_start3A_39 : memref<128xi32, #tpu.memory_space<vmem>>) semaphore(%arg12 : memref<!tpu.dma_semaphore, #tpu.memory_space<semaphore_mem>>)
      %dma_wait3A_43 = arith.constant 0 : i32
      %dma_wait3A_44 = arith.constant 0 : i32
      %dma_wait3A_45 = arith.constant 0 : i32
      %dma_wait3A_46 = tpu.memref_slice %arg6[%dma_wait3A_43, %dma_wait3A_44, %dma_wait3A_45] : memref<8x2x128xi32, #tpu.memory_space<vmem>> -> memref<1x1x128xi32, #tpu.memory_space<vmem>>
      %dma_wait3A_47 = tpu.memref_squeeze %dma_wait3A_46 : memref<1x1x128xi32, #tpu.memory_space<vmem>> -> memref<128xi32, #tpu.memory_space<vmem>>
      %dma_wait3A_48 = arith.constant 0 : i32
      %dma_wait3A_49 = arith.constant 0 : i32
      %dma_wait3A_50 = tpu.memref_slice %arg2[%dma_wait3A_48, %dma_wait3A_49] : memref<10240x128xf32, #tpu.memory_space<hbm>> -> memref<10240x128xf32, #tpu.memory_space<hbm>>
      tpu.wait_indirect_dma semaphore(%arg12 : memref<!tpu.dma_semaphore, #tpu.memory_space<semaphore_mem>>) src(%dma_wait3A_50 : memref<10240x128xf32, #tpu.memory_space<hbm>>) dst(%arg8 : memref<128x128xf32, #tpu.memory_space<vmem>>)
      %run_scoped3A = arith.constant 0 : i32
      %run_scoped3A_51 = arith.constant 1 : i32
      "tpu.region"() ({
        %run_scoped3A_347 = tpu.sem_alloc : memref<!tpu.dma_semaphore, #tpu.memory_space<semaphore_mem>>
        %dma_start3A_348 = arith.constant 0 : i32
        %dma_start3A_349 = tpu.memref_slice %arg6[%run_scoped3A, %run_scoped3A_51, %dma_start3A_348] : memref<8x2x128xi32, #tpu.memory_space<vmem>> -> memref<1x1x128xi32, #tpu.memory_space<vmem>>
        %dma_start3A_350 = tpu.memref_squeeze %dma_start3A_349 : memref<1x1x128xi32, #tpu.memory_space<vmem>> -> memref<128xi32, #tpu.memory_space<vmem>>
        %dma_start3A_351 = arith.constant 0 : i32
        %dma_start3A_352 = arith.constant 0 : i32
        %dma_start3A_353 = tpu.memref_slice %arg10[%dma_start3A_351, %dma_start3A_352] : memref<10240x128xf32, #tpu.memory_space<vmem_shared>> -> memref<10240x128xf32, #tpu.memory_space<vmem_shared>>
        tpu.enqueue_indirect_dma source(%arg8 : memref<128x128xf32, #tpu.memory_space<vmem>>) target(%dma_start3A_353 : memref<10240x128xf32, #tpu.memory_space<vmem_shared>>) offsets(%dma_start3A_350 : memref<128xi32, #tpu.memory_space<vmem>>) semaphore(%run_scoped3A_347 : memref<!tpu.dma_semaphore, #tpu.memory_space<semaphore_mem>>) {add = true}
        %dma_wait3A_354 = arith.constant 0 : i32
        %dma_wait3A_355 = tpu.memref_slice %arg6[%run_scoped3A, %run_scoped3A_51, %dma_wait3A_354] : memref<8x2x128xi32, #tpu.memory_space<vmem>> -> memref<1x1x128xi32, #tpu.memory_space<vmem>>
        %dma_wait3A_356 = tpu.memref_squeeze %dma_wait3A_355 : memref<1x1x128xi32, #tpu.memory_space<vmem>> -> memref<128xi32, #tpu.memory_space<vmem>>
        %dma_wait3A_357 = arith.constant 0 : i32
        %dma_wait3A_358 = arith.constant 0 : i32
        %dma_wait3A_359 = tpu.memref_slice %arg10[%dma_wait3A_357, %dma_wait3A_358] : memref<10240x128xf32, #tpu.memory_space<vmem_shared>> -> memref<10240x128xf32, #tpu.memory_space<vmem_shared>>
        tpu.wait_indirect_dma semaphore(%run_scoped3A_347 : memref<!tpu.dma_semaphore, #tpu.memory_space<semaphore_mem>>) src(%arg8 : memref<128x128xf32, #tpu.memory_space<vmem>>) dst(%dma_wait3A_359 : memref<10240x128xf32, #tpu.memory_space<vmem_shared>>)
        tpu.yield
      }) : () -> ()
      %dma_start3A_52 = arith.constant 1 : i32
      %dma_start3A_53 = arith.constant 0 : i32
      %dma_start3A_54 = arith.constant 0 : i32
      %dma_start3A_55 = tpu.memref_slice %arg6[%dma_start3A_52, %dma_start3A_53, %dma_start3A_54] : memref<8x2x128xi32, #tpu.memory_space<vmem>> -> memref<1x1x128xi32, #tpu.memory_space<vmem>>
      %dma_start3A_56 = tpu.memref_squeeze %dma_start3A_55 : memref<1x1x128xi32, #tpu.memory_space<vmem>> -> memref<128xi32, #tpu.memory_space<vmem>>
      %dma_start3A_57 = arith.constant 0 : i32
      %dma_start3A_58 = arith.constant 0 : i32
      %dma_start3A_59 = tpu.memref_slice %arg2[%dma_start3A_57, %dma_start3A_58] : memref<10240x128xf32, #tpu.memory_space<hbm>> -> memref<10240x128xf32, #tpu.memory_space<hbm>>
      tpu.enqueue_indirect_dma source(%dma_start3A_59 : memref<10240x128xf32, #tpu.memory_space<hbm>>) target(%arg8 : memref<128x128xf32, #tpu.memory_space<vmem>>) offsets(%dma_start3A_56 : memref<128xi32, #tpu.memory_space<vmem>>) semaphore(%arg12 : memref<!tpu.dma_semaphore, #tpu.memory_space<semaphore_mem>>)
      %dma_wait3A_60 = arith.constant 1 : i32
      %dma_wait3A_61 = arith.constant 0 : i32
      %dma_wait3A_62 = arith.constant 0 : i32
      %dma_wait3A_63 = tpu.memref_slice %arg6[%dma_wait3A_60, %dma_wait3A_61, %dma_wait3A_62] : memref<8x2x128xi32, #tpu.memory_space<vmem>> -> memref<1x1x128xi32, #tpu.memory_space<vmem>>
      %dma_wait3A_64 = tpu.memref_squeeze %dma_wait3A_63 : memref<1x1x128xi32, #tpu.memory_space<vmem>> -> memref<128xi32, #tpu.memory_space<vmem>>
      %dma_wait3A_65 = arith.constant 0 : i32
      %dma_wait3A_66 = arith.constant 0 : i32
      %dma_wait3A_67 = tpu.memref_slice %arg2[%dma_wait3A_65, %dma_wait3A_66] : memref<10240x128xf32, #tpu.memory_space<hbm>> -> memref<10240x128xf32, #tpu.memory_space<hbm>>
      tpu.wait_indirect_dma semaphore(%arg12 : memref<!tpu.dma_semaphore, #tpu.memory_space<semaphore_mem>>) src(%dma_wait3A_67 : memref<10240x128xf32, #tpu.memory_space<hbm>>) dst(%arg8 : memref<128x128xf32, #tpu.memory_space<vmem>>)
      %run_scoped3A_68 = arith.constant 1 : i32
      %run_scoped3A_69 = arith.constant 1 : i32
      "tpu.region"() ({
        %run_scoped3A_347 = tpu.sem_alloc : memref<!tpu.dma_semaphore, #tpu.memory_space<semaphore_mem>>
        %dma_start3A_348 = arith.constant 0 : i32
        %dma_start3A_349 = tpu.memref_slice %arg6[%run_scoped3A_68, %run_scoped3A_69, %dma_start3A_348] : memref<8x2x128xi32, #tpu.memory_space<vmem>> -> memref<1x1x128xi32, #tpu.memory_space<vmem>>
        %dma_start3A_350 = tpu.memref_squeeze %dma_start3A_349 : memref<1x1x128xi32, #tpu.memory_space<vmem>> -> memref<128xi32, #tpu.memory_space<vmem>>
        %dma_start3A_351 = arith.constant 0 : i32
        %dma_start3A_352 = arith.constant 0 : i32
        %dma_start3A_353 = tpu.memref_slice %arg10[%dma_start3A_351, %dma_start3A_352] : memref<10240x128xf32, #tpu.memory_space<vmem_shared>> -> memref<10240x128xf32, #tpu.memory_space<vmem_shared>>
        tpu.enqueue_indirect_dma source(%arg8 : memref<128x128xf32, #tpu.memory_space<vmem>>) target(%dma_start3A_353 : memref<10240x128xf32, #tpu.memory_space<vmem_shared>>) offsets(%dma_start3A_350 : memref<128xi32, #tpu.memory_space<vmem>>) semaphore(%run_scoped3A_347 : memref<!tpu.dma_semaphore, #tpu.memory_space<semaphore_mem>>) {add = true}
        %dma_wait3A_354 = arith.constant 0 : i32
        %dma_wait3A_355 = tpu.memref_slice %arg6[%run_scoped3A_68, %run_scoped3A_69, %dma_wait3A_354] : memref<8x2x128xi32, #tpu.memory_space<vmem>> -> memref<1x1x128xi32, #tpu.memory_space<vmem>>
        %dma_wait3A_356 = tpu.memref_squeeze %dma_wait3A_355 : memref<1x1x128xi32, #tpu.memory_space<vmem>> -> memref<128xi32, #tpu.memory_space<vmem>>
        %dma_wait3A_357 = arith.constant 0 : i32
        %dma_wait3A_358 = arith.constant 0 : i32
        %dma_wait3A_359 = tpu.memref_slice %arg10[%dma_wait3A_357, %dma_wait3A_358] : memref<10240x128xf32, #tpu.memory_space<vmem_shared>> -> memref<10240x128xf32, #tpu.memory_space<vmem_shared>>
        tpu.wait_indirect_dma semaphore(%run_scoped3A_347 : memref<!tpu.dma_semaphore, #tpu.memory_space<semaphore_mem>>) src(%arg8 : memref<128x128xf32, #tpu.memory_space<vmem>>) dst(%dma_wait3A_359 : memref<10240x128xf32, #tpu.memory_space<vmem_shared>>)
        tpu.yield
      }) : () -> ()
      %dma_start3A_70 = arith.constant 2 : i32
      %dma_start3A_71 = arith.constant 0 : i32
      %dma_start3A_72 = arith.constant 0 : i32
      %dma_start3A_73 = tpu.memref_slice %arg6[%dma_start3A_70, %dma_start3A_71, %dma_start3A_72] : memref<8x2x128xi32, #tpu.memory_space<vmem>> -> memref<1x1x128xi32, #tpu.memory_space<vmem>>
      %dma_start3A_74 = tpu.memref_squeeze %dma_start3A_73 : memref<1x1x128xi32, #tpu.memory_space<vmem>> -> memref<128xi32, #tpu.memory_space<vmem>>
      %dma_start3A_75 = arith.constant 0 : i32
      %dma_start3A_76 = arith.constant 0 : i32
      %dma_start3A_77 = tpu.memref_slice %arg2[%dma_start3A_75, %dma_start3A_76] : memref<10240x128xf32, #tpu.memory_space<hbm>> -> memref<10240x128xf32, #tpu.memory_space<hbm>>
      tpu.enqueue_indirect_dma source(%dma_start3A_77 : memref<10240x128xf32, #tpu.memory_space<hbm>>) target(%arg8 : memref<128x128xf32, #tpu.memory_space<vmem>>) offsets(%dma_start3A_74 : memref<128xi32, #tpu.memory_space<vmem>>) semaphore(%arg12 : memref<!tpu.dma_semaphore, #tpu.memory_space<semaphore_mem>>)
      %dma_wait3A_78 = arith.constant 2 : i32
      %dma_wait3A_79 = arith.constant 0 : i32
      %dma_wait3A_80 = arith.constant 0 : i32
      %dma_wait3A_81 = tpu.memref_slice %arg6[%dma_wait3A_78, %dma_wait3A_79, %dma_wait3A_80] : memref<8x2x128xi32, #tpu.memory_space<vmem>> -> memref<1x1x128xi32, #tpu.memory_space<vmem>>
      %dma_wait3A_82 = tpu.memref_squeeze %dma_wait3A_81 : memref<1x1x128xi32, #tpu.memory_space<vmem>> -> memref<128xi32, #tpu.memory_space<vmem>>
      %dma_wait3A_83 = arith.constant 0 : i32
      %dma_wait3A_84 = arith.constant 0 : i32
      %dma_wait3A_85 = tpu.memref_slice %arg2[%dma_wait3A_83, %dma_wait3A_84] : memref<10240x128xf32, #tpu.memory_space<hbm>> -> memref<10240x128xf32, #tpu.memory_space<hbm>>
      tpu.wait_indirect_dma semaphore(%arg12 : memref<!tpu.dma_semaphore, #tpu.memory_space<semaphore_mem>>) src(%dma_wait3A_85 : memref<10240x128xf32, #tpu.memory_space<hbm>>) dst(%arg8 : memref<128x128xf32, #tpu.memory_space<vmem>>)
      %run_scoped3A_86 = arith.constant 2 : i32
      %run_scoped3A_87 = arith.constant 1 : i32
      "tpu.region"() ({
        %run_scoped3A_347 = tpu.sem_alloc : memref<!tpu.dma_semaphore, #tpu.memory_space<semaphore_mem>>
        %dma_start3A_348 = arith.constant 0 : i32
        %dma_start3A_349 = tpu.memref_slice %arg6[%run_scoped3A_86, %run_scoped3A_87, %dma_start3A_348] : memref<8x2x128xi32, #tpu.memory_space<vmem>> -> memref<1x1x128xi32, #tpu.memory_space<vmem>>
        %dma_start3A_350 = tpu.memref_squeeze %dma_start3A_349 : memref<1x1x128xi32, #tpu.memory_space<vmem>> -> memref<128xi32, #tpu.memory_space<vmem>>
        %dma_start3A_351 = arith.constant 0 : i32
        %dma_start3A_352 = arith.constant 0 : i32
        %dma_start3A_353 = tpu.memref_slice %arg10[%dma_start3A_351, %dma_start3A_352] : memref<10240x128xf32, #tpu.memory_space<vmem_shared>> -> memref<10240x128xf32, #tpu.memory_space<vmem_shared>>
        tpu.enqueue_indirect_dma source(%arg8 : memref<128x128xf32, #tpu.memory_space<vmem>>) target(%dma_start3A_353 : memref<10240x128xf32, #tpu.memory_space<vmem_shared>>) offsets(%dma_start3A_350 : memref<128xi32, #tpu.memory_space<vmem>>) semaphore(%run_scoped3A_347 : memref<!tpu.dma_semaphore, #tpu.memory_space<semaphore_mem>>) {add = true}
        %dma_wait3A_354 = arith.constant 0 : i32
        %dma_wait3A_355 = tpu.memref_slice %arg6[%run_scoped3A_86, %run_scoped3A_87, %dma_wait3A_354] : memref<8x2x128xi32, #tpu.memory_space<vmem>> -> memref<1x1x128xi32, #tpu.memory_space<vmem>>
        %dma_wait3A_356 = tpu.memref_squeeze %dma_wait3A_355 : memref<1x1x128xi32, #tpu.memory_space<vmem>> -> memref<128xi32, #tpu.memory_space<vmem>>
        %dma_wait3A_357 = arith.constant 0 : i32
        %dma_wait3A_358 = arith.constant 0 : i32
        %dma_wait3A_359 = tpu.memref_slice %arg10[%dma_wait3A_357, %dma_wait3A_358] : memref<10240x128xf32, #tpu.memory_space<vmem_shared>> -> memref<10240x128xf32, #tpu.memory_space<vmem_shared>>
        tpu.wait_indirect_dma semaphore(%run_scoped3A_347 : memref<!tpu.dma_semaphore, #tpu.memory_space<semaphore_mem>>) src(%arg8 : memref<128x128xf32, #tpu.memory_space<vmem>>) dst(%dma_wait3A_359 : memref<10240x128xf32, #tpu.memory_space<vmem_shared>>)
        tpu.yield
      }) : () -> ()
      %dma_start3A_88 = arith.constant 3 : i32
      %dma_start3A_89 = arith.constant 0 : i32
      %dma_start3A_90 = arith.constant 0 : i32
      %dma_start3A_91 = tpu.memref_slice %arg6[%dma_start3A_88, %dma_start3A_89, %dma_start3A_90] : memref<8x2x128xi32, #tpu.memory_space<vmem>> -> memref<1x1x128xi32, #tpu.memory_space<vmem>>
      %dma_start3A_92 = tpu.memref_squeeze %dma_start3A_91 : memref<1x1x128xi32, #tpu.memory_space<vmem>> -> memref<128xi32, #tpu.memory_space<vmem>>
      %dma_start3A_93 = arith.constant 0 : i32
      %dma_start3A_94 = arith.constant 0 : i32
      %dma_start3A_95 = tpu.memref_slice %arg2[%dma_start3A_93, %dma_start3A_94] : memref<10240x128xf32, #tpu.memory_space<hbm>> -> memref<10240x128xf32, #tpu.memory_space<hbm>>
      tpu.enqueue_indirect_dma source(%dma_start3A_95 : memref<10240x128xf32, #tpu.memory_space<hbm>>) target(%arg8 : memref<128x128xf32, #tpu.memory_space<vmem>>) offsets(%dma_start3A_92 : memref<128xi32, #tpu.memory_space<vmem>>) semaphore(%arg12 : memref<!tpu.dma_semaphore, #tpu.memory_space<semaphore_mem>>)
      %dma_wait3A_96 = arith.constant 3 : i32
      %dma_wait3A_97 = arith.constant 0 : i32
      %dma_wait3A_98 = arith.constant 0 : i32
      %dma_wait3A_99 = tpu.memref_slice %arg6[%dma_wait3A_96, %dma_wait3A_97, %dma_wait3A_98] : memref<8x2x128xi32, #tpu.memory_space<vmem>> -> memref<1x1x128xi32, #tpu.memory_space<vmem>>
      %dma_wait3A_100 = tpu.memref_squeeze %dma_wait3A_99 : memref<1x1x128xi32, #tpu.memory_space<vmem>> -> memref<128xi32, #tpu.memory_space<vmem>>
      %dma_wait3A_101 = arith.constant 0 : i32
      %dma_wait3A_102 = arith.constant 0 : i32
      %dma_wait3A_103 = tpu.memref_slice %arg2[%dma_wait3A_101, %dma_wait3A_102] : memref<10240x128xf32, #tpu.memory_space<hbm>> -> memref<10240x128xf32, #tpu.memory_space<hbm>>
      tpu.wait_indirect_dma semaphore(%arg12 : memref<!tpu.dma_semaphore, #tpu.memory_space<semaphore_mem>>) src(%dma_wait3A_103 : memref<10240x128xf32, #tpu.memory_space<hbm>>) dst(%arg8 : memref<128x128xf32, #tpu.memory_space<vmem>>)
      %run_scoped3A_104 = arith.constant 3 : i32
      %run_scoped3A_105 = arith.constant 1 : i32
      "tpu.region"() ({
        %run_scoped3A_347 = tpu.sem_alloc : memref<!tpu.dma_semaphore, #tpu.memory_space<semaphore_mem>>
        %dma_start3A_348 = arith.constant 0 : i32
        %dma_start3A_349 = tpu.memref_slice %arg6[%run_scoped3A_104, %run_scoped3A_105, %dma_start3A_348] : memref<8x2x128xi32, #tpu.memory_space<vmem>> -> memref<1x1x128xi32, #tpu.memory_space<vmem>>
        %dma_start3A_350 = tpu.memref_squeeze %dma_start3A_349 : memref<1x1x128xi32, #tpu.memory_space<vmem>> -> memref<128xi32, #tpu.memory_space<vmem>>
        %dma_start3A_351 = arith.constant 0 : i32
        %dma_start3A_352 = arith.constant 0 : i32
        %dma_start3A_353 = tpu.memref_slice %arg10[%dma_start3A_351, %dma_start3A_352] : memref<10240x128xf32, #tpu.memory_space<vmem_shared>> -> memref<10240x128xf32, #tpu.memory_space<vmem_shared>>
        tpu.enqueue_indirect_dma source(%arg8 : memref<128x128xf32, #tpu.memory_space<vmem>>) target(%dma_start3A_353 : memref<10240x128xf32, #tpu.memory_space<vmem_shared>>) offsets(%dma_start3A_350 : memref<128xi32, #tpu.memory_space<vmem>>) semaphore(%run_scoped3A_347 : memref<!tpu.dma_semaphore, #tpu.memory_space<semaphore_mem>>) {add = true}
        %dma_wait3A_354 = arith.constant 0 : i32
        %dma_wait3A_355 = tpu.memref_slice %arg6[%run_scoped3A_104, %run_scoped3A_105, %dma_wait3A_354] : memref<8x2x128xi32, #tpu.memory_space<vmem>> -> memref<1x1x128xi32, #tpu.memory_space<vmem>>
        %dma_wait3A_356 = tpu.memref_squeeze %dma_wait3A_355 : memref<1x1x128xi32, #tpu.memory_space<vmem>> -> memref<128xi32, #tpu.memory_space<vmem>>
        %dma_wait3A_357 = arith.constant 0 : i32
        %dma_wait3A_358 = arith.constant 0 : i32
        %dma_wait3A_359 = tpu.memref_slice %arg10[%dma_wait3A_357, %dma_wait3A_358] : memref<10240x128xf32, #tpu.memory_space<vmem_shared>> -> memref<10240x128xf32, #tpu.memory_space<vmem_shared>>
        tpu.wait_indirect_dma semaphore(%run_scoped3A_347 : memref<!tpu.dma_semaphore, #tpu.memory_space<semaphore_mem>>) src(%arg8 : memref<128x128xf32, #tpu.memory_space<vmem>>) dst(%dma_wait3A_359 : memref<10240x128xf32, #tpu.memory_space<vmem_shared>>)
        tpu.yield
      }) : () -> ()
      %dma_start3A_106 = arith.constant 4 : i32
      %dma_start3A_107 = arith.constant 0 : i32
      %dma_start3A_108 = arith.constant 0 : i32
      %dma_start3A_109 = tpu.memref_slice %arg6[%dma_start3A_106, %dma_start3A_107, %dma_start3A_108] : memref<8x2x128xi32, #tpu.memory_space<vmem>> -> memref<1x1x128xi32, #tpu.memory_space<vmem>>
      %dma_start3A_110 = tpu.memref_squeeze %dma_start3A_109 : memref<1x1x128xi32, #tpu.memory_space<vmem>> -> memref<128xi32, #tpu.memory_space<vmem>>
      %dma_start3A_111 = arith.constant 0 : i32
      %dma_start3A_112 = arith.constant 0 : i32
      %dma_start3A_113 = tpu.memref_slice %arg2[%dma_start3A_111, %dma_start3A_112] : memref<10240x128xf32, #tpu.memory_space<hbm>> -> memref<10240x128xf32, #tpu.memory_space<hbm>>
      tpu.enqueue_indirect_dma source(%dma_start3A_113 : memref<10240x128xf32, #tpu.memory_space<hbm>>) target(%arg8 : memref<128x128xf32, #tpu.memory_space<vmem>>) offsets(%dma_start3A_110 : memref<128xi32, #tpu.memory_space<vmem>>) semaphore(%arg12 : memref<!tpu.dma_semaphore, #tpu.memory_space<semaphore_mem>>)
      %dma_wait3A_114 = arith.constant 4 : i32
      %dma_wait3A_115 = arith.constant 0 : i32
      %dma_wait3A_116 = arith.constant 0 : i32
      %dma_wait3A_117 = tpu.memref_slice %arg6[%dma_wait3A_114, %dma_wait3A_115, %dma_wait3A_116] : memref<8x2x128xi32, #tpu.memory_space<vmem>> -> memref<1x1x128xi32, #tpu.memory_space<vmem>>
      %dma_wait3A_118 = tpu.memref_squeeze %dma_wait3A_117 : memref<1x1x128xi32, #tpu.memory_space<vmem>> -> memref<128xi32, #tpu.memory_space<vmem>>
      %dma_wait3A_119 = arith.constant 0 : i32
      %dma_wait3A_120 = arith.constant 0 : i32
      %dma_wait3A_121 = tpu.memref_slice %arg2[%dma_wait3A_119, %dma_wait3A_120] : memref<10240x128xf32, #tpu.memory_space<hbm>> -> memref<10240x128xf32, #tpu.memory_space<hbm>>
      tpu.wait_indirect_dma semaphore(%arg12 : memref<!tpu.dma_semaphore, #tpu.memory_space<semaphore_mem>>) src(%dma_wait3A_121 : memref<10240x128xf32, #tpu.memory_space<hbm>>) dst(%arg8 : memref<128x128xf32, #tpu.memory_space<vmem>>)
      %run_scoped3A_122 = arith.constant 4 : i32
      %run_scoped3A_123 = arith.constant 1 : i32
      "tpu.region"() ({
        %run_scoped3A_347 = tpu.sem_alloc : memref<!tpu.dma_semaphore, #tpu.memory_space<semaphore_mem>>
        %dma_start3A_348 = arith.constant 0 : i32
        %dma_start3A_349 = tpu.memref_slice %arg6[%run_scoped3A_122, %run_scoped3A_123, %dma_start3A_348] : memref<8x2x128xi32, #tpu.memory_space<vmem>> -> memref<1x1x128xi32, #tpu.memory_space<vmem>>
        %dma_start3A_350 = tpu.memref_squeeze %dma_start3A_349 : memref<1x1x128xi32, #tpu.memory_space<vmem>> -> memref<128xi32, #tpu.memory_space<vmem>>
        %dma_start3A_351 = arith.constant 0 : i32
        %dma_start3A_352 = arith.constant 0 : i32
        %dma_start3A_353 = tpu.memref_slice %arg10[%dma_start3A_351, %dma_start3A_352] : memref<10240x128xf32, #tpu.memory_space<vmem_shared>> -> memref<10240x128xf32, #tpu.memory_space<vmem_shared>>
        tpu.enqueue_indirect_dma source(%arg8 : memref<128x128xf32, #tpu.memory_space<vmem>>) target(%dma_start3A_353 : memref<10240x128xf32, #tpu.memory_space<vmem_shared>>) offsets(%dma_start3A_350 : memref<128xi32, #tpu.memory_space<vmem>>) semaphore(%run_scoped3A_347 : memref<!tpu.dma_semaphore, #tpu.memory_space<semaphore_mem>>) {add = true}
        %dma_wait3A_354 = arith.constant 0 : i32
        %dma_wait3A_355 = tpu.memref_slice %arg6[%run_scoped3A_122, %run_scoped3A_123, %dma_wait3A_354] : memref<8x2x128xi32, #tpu.memory_space<vmem>> -> memref<1x1x128xi32, #tpu.memory_space<vmem>>
        %dma_wait3A_356 = tpu.memref_squeeze %dma_wait3A_355 : memref<1x1x128xi32, #tpu.memory_space<vmem>> -> memref<128xi32, #tpu.memory_space<vmem>>
        %dma_wait3A_357 = arith.constant 0 : i32
        %dma_wait3A_358 = arith.constant 0 : i32
        %dma_wait3A_359 = tpu.memref_slice %arg10[%dma_wait3A_357, %dma_wait3A_358] : memref<10240x128xf32, #tpu.memory_space<vmem_shared>> -> memref<10240x128xf32, #tpu.memory_space<vmem_shared>>
        tpu.wait_indirect_dma semaphore(%run_scoped3A_347 : memref<!tpu.dma_semaphore, #tpu.memory_space<semaphore_mem>>) src(%arg8 : memref<128x128xf32, #tpu.memory_space<vmem>>) dst(%dma_wait3A_359 : memref<10240x128xf32, #tpu.memory_space<vmem_shared>>)
        tpu.yield
      }) : () -> ()
      %dma_start3A_124 = arith.constant 5 : i32
      %dma_start3A_125 = arith.constant 0 : i32
      %dma_start3A_126 = arith.constant 0 : i32
      %dma_start3A_127 = tpu.memref_slice %arg6[%dma_start3A_124, %dma_start3A_125, %dma_start3A_126] : memref<8x2x128xi32, #tpu.memory_space<vmem>> -> memref<1x1x128xi32, #tpu.memory_space<vmem>>
      %dma_start3A_128 = tpu.memref_squeeze %dma_start3A_127 : memref<1x1x128xi32, #tpu.memory_space<vmem>> -> memref<128xi32, #tpu.memory_space<vmem>>
      %dma_start3A_129 = arith.constant 0 : i32
      %dma_start3A_130 = arith.constant 0 : i32
      %dma_start3A_131 = tpu.memref_slice %arg2[%dma_start3A_129, %dma_start3A_130] : memref<10240x128xf32, #tpu.memory_space<hbm>> -> memref<10240x128xf32, #tpu.memory_space<hbm>>
      tpu.enqueue_indirect_dma source(%dma_start3A_131 : memref<10240x128xf32, #tpu.memory_space<hbm>>) target(%arg8 : memref<128x128xf32, #tpu.memory_space<vmem>>) offsets(%dma_start3A_128 : memref<128xi32, #tpu.memory_space<vmem>>) semaphore(%arg12 : memref<!tpu.dma_semaphore, #tpu.memory_space<semaphore_mem>>)
      %dma_wait3A_132 = arith.constant 5 : i32
      %dma_wait3A_133 = arith.constant 0 : i32
      %dma_wait3A_134 = arith.constant 0 : i32
      %dma_wait3A_135 = tpu.memref_slice %arg6[%dma_wait3A_132, %dma_wait3A_133, %dma_wait3A_134] : memref<8x2x128xi32, #tpu.memory_space<vmem>> -> memref<1x1x128xi32, #tpu.memory_space<vmem>>
      %dma_wait3A_136 = tpu.memref_squeeze %dma_wait3A_135 : memref<1x1x128xi32, #tpu.memory_space<vmem>> -> memref<128xi32, #tpu.memory_space<vmem>>
      %dma_wait3A_137 = arith.constant 0 : i32
      %dma_wait3A_138 = arith.constant 0 : i32
      %dma_wait3A_139 = tpu.memref_slice %arg2[%dma_wait3A_137, %dma_wait3A_138] : memref<10240x128xf32, #tpu.memory_space<hbm>> -> memref<10240x128xf32, #tpu.memory_space<hbm>>
      tpu.wait_indirect_dma semaphore(%arg12 : memref<!tpu.dma_semaphore, #tpu.memory_space<semaphore_mem>>) src(%dma_wait3A_139 : memref<10240x128xf32, #tpu.memory_space<hbm>>) dst(%arg8 : memref<128x128xf32, #tpu.memory_space<vmem>>)
      %run_scoped3A_140 = arith.constant 5 : i32
      %run_scoped3A_141 = arith.constant 1 : i32
      "tpu.region"() ({
        %run_scoped3A_347 = tpu.sem_alloc : memref<!tpu.dma_semaphore, #tpu.memory_space<semaphore_mem>>
        %dma_start3A_348 = arith.constant 0 : i32
        %dma_start3A_349 = tpu.memref_slice %arg6[%run_scoped3A_140, %run_scoped3A_141, %dma_start3A_348] : memref<8x2x128xi32, #tpu.memory_space<vmem>> -> memref<1x1x128xi32, #tpu.memory_space<vmem>>
        %dma_start3A_350 = tpu.memref_squeeze %dma_start3A_349 : memref<1x1x128xi32, #tpu.memory_space<vmem>> -> memref<128xi32, #tpu.memory_space<vmem>>
        %dma_start3A_351 = arith.constant 0 : i32
        %dma_start3A_352 = arith.constant 0 : i32
        %dma_start3A_353 = tpu.memref_slice %arg10[%dma_start3A_351, %dma_start3A_352] : memref<10240x128xf32, #tpu.memory_space<vmem_shared>> -> memref<10240x128xf32, #tpu.memory_space<vmem_shared>>
        tpu.enqueue_indirect_dma source(%arg8 : memref<128x128xf32, #tpu.memory_space<vmem>>) target(%dma_start3A_353 : memref<10240x128xf32, #tpu.memory_space<vmem_shared>>) offsets(%dma_start3A_350 : memref<128xi32, #tpu.memory_space<vmem>>) semaphore(%run_scoped3A_347 : memref<!tpu.dma_semaphore, #tpu.memory_space<semaphore_mem>>) {add = true}
        %dma_wait3A_354 = arith.constant 0 : i32
        %dma_wait3A_355 = tpu.memref_slice %arg6[%run_scoped3A_140, %run_scoped3A_141, %dma_wait3A_354] : memref<8x2x128xi32, #tpu.memory_space<vmem>> -> memref<1x1x128xi32, #tpu.memory_space<vmem>>
        %dma_wait3A_356 = tpu.memref_squeeze %dma_wait3A_355 : memref<1x1x128xi32, #tpu.memory_space<vmem>> -> memref<128xi32, #tpu.memory_space<vmem>>
        %dma_wait3A_357 = arith.constant 0 : i32
        %dma_wait3A_358 = arith.constant 0 : i32
        %dma_wait3A_359 = tpu.memref_slice %arg10[%dma_wait3A_357, %dma_wait3A_358] : memref<10240x128xf32, #tpu.memory_space<vmem_shared>> -> memref<10240x128xf32, #tpu.memory_space<vmem_shared>>
        tpu.wait_indirect_dma semaphore(%run_scoped3A_347 : memref<!tpu.dma_semaphore, #tpu.memory_space<semaphore_mem>>) src(%arg8 : memref<128x128xf32, #tpu.memory_space<vmem>>) dst(%dma_wait3A_359 : memref<10240x128xf32, #tpu.memory_space<vmem_shared>>)
        tpu.yield
      }) : () -> ()
      %dma_start3A_142 = arith.constant 6 : i32
      %dma_start3A_143 = arith.constant 0 : i32
      %dma_start3A_144 = arith.constant 0 : i32
      %dma_start3A_145 = tpu.memref_slice %arg6[%dma_start3A_142, %dma_start3A_143, %dma_start3A_144] : memref<8x2x128xi32, #tpu.memory_space<vmem>> -> memref<1x1x128xi32, #tpu.memory_space<vmem>>
      %dma_start3A_146 = tpu.memref_squeeze %dma_start3A_145 : memref<1x1x128xi32, #tpu.memory_space<vmem>> -> memref<128xi32, #tpu.memory_space<vmem>>
      %dma_start3A_147 = arith.constant 0 : i32
      %dma_start3A_148 = arith.constant 0 : i32
      %dma_start3A_149 = tpu.memref_slice %arg2[%dma_start3A_147, %dma_start3A_148] : memref<10240x128xf32, #tpu.memory_space<hbm>> -> memref<10240x128xf32, #tpu.memory_space<hbm>>
      tpu.enqueue_indirect_dma source(%dma_start3A_149 : memref<10240x128xf32, #tpu.memory_space<hbm>>) target(%arg8 : memref<128x128xf32, #tpu.memory_space<vmem>>) offsets(%dma_start3A_146 : memref<128xi32, #tpu.memory_space<vmem>>) semaphore(%arg12 : memref<!tpu.dma_semaphore, #tpu.memory_space<semaphore_mem>>)
      %dma_wait3A_150 = arith.constant 6 : i32
      %dma_wait3A_151 = arith.constant 0 : i32
      %dma_wait3A_152 = arith.constant 0 : i32
      %dma_wait3A_153 = tpu.memref_slice %arg6[%dma_wait3A_150, %dma_wait3A_151, %dma_wait3A_152] : memref<8x2x128xi32, #tpu.memory_space<vmem>> -> memref<1x1x128xi32, #tpu.memory_space<vmem>>
      %dma_wait3A_154 = tpu.memref_squeeze %dma_wait3A_153 : memref<1x1x128xi32, #tpu.memory_space<vmem>> -> memref<128xi32, #tpu.memory_space<vmem>>
      %dma_wait3A_155 = arith.constant 0 : i32
      %dma_wait3A_156 = arith.constant 0 : i32
      %dma_wait3A_157 = tpu.memref_slice %arg2[%dma_wait3A_155, %dma_wait3A_156] : memref<10240x128xf32, #tpu.memory_space<hbm>> -> memref<10240x128xf32, #tpu.memory_space<hbm>>
      tpu.wait_indirect_dma semaphore(%arg12 : memref<!tpu.dma_semaphore, #tpu.memory_space<semaphore_mem>>) src(%dma_wait3A_157 : memref<10240x128xf32, #tpu.memory_space<hbm>>) dst(%arg8 : memref<128x128xf32, #tpu.memory_space<vmem>>)
      %run_scoped3A_158 = arith.constant 6 : i32
      %run_scoped3A_159 = arith.constant 1 : i32
      "tpu.region"() ({
        %run_scoped3A_347 = tpu.sem_alloc : memref<!tpu.dma_semaphore, #tpu.memory_space<semaphore_mem>>
        %dma_start3A_348 = arith.constant 0 : i32
        %dma_start3A_349 = tpu.memref_slice %arg6[%run_scoped3A_158, %run_scoped3A_159, %dma_start3A_348] : memref<8x2x128xi32, #tpu.memory_space<vmem>> -> memref<1x1x128xi32, #tpu.memory_space<vmem>>
        %dma_start3A_350 = tpu.memref_squeeze %dma_start3A_349 : memref<1x1x128xi32, #tpu.memory_space<vmem>> -> memref<128xi32, #tpu.memory_space<vmem>>
        %dma_start3A_351 = arith.constant 0 : i32
        %dma_start3A_352 = arith.constant 0 : i32
        %dma_start3A_353 = tpu.memref_slice %arg10[%dma_start3A_351, %dma_start3A_352] : memref<10240x128xf32, #tpu.memory_space<vmem_shared>> -> memref<10240x128xf32, #tpu.memory_space<vmem_shared>>
        tpu.enqueue_indirect_dma source(%arg8 : memref<128x128xf32, #tpu.memory_space<vmem>>) target(%dma_start3A_353 : memref<10240x128xf32, #tpu.memory_space<vmem_shared>>) offsets(%dma_start3A_350 : memref<128xi32, #tpu.memory_space<vmem>>) semaphore(%run_scoped3A_347 : memref<!tpu.dma_semaphore, #tpu.memory_space<semaphore_mem>>) {add = true}
        %dma_wait3A_354 = arith.constant 0 : i32
        %dma_wait3A_355 = tpu.memref_slice %arg6[%run_scoped3A_158, %run_scoped3A_159, %dma_wait3A_354] : memref<8x2x128xi32, #tpu.memory_space<vmem>> -> memref<1x1x128xi32, #tpu.memory_space<vmem>>
        %dma_wait3A_356 = tpu.memref_squeeze %dma_wait3A_355 : memref<1x1x128xi32, #tpu.memory_space<vmem>> -> memref<128xi32, #tpu.memory_space<vmem>>
        %dma_wait3A_357 = arith.constant 0 : i32
        %dma_wait3A_358 = arith.constant 0 : i32
        %dma_wait3A_359 = tpu.memref_slice %arg10[%dma_wait3A_357, %dma_wait3A_358] : memref<10240x128xf32, #tpu.memory_space<vmem_shared>> -> memref<10240x128xf32, #tpu.memory_space<vmem_shared>>
        tpu.wait_indirect_dma semaphore(%run_scoped3A_347 : memref<!tpu.dma_semaphore, #tpu.memory_space<semaphore_mem>>) src(%arg8 : memref<128x128xf32, #tpu.memory_space<vmem>>) dst(%dma_wait3A_359 : memref<10240x128xf32, #tpu.memory_space<vmem_shared>>)
        tpu.yield
      }) : () -> ()
      %dma_start3A_160 = arith.constant 7 : i32
      %dma_start3A_161 = arith.constant 0 : i32
      %dma_start3A_162 = arith.constant 0 : i32
      %dma_start3A_163 = tpu.memref_slice %arg6[%dma_start3A_160, %dma_start3A_161, %dma_start3A_162] : memref<8x2x128xi32, #tpu.memory_space<vmem>> -> memref<1x1x128xi32, #tpu.memory_space<vmem>>
      %dma_start3A_164 = tpu.memref_squeeze %dma_start3A_163 : memref<1x1x128xi32, #tpu.memory_space<vmem>> -> memref<128xi32, #tpu.memory_space<vmem>>
      %dma_start3A_165 = arith.constant 0 : i32
      %dma_start3A_166 = arith.constant 0 : i32
      %dma_start3A_167 = tpu.memref_slice %arg2[%dma_start3A_165, %dma_start3A_166] : memref<10240x128xf32, #tpu.memory_space<hbm>> -> memref<10240x128xf32, #tpu.memory_space<hbm>>
      tpu.enqueue_indirect_dma source(%dma_start3A_167 : memref<10240x128xf32, #tpu.memory_space<hbm>>) target(%arg8 : memref<128x128xf32, #tpu.memory_space<vmem>>) offsets(%dma_start3A_164 : memref<128xi32, #tpu.memory_space<vmem>>) semaphore(%arg12 : memref<!tpu.dma_semaphore, #tpu.memory_space<semaphore_mem>>)
      %dma_wait3A_168 = arith.constant 7 : i32
      %dma_wait3A_169 = arith.constant 0 : i32
      %dma_wait3A_170 = arith.constant 0 : i32
      %dma_wait3A_171 = tpu.memref_slice %arg6[%dma_wait3A_168, %dma_wait3A_169, %dma_wait3A_170] : memref<8x2x128xi32, #tpu.memory_space<vmem>> -> memref<1x1x128xi32, #tpu.memory_space<vmem>>
      %dma_wait3A_172 = tpu.memref_squeeze %dma_wait3A_171 : memref<1x1x128xi32, #tpu.memory_space<vmem>> -> memref<128xi32, #tpu.memory_space<vmem>>
      %dma_wait3A_173 = arith.constant 0 : i32
      %dma_wait3A_174 = arith.constant 0 : i32
      %dma_wait3A_175 = tpu.memref_slice %arg2[%dma_wait3A_173, %dma_wait3A_174] : memref<10240x128xf32, #tpu.memory_space<hbm>> -> memref<10240x128xf32, #tpu.memory_space<hbm>>
      tpu.wait_indirect_dma semaphore(%arg12 : memref<!tpu.dma_semaphore, #tpu.memory_space<semaphore_mem>>) src(%dma_wait3A_175 : memref<10240x128xf32, #tpu.memory_space<hbm>>) dst(%arg8 : memref<128x128xf32, #tpu.memory_space<vmem>>)
      %run_scoped3A_176 = arith.constant 7 : i32
      %run_scoped3A_177 = arith.constant 1 : i32
      "tpu.region"() ({
        %run_scoped3A_347 = tpu.sem_alloc : memref<!tpu.dma_semaphore, #tpu.memory_space<semaphore_mem>>
        %dma_start3A_348 = arith.constant 0 : i32
        %dma_start3A_349 = tpu.memref_slice %arg6[%run_scoped3A_176, %run_scoped3A_177, %dma_start3A_348] : memref<8x2x128xi32, #tpu.memory_space<vmem>> -> memref<1x1x128xi32, #tpu.memory_space<vmem>>
        %dma_start3A_350 = tpu.memref_squeeze %dma_start3A_349 : memref<1x1x128xi32, #tpu.memory_space<vmem>> -> memref<128xi32, #tpu.memory_space<vmem>>
        %dma_start3A_351 = arith.constant 0 : i32
        %dma_start3A_352 = arith.constant 0 : i32
        %dma_start3A_353 = tpu.memref_slice %arg10[%dma_start3A_351, %dma_start3A_352] : memref<10240x128xf32, #tpu.memory_space<vmem_shared>> -> memref<10240x128xf32, #tpu.memory_space<vmem_shared>>
        tpu.enqueue_indirect_dma source(%arg8 : memref<128x128xf32, #tpu.memory_space<vmem>>) target(%dma_start3A_353 : memref<10240x128xf32, #tpu.memory_space<vmem_shared>>) offsets(%dma_start3A_350 : memref<128xi32, #tpu.memory_space<vmem>>) semaphore(%run_scoped3A_347 : memref<!tpu.dma_semaphore, #tpu.memory_space<semaphore_mem>>) {add = true}
        %dma_wait3A_354 = arith.constant 0 : i32
        %dma_wait3A_355 = tpu.memref_slice %arg6[%run_scoped3A_176, %run_scoped3A_177, %dma_wait3A_354] : memref<8x2x128xi32, #tpu.memory_space<vmem>> -> memref<1x1x128xi32, #tpu.memory_space<vmem>>
        %dma_wait3A_356 = tpu.memref_squeeze %dma_wait3A_355 : memref<1x1x128xi32, #tpu.memory_space<vmem>> -> memref<128xi32, #tpu.memory_space<vmem>>
        %dma_wait3A_357 = arith.constant 0 : i32
        %dma_wait3A_358 = arith.constant 0 : i32
        %dma_wait3A_359 = tpu.memref_slice %arg10[%dma_wait3A_357, %dma_wait3A_358] : memref<10240x128xf32, #tpu.memory_space<vmem_shared>> -> memref<10240x128xf32, #tpu.memory_space<vmem_shared>>
        tpu.wait_indirect_dma semaphore(%run_scoped3A_347 : memref<!tpu.dma_semaphore, #tpu.memory_space<semaphore_mem>>) src(%arg8 : memref<128x128xf32, #tpu.memory_space<vmem>>) dst(%dma_wait3A_359 : memref<10240x128xf32, #tpu.memory_space<vmem_shared>>)
        tpu.yield
      }) : () -> ()
      %mul3A_178 = arith.constant 2 : i32
      %mul3A_179 = arith.muli %mul3A_178, %scan3A_11 : i32
      %add3A_180 = arith.constant 1 : i32
      %add3A_181 = arith.addi %mul3A_179, %add3A_180 : i32
      %add3A_182 = arith.addi %mul3A_4, %add3A_181 : i32
      %dma_start3A_183 = arith.constant 0 : i32
      %dma_start3A_184 = arith.constant 0 : i32
      %dma_start3A_185 = arith.constant 0 : i32
      %dma_start3A_186 = tpu.memref_slice %arg3[%add3A_182, %dma_start3A_183, %dma_start3A_184, %dma_start3A_185] : memref<320x8x2x128xi32, #tpu.memory_space<hbm>> -> memref<1x8x2x128xi32, #tpu.memory_space<hbm>>
      %dma_start3A_187 = tpu.memref_squeeze %dma_start3A_186 : memref<1x8x2x128xi32, #tpu.memory_space<hbm>> -> memref<8x2x128xi32, #tpu.memory_space<hbm>>
      %dma_start3A_188 = arith.constant 0 : i32
      %dma_start3A_189 = arith.constant 0 : i32
      %dma_start3A_190 = arith.constant 0 : i32
      %dma_start3A_191 = tpu.memref_slice %arg3[%add3A_182, %dma_start3A_188, %dma_start3A_189, %dma_start3A_190] : memref<320x8x2x128xi32, #tpu.memory_space<hbm>> -> memref<1x8x2x128xi32, #tpu.memory_space<hbm>>
      %dma_start3A_192 = tpu.memref_squeeze %dma_start3A_191 : memref<1x8x2x128xi32, #tpu.memory_space<hbm>> -> memref<8x2x128xi32, #tpu.memory_space<hbm>>
      tpu.enqueue_dma source(%dma_start3A_192 : memref<8x2x128xi32, #tpu.memory_space<hbm>>) target(%arg7 : memref<8x2x128xi32, #tpu.memory_space<vmem>>) target_semaphore(%arg11 : memref<!tpu.dma_semaphore, #tpu.memory_space<semaphore_mem>>)
      %dma_wait3A_193 = arith.constant 0 : i32
      %dma_wait3A_194 = arith.constant 0 : i32
      %dma_wait3A_195 = arith.constant 0 : i32
      %dma_wait3A_196 = tpu.memref_slice %arg3[%add3A_182, %dma_wait3A_193, %dma_wait3A_194, %dma_wait3A_195] : memref<320x8x2x128xi32, #tpu.memory_space<hbm>> -> memref<1x8x2x128xi32, #tpu.memory_space<hbm>>
      %dma_wait3A_197 = tpu.memref_squeeze %dma_wait3A_196 : memref<1x8x2x128xi32, #tpu.memory_space<hbm>> -> memref<8x2x128xi32, #tpu.memory_space<hbm>>
      %dma_wait3A_198 = arith.constant 0 : i32
      %dma_wait3A_199 = arith.constant 0 : i32
      %dma_wait3A_200 = arith.constant 0 : i32
      %dma_wait3A_201 = tpu.memref_slice %arg3[%add3A_182, %dma_wait3A_198, %dma_wait3A_199, %dma_wait3A_200] : memref<320x8x2x128xi32, #tpu.memory_space<hbm>> -> memref<1x8x2x128xi32, #tpu.memory_space<hbm>>
      %dma_wait3A_202 = tpu.memref_squeeze %dma_wait3A_201 : memref<1x8x2x128xi32, #tpu.memory_space<hbm>> -> memref<8x2x128xi32, #tpu.memory_space<hbm>>
      tpu.wait_dma2 semaphore(%arg11 : memref<!tpu.dma_semaphore, #tpu.memory_space<semaphore_mem>>) src(%dma_wait3A_202 : memref<8x2x128xi32, #tpu.memory_space<hbm>>) dst(%arg7 : memref<8x2x128xi32, #tpu.memory_space<vmem>>)
      %dma_start3A_203 = arith.constant 0 : i32
      %dma_start3A_204 = arith.constant 0 : i32
      %dma_start3A_205 = arith.constant 0 : i32
      %dma_start3A_206 = tpu.memref_slice %arg7[%dma_start3A_203, %dma_start3A_204, %dma_start3A_205] : memref<8x2x128xi32, #tpu.memory_space<vmem>> -> memref<1x1x128xi32, #tpu.memory_space<vmem>>
      %dma_start3A_207 = tpu.memref_squeeze %dma_start3A_206 : memref<1x1x128xi32, #tpu.memory_space<vmem>> -> memref<128xi32, #tpu.memory_space<vmem>>
      %dma_start3A_208 = arith.constant 0 : i32
      %dma_start3A_209 = arith.constant 0 : i32
      %dma_start3A_210 = tpu.memref_slice %arg2[%dma_start3A_208, %dma_start3A_209] : memref<10240x128xf32, #tpu.memory_space<hbm>> -> memref<10240x128xf32, #tpu.memory_space<hbm>>
      tpu.enqueue_indirect_dma source(%dma_start3A_210 : memref<10240x128xf32, #tpu.memory_space<hbm>>) target(%arg8 : memref<128x128xf32, #tpu.memory_space<vmem>>) offsets(%dma_start3A_207 : memref<128xi32, #tpu.memory_space<vmem>>) semaphore(%arg12 : memref<!tpu.dma_semaphore, #tpu.memory_space<semaphore_mem>>)
      %dma_wait3A_211 = arith.constant 0 : i32
      %dma_wait3A_212 = arith.constant 0 : i32
      %dma_wait3A_213 = arith.constant 0 : i32
      %dma_wait3A_214 = tpu.memref_slice %arg7[%dma_wait3A_211, %dma_wait3A_212, %dma_wait3A_213] : memref<8x2x128xi32, #tpu.memory_space<vmem>> -> memref<1x1x128xi32, #tpu.memory_space<vmem>>
      %dma_wait3A_215 = tpu.memref_squeeze %dma_wait3A_214 : memref<1x1x128xi32, #tpu.memory_space<vmem>> -> memref<128xi32, #tpu.memory_space<vmem>>
      %dma_wait3A_216 = arith.constant 0 : i32
      %dma_wait3A_217 = arith.constant 0 : i32
      %dma_wait3A_218 = tpu.memref_slice %arg2[%dma_wait3A_216, %dma_wait3A_217] : memref<10240x128xf32, #tpu.memory_space<hbm>> -> memref<10240x128xf32, #tpu.memory_space<hbm>>
      tpu.wait_indirect_dma semaphore(%arg12 : memref<!tpu.dma_semaphore, #tpu.memory_space<semaphore_mem>>) src(%dma_wait3A_218 : memref<10240x128xf32, #tpu.memory_space<hbm>>) dst(%arg8 : memref<128x128xf32, #tpu.memory_space<vmem>>)
      %run_scoped3A_219 = arith.constant 0 : i32
      %run_scoped3A_220 = arith.constant 1 : i32
      "tpu.region"() ({
        %run_scoped3A_347 = tpu.sem_alloc : memref<!tpu.dma_semaphore, #tpu.memory_space<semaphore_mem>>
        %dma_start3A_348 = arith.constant 0 : i32
        %dma_start3A_349 = tpu.memref_slice %arg7[%run_scoped3A_219, %run_scoped3A_220, %dma_start3A_348] : memref<8x2x128xi32, #tpu.memory_space<vmem>> -> memref<1x1x128xi32, #tpu.memory_space<vmem>>
        %dma_start3A_350 = tpu.memref_squeeze %dma_start3A_349 : memref<1x1x128xi32, #tpu.memory_space<vmem>> -> memref<128xi32, #tpu.memory_space<vmem>>
        %dma_start3A_351 = arith.constant 0 : i32
        %dma_start3A_352 = arith.constant 0 : i32
        %dma_start3A_353 = tpu.memref_slice %arg10[%dma_start3A_351, %dma_start3A_352] : memref<10240x128xf32, #tpu.memory_space<vmem_shared>> -> memref<10240x128xf32, #tpu.memory_space<vmem_shared>>
        tpu.enqueue_indirect_dma source(%arg8 : memref<128x128xf32, #tpu.memory_space<vmem>>) target(%dma_start3A_353 : memref<10240x128xf32, #tpu.memory_space<vmem_shared>>) offsets(%dma_start3A_350 : memref<128xi32, #tpu.memory_space<vmem>>) semaphore(%run_scoped3A_347 : memref<!tpu.dma_semaphore, #tpu.memory_space<semaphore_mem>>) {add = true}
        %dma_wait3A_354 = arith.constant 0 : i32
        %dma_wait3A_355 = tpu.memref_slice %arg7[%run_scoped3A_219, %run_scoped3A_220, %dma_wait3A_354] : memref<8x2x128xi32, #tpu.memory_space<vmem>> -> memref<1x1x128xi32, #tpu.memory_space<vmem>>
        %dma_wait3A_356 = tpu.memref_squeeze %dma_wait3A_355 : memref<1x1x128xi32, #tpu.memory_space<vmem>> -> memref<128xi32, #tpu.memory_space<vmem>>
        %dma_wait3A_357 = arith.constant 0 : i32
        %dma_wait3A_358 = arith.constant 0 : i32
        %dma_wait3A_359 = tpu.memref_slice %arg10[%dma_wait3A_357, %dma_wait3A_358] : memref<10240x128xf32, #tpu.memory_space<vmem_shared>> -> memref<10240x128xf32, #tpu.memory_space<vmem_shared>>
        tpu.wait_indirect_dma semaphore(%run_scoped3A_347 : memref<!tpu.dma_semaphore, #tpu.memory_space<semaphore_mem>>) src(%arg8 : memref<128x128xf32, #tpu.memory_space<vmem>>) dst(%dma_wait3A_359 : memref<10240x128xf32, #tpu.memory_space<vmem_shared>>)
        tpu.yield
      }) : () -> ()
      %dma_start3A_221 = arith.constant 1 : i32
      %dma_start3A_222 = arith.constant 0 : i32
      %dma_start3A_223 = arith.constant 0 : i32
      %dma_start3A_224 = tpu.memref_slice %arg7[%dma_start3A_221, %dma_start3A_222, %dma_start3A_223] : memref<8x2x128xi32, #tpu.memory_space<vmem>> -> memref<1x1x128xi32, #tpu.memory_space<vmem>>
      %dma_start3A_225 = tpu.memref_squeeze %dma_start3A_224 : memref<1x1x128xi32, #tpu.memory_space<vmem>> -> memref<128xi32, #tpu.memory_space<vmem>>
      %dma_start3A_226 = arith.constant 0 : i32
      %dma_start3A_227 = arith.constant 0 : i32
      %dma_start3A_228 = tpu.memref_slice %arg2[%dma_start3A_226, %dma_start3A_227] : memref<10240x128xf32, #tpu.memory_space<hbm>> -> memref<10240x128xf32, #tpu.memory_space<hbm>>
      tpu.enqueue_indirect_dma source(%dma_start3A_228 : memref<10240x128xf32, #tpu.memory_space<hbm>>) target(%arg8 : memref<128x128xf32, #tpu.memory_space<vmem>>) offsets(%dma_start3A_225 : memref<128xi32, #tpu.memory_space<vmem>>) semaphore(%arg12 : memref<!tpu.dma_semaphore, #tpu.memory_space<semaphore_mem>>)
      %dma_wait3A_229 = arith.constant 1 : i32
      %dma_wait3A_230 = arith.constant 0 : i32
      %dma_wait3A_231 = arith.constant 0 : i32
      %dma_wait3A_232 = tpu.memref_slice %arg7[%dma_wait3A_229, %dma_wait3A_230, %dma_wait3A_231] : memref<8x2x128xi32, #tpu.memory_space<vmem>> -> memref<1x1x128xi32, #tpu.memory_space<vmem>>
      %dma_wait3A_233 = tpu.memref_squeeze %dma_wait3A_232 : memref<1x1x128xi32, #tpu.memory_space<vmem>> -> memref<128xi32, #tpu.memory_space<vmem>>
      %dma_wait3A_234 = arith.constant 0 : i32
      %dma_wait3A_235 = arith.constant 0 : i32
      %dma_wait3A_236 = tpu.memref_slice %arg2[%dma_wait3A_234, %dma_wait3A_235] : memref<10240x128xf32, #tpu.memory_space<hbm>> -> memref<10240x128xf32, #tpu.memory_space<hbm>>
      tpu.wait_indirect_dma semaphore(%arg12 : memref<!tpu.dma_semaphore, #tpu.memory_space<semaphore_mem>>) src(%dma_wait3A_236 : memref<10240x128xf32, #tpu.memory_space<hbm>>) dst(%arg8 : memref<128x128xf32, #tpu.memory_space<vmem>>)
      %run_scoped3A_237 = arith.constant 1 : i32
      %run_scoped3A_238 = arith.constant 1 : i32
      "tpu.region"() ({
        %run_scoped3A_347 = tpu.sem_alloc : memref<!tpu.dma_semaphore, #tpu.memory_space<semaphore_mem>>
        %dma_start3A_348 = arith.constant 0 : i32
        %dma_start3A_349 = tpu.memref_slice %arg7[%run_scoped3A_237, %run_scoped3A_238, %dma_start3A_348] : memref<8x2x128xi32, #tpu.memory_space<vmem>> -> memref<1x1x128xi32, #tpu.memory_space<vmem>>
        %dma_start3A_350 = tpu.memref_squeeze %dma_start3A_349 : memref<1x1x128xi32, #tpu.memory_space<vmem>> -> memref<128xi32, #tpu.memory_space<vmem>>
        %dma_start3A_351 = arith.constant 0 : i32
        %dma_start3A_352 = arith.constant 0 : i32
        %dma_start3A_353 = tpu.memref_slice %arg10[%dma_start3A_351, %dma_start3A_352] : memref<10240x128xf32, #tpu.memory_space<vmem_shared>> -> memref<10240x128xf32, #tpu.memory_space<vmem_shared>>
        tpu.enqueue_indirect_dma source(%arg8 : memref<128x128xf32, #tpu.memory_space<vmem>>) target(%dma_start3A_353 : memref<10240x128xf32, #tpu.memory_space<vmem_shared>>) offsets(%dma_start3A_350 : memref<128xi32, #tpu.memory_space<vmem>>) semaphore(%run_scoped3A_347 : memref<!tpu.dma_semaphore, #tpu.memory_space<semaphore_mem>>) {add = true}
        %dma_wait3A_354 = arith.constant 0 : i32
        %dma_wait3A_355 = tpu.memref_slice %arg7[%run_scoped3A_237, %run_scoped3A_238, %dma_wait3A_354] : memref<8x2x128xi32, #tpu.memory_space<vmem>> -> memref<1x1x128xi32, #tpu.memory_space<vmem>>
        %dma_wait3A_356 = tpu.memref_squeeze %dma_wait3A_355 : memref<1x1x128xi32, #tpu.memory_space<vmem>> -> memref<128xi32, #tpu.memory_space<vmem>>
        %dma_wait3A_357 = arith.constant 0 : i32
        %dma_wait3A_358 = arith.constant 0 : i32
        %dma_wait3A_359 = tpu.memref_slice %arg10[%dma_wait3A_357, %dma_wait3A_358] : memref<10240x128xf32, #tpu.memory_space<vmem_shared>> -> memref<10240x128xf32, #tpu.memory_space<vmem_shared>>
        tpu.wait_indirect_dma semaphore(%run_scoped3A_347 : memref<!tpu.dma_semaphore, #tpu.memory_space<semaphore_mem>>) src(%arg8 : memref<128x128xf32, #tpu.memory_space<vmem>>) dst(%dma_wait3A_359 : memref<10240x128xf32, #tpu.memory_space<vmem_shared>>)
        tpu.yield
      }) : () -> ()
      %dma_start3A_239 = arith.constant 2 : i32
      %dma_start3A_240 = arith.constant 0 : i32
      %dma_start3A_241 = arith.constant 0 : i32
      %dma_start3A_242 = tpu.memref_slice %arg7[%dma_start3A_239, %dma_start3A_240, %dma_start3A_241] : memref<8x2x128xi32, #tpu.memory_space<vmem>> -> memref<1x1x128xi32, #tpu.memory_space<vmem>>
      %dma_start3A_243 = tpu.memref_squeeze %dma_start3A_242 : memref<1x1x128xi32, #tpu.memory_space<vmem>> -> memref<128xi32, #tpu.memory_space<vmem>>
      %dma_start3A_244 = arith.constant 0 : i32
      %dma_start3A_245 = arith.constant 0 : i32
      %dma_start3A_246 = tpu.memref_slice %arg2[%dma_start3A_244, %dma_start3A_245] : memref<10240x128xf32, #tpu.memory_space<hbm>> -> memref<10240x128xf32, #tpu.memory_space<hbm>>
      tpu.enqueue_indirect_dma source(%dma_start3A_246 : memref<10240x128xf32, #tpu.memory_space<hbm>>) target(%arg8 : memref<128x128xf32, #tpu.memory_space<vmem>>) offsets(%dma_start3A_243 : memref<128xi32, #tpu.memory_space<vmem>>) semaphore(%arg12 : memref<!tpu.dma_semaphore, #tpu.memory_space<semaphore_mem>>)
      %dma_wait3A_247 = arith.constant 2 : i32
      %dma_wait3A_248 = arith.constant 0 : i32
      %dma_wait3A_249 = arith.constant 0 : i32
      %dma_wait3A_250 = tpu.memref_slice %arg7[%dma_wait3A_247, %dma_wait3A_248, %dma_wait3A_249] : memref<8x2x128xi32, #tpu.memory_space<vmem>> -> memref<1x1x128xi32, #tpu.memory_space<vmem>>
      %dma_wait3A_251 = tpu.memref_squeeze %dma_wait3A_250 : memref<1x1x128xi32, #tpu.memory_space<vmem>> -> memref<128xi32, #tpu.memory_space<vmem>>
      %dma_wait3A_252 = arith.constant 0 : i32
      %dma_wait3A_253 = arith.constant 0 : i32
      %dma_wait3A_254 = tpu.memref_slice %arg2[%dma_wait3A_252, %dma_wait3A_253] : memref<10240x128xf32, #tpu.memory_space<hbm>> -> memref<10240x128xf32, #tpu.memory_space<hbm>>
      tpu.wait_indirect_dma semaphore(%arg12 : memref<!tpu.dma_semaphore, #tpu.memory_space<semaphore_mem>>) src(%dma_wait3A_254 : memref<10240x128xf32, #tpu.memory_space<hbm>>) dst(%arg8 : memref<128x128xf32, #tpu.memory_space<vmem>>)
      %run_scoped3A_255 = arith.constant 2 : i32
      %run_scoped3A_256 = arith.constant 1 : i32
      "tpu.region"() ({
        %run_scoped3A_347 = tpu.sem_alloc : memref<!tpu.dma_semaphore, #tpu.memory_space<semaphore_mem>>
        %dma_start3A_348 = arith.constant 0 : i32
        %dma_start3A_349 = tpu.memref_slice %arg7[%run_scoped3A_255, %run_scoped3A_256, %dma_start3A_348] : memref<8x2x128xi32, #tpu.memory_space<vmem>> -> memref<1x1x128xi32, #tpu.memory_space<vmem>>
        %dma_start3A_350 = tpu.memref_squeeze %dma_start3A_349 : memref<1x1x128xi32, #tpu.memory_space<vmem>> -> memref<128xi32, #tpu.memory_space<vmem>>
        %dma_start3A_351 = arith.constant 0 : i32
        %dma_start3A_352 = arith.constant 0 : i32
        %dma_start3A_353 = tpu.memref_slice %arg10[%dma_start3A_351, %dma_start3A_352] : memref<10240x128xf32, #tpu.memory_space<vmem_shared>> -> memref<10240x128xf32, #tpu.memory_space<vmem_shared>>
        tpu.enqueue_indirect_dma source(%arg8 : memref<128x128xf32, #tpu.memory_space<vmem>>) target(%dma_start3A_353 : memref<10240x128xf32, #tpu.memory_space<vmem_shared>>) offsets(%dma_start3A_350 : memref<128xi32, #tpu.memory_space<vmem>>) semaphore(%run_scoped3A_347 : memref<!tpu.dma_semaphore, #tpu.memory_space<semaphore_mem>>) {add = true}
        %dma_wait3A_354 = arith.constant 0 : i32
        %dma_wait3A_355 = tpu.memref_slice %arg7[%run_scoped3A_255, %run_scoped3A_256, %dma_wait3A_354] : memref<8x2x128xi32, #tpu.memory_space<vmem>> -> memref<1x1x128xi32, #tpu.memory_space<vmem>>
        %dma_wait3A_356 = tpu.memref_squeeze %dma_wait3A_355 : memref<1x1x128xi32, #tpu.memory_space<vmem>> -> memref<128xi32, #tpu.memory_space<vmem>>
        %dma_wait3A_357 = arith.constant 0 : i32
        %dma_wait3A_358 = arith.constant 0 : i32
        %dma_wait3A_359 = tpu.memref_slice %arg10[%dma_wait3A_357, %dma_wait3A_358] : memref<10240x128xf32, #tpu.memory_space<vmem_shared>> -> memref<10240x128xf32, #tpu.memory_space<vmem_shared>>
        tpu.wait_indirect_dma semaphore(%run_scoped3A_347 : memref<!tpu.dma_semaphore, #tpu.memory_space<semaphore_mem>>) src(%arg8 : memref<128x128xf32, #tpu.memory_space<vmem>>) dst(%dma_wait3A_359 : memref<10240x128xf32, #tpu.memory_space<vmem_shared>>)
        tpu.yield
      }) : () -> ()
      %dma_start3A_257 = arith.constant 3 : i32
      %dma_start3A_258 = arith.constant 0 : i32
      %dma_start3A_259 = arith.constant 0 : i32
      %dma_start3A_260 = tpu.memref_slice %arg7[%dma_start3A_257, %dma_start3A_258, %dma_start3A_259] : memref<8x2x128xi32, #tpu.memory_space<vmem>> -> memref<1x1x128xi32, #tpu.memory_space<vmem>>
      %dma_start3A_261 = tpu.memref_squeeze %dma_start3A_260 : memref<1x1x128xi32, #tpu.memory_space<vmem>> -> memref<128xi32, #tpu.memory_space<vmem>>
      %dma_start3A_262 = arith.constant 0 : i32
      %dma_start3A_263 = arith.constant 0 : i32
      %dma_start3A_264 = tpu.memref_slice %arg2[%dma_start3A_262, %dma_start3A_263] : memref<10240x128xf32, #tpu.memory_space<hbm>> -> memref<10240x128xf32, #tpu.memory_space<hbm>>
      tpu.enqueue_indirect_dma source(%dma_start3A_264 : memref<10240x128xf32, #tpu.memory_space<hbm>>) target(%arg8 : memref<128x128xf32, #tpu.memory_space<vmem>>) offsets(%dma_start3A_261 : memref<128xi32, #tpu.memory_space<vmem>>) semaphore(%arg12 : memref<!tpu.dma_semaphore, #tpu.memory_space<semaphore_mem>>)
      %dma_wait3A_265 = arith.constant 3 : i32
      %dma_wait3A_266 = arith.constant 0 : i32
      %dma_wait3A_267 = arith.constant 0 : i32
      %dma_wait3A_268 = tpu.memref_slice %arg7[%dma_wait3A_265, %dma_wait3A_266, %dma_wait3A_267] : memref<8x2x128xi32, #tpu.memory_space<vmem>> -> memref<1x1x128xi32, #tpu.memory_space<vmem>>
      %dma_wait3A_269 = tpu.memref_squeeze %dma_wait3A_268 : memref<1x1x128xi32, #tpu.memory_space<vmem>> -> memref<128xi32, #tpu.memory_space<vmem>>
      %dma_wait3A_270 = arith.constant 0 : i32
      %dma_wait3A_271 = arith.constant 0 : i32
      %dma_wait3A_272 = tpu.memref_slice %arg2[%dma_wait3A_270, %dma_wait3A_271] : memref<10240x128xf32, #tpu.memory_space<hbm>> -> memref<10240x128xf32, #tpu.memory_space<hbm>>
      tpu.wait_indirect_dma semaphore(%arg12 : memref<!tpu.dma_semaphore, #tpu.memory_space<semaphore_mem>>) src(%dma_wait3A_272 : memref<10240x128xf32, #tpu.memory_space<hbm>>) dst(%arg8 : memref<128x128xf32, #tpu.memory_space<vmem>>)
      %run_scoped3A_273 = arith.constant 3 : i32
      %run_scoped3A_274 = arith.constant 1 : i32
      "tpu.region"() ({
        %run_scoped3A_347 = tpu.sem_alloc : memref<!tpu.dma_semaphore, #tpu.memory_space<semaphore_mem>>
        %dma_start3A_348 = arith.constant 0 : i32
        %dma_start3A_349 = tpu.memref_slice %arg7[%run_scoped3A_273, %run_scoped3A_274, %dma_start3A_348] : memref<8x2x128xi32, #tpu.memory_space<vmem>> -> memref<1x1x128xi32, #tpu.memory_space<vmem>>
        %dma_start3A_350 = tpu.memref_squeeze %dma_start3A_349 : memref<1x1x128xi32, #tpu.memory_space<vmem>> -> memref<128xi32, #tpu.memory_space<vmem>>
        %dma_start3A_351 = arith.constant 0 : i32
        %dma_start3A_352 = arith.constant 0 : i32
        %dma_start3A_353 = tpu.memref_slice %arg10[%dma_start3A_351, %dma_start3A_352] : memref<10240x128xf32, #tpu.memory_space<vmem_shared>> -> memref<10240x128xf32, #tpu.memory_space<vmem_shared>>
        tpu.enqueue_indirect_dma source(%arg8 : memref<128x128xf32, #tpu.memory_space<vmem>>) target(%dma_start3A_353 : memref<10240x128xf32, #tpu.memory_space<vmem_shared>>) offsets(%dma_start3A_350 : memref<128xi32, #tpu.memory_space<vmem>>) semaphore(%run_scoped3A_347 : memref<!tpu.dma_semaphore, #tpu.memory_space<semaphore_mem>>) {add = true}
        %dma_wait3A_354 = arith.constant 0 : i32
        %dma_wait3A_355 = tpu.memref_slice %arg7[%run_scoped3A_273, %run_scoped3A_274, %dma_wait3A_354] : memref<8x2x128xi32, #tpu.memory_space<vmem>> -> memref<1x1x128xi32, #tpu.memory_space<vmem>>
        %dma_wait3A_356 = tpu.memref_squeeze %dma_wait3A_355 : memref<1x1x128xi32, #tpu.memory_space<vmem>> -> memref<128xi32, #tpu.memory_space<vmem>>
        %dma_wait3A_357 = arith.constant 0 : i32
        %dma_wait3A_358 = arith.constant 0 : i32
        %dma_wait3A_359 = tpu.memref_slice %arg10[%dma_wait3A_357, %dma_wait3A_358] : memref<10240x128xf32, #tpu.memory_space<vmem_shared>> -> memref<10240x128xf32, #tpu.memory_space<vmem_shared>>
        tpu.wait_indirect_dma semaphore(%run_scoped3A_347 : memref<!tpu.dma_semaphore, #tpu.memory_space<semaphore_mem>>) src(%arg8 : memref<128x128xf32, #tpu.memory_space<vmem>>) dst(%dma_wait3A_359 : memref<10240x128xf32, #tpu.memory_space<vmem_shared>>)
        tpu.yield
      }) : () -> ()
      %dma_start3A_275 = arith.constant 4 : i32
      %dma_start3A_276 = arith.constant 0 : i32
      %dma_start3A_277 = arith.constant 0 : i32
      %dma_start3A_278 = tpu.memref_slice %arg7[%dma_start3A_275, %dma_start3A_276, %dma_start3A_277] : memref<8x2x128xi32, #tpu.memory_space<vmem>> -> memref<1x1x128xi32, #tpu.memory_space<vmem>>
      %dma_start3A_279 = tpu.memref_squeeze %dma_start3A_278 : memref<1x1x128xi32, #tpu.memory_space<vmem>> -> memref<128xi32, #tpu.memory_space<vmem>>
      %dma_start3A_280 = arith.constant 0 : i32
      %dma_start3A_281 = arith.constant 0 : i32
      %dma_start3A_282 = tpu.memref_slice %arg2[%dma_start3A_280, %dma_start3A_281] : memref<10240x128xf32, #tpu.memory_space<hbm>> -> memref<10240x128xf32, #tpu.memory_space<hbm>>
      tpu.enqueue_indirect_dma source(%dma_start3A_282 : memref<10240x128xf32, #tpu.memory_space<hbm>>) target(%arg8 : memref<128x128xf32, #tpu.memory_space<vmem>>) offsets(%dma_start3A_279 : memref<128xi32, #tpu.memory_space<vmem>>) semaphore(%arg12 : memref<!tpu.dma_semaphore, #tpu.memory_space<semaphore_mem>>)
      %dma_wait3A_283 = arith.constant 4 : i32
      %dma_wait3A_284 = arith.constant 0 : i32
      %dma_wait3A_285 = arith.constant 0 : i32
      %dma_wait3A_286 = tpu.memref_slice %arg7[%dma_wait3A_283, %dma_wait3A_284, %dma_wait3A_285] : memref<8x2x128xi32, #tpu.memory_space<vmem>> -> memref<1x1x128xi32, #tpu.memory_space<vmem>>
      %dma_wait3A_287 = tpu.memref_squeeze %dma_wait3A_286 : memref<1x1x128xi32, #tpu.memory_space<vmem>> -> memref<128xi32, #tpu.memory_space<vmem>>
      %dma_wait3A_288 = arith.constant 0 : i32
      %dma_wait3A_289 = arith.constant 0 : i32
      %dma_wait3A_290 = tpu.memref_slice %arg2[%dma_wait3A_288, %dma_wait3A_289] : memref<10240x128xf32, #tpu.memory_space<hbm>> -> memref<10240x128xf32, #tpu.memory_space<hbm>>
      tpu.wait_indirect_dma semaphore(%arg12 : memref<!tpu.dma_semaphore, #tpu.memory_space<semaphore_mem>>) src(%dma_wait3A_290 : memref<10240x128xf32, #tpu.memory_space<hbm>>) dst(%arg8 : memref<128x128xf32, #tpu.memory_space<vmem>>)
      %run_scoped3A_291 = arith.constant 4 : i32
      %run_scoped3A_292 = arith.constant 1 : i32
      "tpu.region"() ({
        %run_scoped3A_347 = tpu.sem_alloc : memref<!tpu.dma_semaphore, #tpu.memory_space<semaphore_mem>>
        %dma_start3A_348 = arith.constant 0 : i32
        %dma_start3A_349 = tpu.memref_slice %arg7[%run_scoped3A_291, %run_scoped3A_292, %dma_start3A_348] : memref<8x2x128xi32, #tpu.memory_space<vmem>> -> memref<1x1x128xi32, #tpu.memory_space<vmem>>
        %dma_start3A_350 = tpu.memref_squeeze %dma_start3A_349 : memref<1x1x128xi32, #tpu.memory_space<vmem>> -> memref<128xi32, #tpu.memory_space<vmem>>
        %dma_start3A_351 = arith.constant 0 : i32
        %dma_start3A_352 = arith.constant 0 : i32
        %dma_start3A_353 = tpu.memref_slice %arg10[%dma_start3A_351, %dma_start3A_352] : memref<10240x128xf32, #tpu.memory_space<vmem_shared>> -> memref<10240x128xf32, #tpu.memory_space<vmem_shared>>
        tpu.enqueue_indirect_dma source(%arg8 : memref<128x128xf32, #tpu.memory_space<vmem>>) target(%dma_start3A_353 : memref<10240x128xf32, #tpu.memory_space<vmem_shared>>) offsets(%dma_start3A_350 : memref<128xi32, #tpu.memory_space<vmem>>) semaphore(%run_scoped3A_347 : memref<!tpu.dma_semaphore, #tpu.memory_space<semaphore_mem>>) {add = true}
        %dma_wait3A_354 = arith.constant 0 : i32
        %dma_wait3A_355 = tpu.memref_slice %arg7[%run_scoped3A_291, %run_scoped3A_292, %dma_wait3A_354] : memref<8x2x128xi32, #tpu.memory_space<vmem>> -> memref<1x1x128xi32, #tpu.memory_space<vmem>>
        %dma_wait3A_356 = tpu.memref_squeeze %dma_wait3A_355 : memref<1x1x128xi32, #tpu.memory_space<vmem>> -> memref<128xi32, #tpu.memory_space<vmem>>
        %dma_wait3A_357 = arith.constant 0 : i32
        %dma_wait3A_358 = arith.constant 0 : i32
        %dma_wait3A_359 = tpu.memref_slice %arg10[%dma_wait3A_357, %dma_wait3A_358] : memref<10240x128xf32, #tpu.memory_space<vmem_shared>> -> memref<10240x128xf32, #tpu.memory_space<vmem_shared>>
        tpu.wait_indirect_dma semaphore(%run_scoped3A_347 : memref<!tpu.dma_semaphore, #tpu.memory_space<semaphore_mem>>) src(%arg8 : memref<128x128xf32, #tpu.memory_space<vmem>>) dst(%dma_wait3A_359 : memref<10240x128xf32, #tpu.memory_space<vmem_shared>>)
        tpu.yield
      }) : () -> ()
      %dma_start3A_293 = arith.constant 5 : i32
      %dma_start3A_294 = arith.constant 0 : i32
      %dma_start3A_295 = arith.constant 0 : i32
      %dma_start3A_296 = tpu.memref_slice %arg7[%dma_start3A_293, %dma_start3A_294, %dma_start3A_295] : memref<8x2x128xi32, #tpu.memory_space<vmem>> -> memref<1x1x128xi32, #tpu.memory_space<vmem>>
      %dma_start3A_297 = tpu.memref_squeeze %dma_start3A_296 : memref<1x1x128xi32, #tpu.memory_space<vmem>> -> memref<128xi32, #tpu.memory_space<vmem>>
      %dma_start3A_298 = arith.constant 0 : i32
      %dma_start3A_299 = arith.constant 0 : i32
      %dma_start3A_300 = tpu.memref_slice %arg2[%dma_start3A_298, %dma_start3A_299] : memref<10240x128xf32, #tpu.memory_space<hbm>> -> memref<10240x128xf32, #tpu.memory_space<hbm>>
      tpu.enqueue_indirect_dma source(%dma_start3A_300 : memref<10240x128xf32, #tpu.memory_space<hbm>>) target(%arg8 : memref<128x128xf32, #tpu.memory_space<vmem>>) offsets(%dma_start3A_297 : memref<128xi32, #tpu.memory_space<vmem>>) semaphore(%arg12 : memref<!tpu.dma_semaphore, #tpu.memory_space<semaphore_mem>>)
      %dma_wait3A_301 = arith.constant 5 : i32
      %dma_wait3A_302 = arith.constant 0 : i32
      %dma_wait3A_303 = arith.constant 0 : i32
      %dma_wait3A_304 = tpu.memref_slice %arg7[%dma_wait3A_301, %dma_wait3A_302, %dma_wait3A_303] : memref<8x2x128xi32, #tpu.memory_space<vmem>> -> memref<1x1x128xi32, #tpu.memory_space<vmem>>
      %dma_wait3A_305 = tpu.memref_squeeze %dma_wait3A_304 : memref<1x1x128xi32, #tpu.memory_space<vmem>> -> memref<128xi32, #tpu.memory_space<vmem>>
      %dma_wait3A_306 = arith.constant 0 : i32
      %dma_wait3A_307 = arith.constant 0 : i32
      %dma_wait3A_308 = tpu.memref_slice %arg2[%dma_wait3A_306, %dma_wait3A_307] : memref<10240x128xf32, #tpu.memory_space<hbm>> -> memref<10240x128xf32, #tpu.memory_space<hbm>>
      tpu.wait_indirect_dma semaphore(%arg12 : memref<!tpu.dma_semaphore, #tpu.memory_space<semaphore_mem>>) src(%dma_wait3A_308 : memref<10240x128xf32, #tpu.memory_space<hbm>>) dst(%arg8 : memref<128x128xf32, #tpu.memory_space<vmem>>)
      %run_scoped3A_309 = arith.constant 5 : i32
      %run_scoped3A_310 = arith.constant 1 : i32
      "tpu.region"() ({
        %run_scoped3A_347 = tpu.sem_alloc : memref<!tpu.dma_semaphore, #tpu.memory_space<semaphore_mem>>
        %dma_start3A_348 = arith.constant 0 : i32
        %dma_start3A_349 = tpu.memref_slice %arg7[%run_scoped3A_309, %run_scoped3A_310, %dma_start3A_348] : memref<8x2x128xi32, #tpu.memory_space<vmem>> -> memref<1x1x128xi32, #tpu.memory_space<vmem>>
        %dma_start3A_350 = tpu.memref_squeeze %dma_start3A_349 : memref<1x1x128xi32, #tpu.memory_space<vmem>> -> memref<128xi32, #tpu.memory_space<vmem>>
        %dma_start3A_351 = arith.constant 0 : i32
        %dma_start3A_352 = arith.constant 0 : i32
        %dma_start3A_353 = tpu.memref_slice %arg10[%dma_start3A_351, %dma_start3A_352] : memref<10240x128xf32, #tpu.memory_space<vmem_shared>> -> memref<10240x128xf32, #tpu.memory_space<vmem_shared>>
        tpu.enqueue_indirect_dma source(%arg8 : memref<128x128xf32, #tpu.memory_space<vmem>>) target(%dma_start3A_353 : memref<10240x128xf32, #tpu.memory_space<vmem_shared>>) offsets(%dma_start3A_350 : memref<128xi32, #tpu.memory_space<vmem>>) semaphore(%run_scoped3A_347 : memref<!tpu.dma_semaphore, #tpu.memory_space<semaphore_mem>>) {add = true}
        %dma_wait3A_354 = arith.constant 0 : i32
        %dma_wait3A_355 = tpu.memref_slice %arg7[%run_scoped3A_309, %run_scoped3A_310, %dma_wait3A_354] : memref<8x2x128xi32, #tpu.memory_space<vmem>> -> memref<1x1x128xi32, #tpu.memory_space<vmem>>
        %dma_wait3A_356 = tpu.memref_squeeze %dma_wait3A_355 : memref<1x1x128xi32, #tpu.memory_space<vmem>> -> memref<128xi32, #tpu.memory_space<vmem>>
        %dma_wait3A_357 = arith.constant 0 : i32
        %dma_wait3A_358 = arith.constant 0 : i32
        %dma_wait3A_359 = tpu.memref_slice %arg10[%dma_wait3A_357, %dma_wait3A_358] : memref<10240x128xf32, #tpu.memory_space<vmem_shared>> -> memref<10240x128xf32, #tpu.memory_space<vmem_shared>>
        tpu.wait_indirect_dma semaphore(%run_scoped3A_347 : memref<!tpu.dma_semaphore, #tpu.memory_space<semaphore_mem>>) src(%arg8 : memref<128x128xf32, #tpu.memory_space<vmem>>) dst(%dma_wait3A_359 : memref<10240x128xf32, #tpu.memory_space<vmem_shared>>)
        tpu.yield
      }) : () -> ()
      %dma_start3A_311 = arith.constant 6 : i32
      %dma_start3A_312 = arith.constant 0 : i32
      %dma_start3A_313 = arith.constant 0 : i32
      %dma_start3A_314 = tpu.memref_slice %arg7[%dma_start3A_311, %dma_start3A_312, %dma_start3A_313] : memref<8x2x128xi32, #tpu.memory_space<vmem>> -> memref<1x1x128xi32, #tpu.memory_space<vmem>>
      %dma_start3A_315 = tpu.memref_squeeze %dma_start3A_314 : memref<1x1x128xi32, #tpu.memory_space<vmem>> -> memref<128xi32, #tpu.memory_space<vmem>>
      %dma_start3A_316 = arith.constant 0 : i32
      %dma_start3A_317 = arith.constant 0 : i32
      %dma_start3A_318 = tpu.memref_slice %arg2[%dma_start3A_316, %dma_start3A_317] : memref<10240x128xf32, #tpu.memory_space<hbm>> -> memref<10240x128xf32, #tpu.memory_space<hbm>>
      tpu.enqueue_indirect_dma source(%dma_start3A_318 : memref<10240x128xf32, #tpu.memory_space<hbm>>) target(%arg8 : memref<128x128xf32, #tpu.memory_space<vmem>>) offsets(%dma_start3A_315 : memref<128xi32, #tpu.memory_space<vmem>>) semaphore(%arg12 : memref<!tpu.dma_semaphore, #tpu.memory_space<semaphore_mem>>)
      %dma_wait3A_319 = arith.constant 6 : i32
      %dma_wait3A_320 = arith.constant 0 : i32
      %dma_wait3A_321 = arith.constant 0 : i32
      %dma_wait3A_322 = tpu.memref_slice %arg7[%dma_wait3A_319, %dma_wait3A_320, %dma_wait3A_321] : memref<8x2x128xi32, #tpu.memory_space<vmem>> -> memref<1x1x128xi32, #tpu.memory_space<vmem>>
      %dma_wait3A_323 = tpu.memref_squeeze %dma_wait3A_322 : memref<1x1x128xi32, #tpu.memory_space<vmem>> -> memref<128xi32, #tpu.memory_space<vmem>>
      %dma_wait3A_324 = arith.constant 0 : i32
      %dma_wait3A_325 = arith.constant 0 : i32
      %dma_wait3A_326 = tpu.memref_slice %arg2[%dma_wait3A_324, %dma_wait3A_325] : memref<10240x128xf32, #tpu.memory_space<hbm>> -> memref<10240x128xf32, #tpu.memory_space<hbm>>
      tpu.wait_indirect_dma semaphore(%arg12 : memref<!tpu.dma_semaphore, #tpu.memory_space<semaphore_mem>>) src(%dma_wait3A_326 : memref<10240x128xf32, #tpu.memory_space<hbm>>) dst(%arg8 : memref<128x128xf32, #tpu.memory_space<vmem>>)
      %run_scoped3A_327 = arith.constant 6 : i32
      %run_scoped3A_328 = arith.constant 1 : i32
      "tpu.region"() ({
        %run_scoped3A_347 = tpu.sem_alloc : memref<!tpu.dma_semaphore, #tpu.memory_space<semaphore_mem>>
        %dma_start3A_348 = arith.constant 0 : i32
        %dma_start3A_349 = tpu.memref_slice %arg7[%run_scoped3A_327, %run_scoped3A_328, %dma_start3A_348] : memref<8x2x128xi32, #tpu.memory_space<vmem>> -> memref<1x1x128xi32, #tpu.memory_space<vmem>>
        %dma_start3A_350 = tpu.memref_squeeze %dma_start3A_349 : memref<1x1x128xi32, #tpu.memory_space<vmem>> -> memref<128xi32, #tpu.memory_space<vmem>>
        %dma_start3A_351 = arith.constant 0 : i32
        %dma_start3A_352 = arith.constant 0 : i32
        %dma_start3A_353 = tpu.memref_slice %arg10[%dma_start3A_351, %dma_start3A_352] : memref<10240x128xf32, #tpu.memory_space<vmem_shared>> -> memref<10240x128xf32, #tpu.memory_space<vmem_shared>>
        tpu.enqueue_indirect_dma source(%arg8 : memref<128x128xf32, #tpu.memory_space<vmem>>) target(%dma_start3A_353 : memref<10240x128xf32, #tpu.memory_space<vmem_shared>>) offsets(%dma_start3A_350 : memref<128xi32, #tpu.memory_space<vmem>>) semaphore(%run_scoped3A_347 : memref<!tpu.dma_semaphore, #tpu.memory_space<semaphore_mem>>) {add = true}
        %dma_wait3A_354 = arith.constant 0 : i32
        %dma_wait3A_355 = tpu.memref_slice %arg7[%run_scoped3A_327, %run_scoped3A_328, %dma_wait3A_354] : memref<8x2x128xi32, #tpu.memory_space<vmem>> -> memref<1x1x128xi32, #tpu.memory_space<vmem>>
        %dma_wait3A_356 = tpu.memref_squeeze %dma_wait3A_355 : memref<1x1x128xi32, #tpu.memory_space<vmem>> -> memref<128xi32, #tpu.memory_space<vmem>>
        %dma_wait3A_357 = arith.constant 0 : i32
        %dma_wait3A_358 = arith.constant 0 : i32
        %dma_wait3A_359 = tpu.memref_slice %arg10[%dma_wait3A_357, %dma_wait3A_358] : memref<10240x128xf32, #tpu.memory_space<vmem_shared>> -> memref<10240x128xf32, #tpu.memory_space<vmem_shared>>
        tpu.wait_indirect_dma semaphore(%run_scoped3A_347 : memref<!tpu.dma_semaphore, #tpu.memory_space<semaphore_mem>>) src(%arg8 : memref<128x128xf32, #tpu.memory_space<vmem>>) dst(%dma_wait3A_359 : memref<10240x128xf32, #tpu.memory_space<vmem_shared>>)
        tpu.yield
      }) : () -> ()
      %dma_start3A_329 = arith.constant 7 : i32
      %dma_start3A_330 = arith.constant 0 : i32
      %dma_start3A_331 = arith.constant 0 : i32
      %dma_start3A_332 = tpu.memref_slice %arg7[%dma_start3A_329, %dma_start3A_330, %dma_start3A_331] : memref<8x2x128xi32, #tpu.memory_space<vmem>> -> memref<1x1x128xi32, #tpu.memory_space<vmem>>
      %dma_start3A_333 = tpu.memref_squeeze %dma_start3A_332 : memref<1x1x128xi32, #tpu.memory_space<vmem>> -> memref<128xi32, #tpu.memory_space<vmem>>
      %dma_start3A_334 = arith.constant 0 : i32
      %dma_start3A_335 = arith.constant 0 : i32
      %dma_start3A_336 = tpu.memref_slice %arg2[%dma_start3A_334, %dma_start3A_335] : memref<10240x128xf32, #tpu.memory_space<hbm>> -> memref<10240x128xf32, #tpu.memory_space<hbm>>
      tpu.enqueue_indirect_dma source(%dma_start3A_336 : memref<10240x128xf32, #tpu.memory_space<hbm>>) target(%arg8 : memref<128x128xf32, #tpu.memory_space<vmem>>) offsets(%dma_start3A_333 : memref<128xi32, #tpu.memory_space<vmem>>) semaphore(%arg12 : memref<!tpu.dma_semaphore, #tpu.memory_space<semaphore_mem>>)
      %dma_wait3A_337 = arith.constant 7 : i32
      %dma_wait3A_338 = arith.constant 0 : i32
      %dma_wait3A_339 = arith.constant 0 : i32
      %dma_wait3A_340 = tpu.memref_slice %arg7[%dma_wait3A_337, %dma_wait3A_338, %dma_wait3A_339] : memref<8x2x128xi32, #tpu.memory_space<vmem>> -> memref<1x1x128xi32, #tpu.memory_space<vmem>>
      %dma_wait3A_341 = tpu.memref_squeeze %dma_wait3A_340 : memref<1x1x128xi32, #tpu.memory_space<vmem>> -> memref<128xi32, #tpu.memory_space<vmem>>
      %dma_wait3A_342 = arith.constant 0 : i32
      %dma_wait3A_343 = arith.constant 0 : i32
      %dma_wait3A_344 = tpu.memref_slice %arg2[%dma_wait3A_342, %dma_wait3A_343] : memref<10240x128xf32, #tpu.memory_space<hbm>> -> memref<10240x128xf32, #tpu.memory_space<hbm>>
      tpu.wait_indirect_dma semaphore(%arg12 : memref<!tpu.dma_semaphore, #tpu.memory_space<semaphore_mem>>) src(%dma_wait3A_344 : memref<10240x128xf32, #tpu.memory_space<hbm>>) dst(%arg8 : memref<128x128xf32, #tpu.memory_space<vmem>>)
      %run_scoped3A_345 = arith.constant 7 : i32
      %run_scoped3A_346 = arith.constant 1 : i32
      "tpu.region"() ({
        %run_scoped3A_347 = tpu.sem_alloc : memref<!tpu.dma_semaphore, #tpu.memory_space<semaphore_mem>>
        %dma_start3A_348 = arith.constant 0 : i32
        %dma_start3A_349 = tpu.memref_slice %arg7[%run_scoped3A_345, %run_scoped3A_346, %dma_start3A_348] : memref<8x2x128xi32, #tpu.memory_space<vmem>> -> memref<1x1x128xi32, #tpu.memory_space<vmem>>
        %dma_start3A_350 = tpu.memref_squeeze %dma_start3A_349 : memref<1x1x128xi32, #tpu.memory_space<vmem>> -> memref<128xi32, #tpu.memory_space<vmem>>
        %dma_start3A_351 = arith.constant 0 : i32
        %dma_start3A_352 = arith.constant 0 : i32
        %dma_start3A_353 = tpu.memref_slice %arg10[%dma_start3A_351, %dma_start3A_352] : memref<10240x128xf32, #tpu.memory_space<vmem_shared>> -> memref<10240x128xf32, #tpu.memory_space<vmem_shared>>
        tpu.enqueue_indirect_dma source(%arg8 : memref<128x128xf32, #tpu.memory_space<vmem>>) target(%dma_start3A_353 : memref<10240x128xf32, #tpu.memory_space<vmem_shared>>) offsets(%dma_start3A_350 : memref<128xi32, #tpu.memory_space<vmem>>) semaphore(%run_scoped3A_347 : memref<!tpu.dma_semaphore, #tpu.memory_space<semaphore_mem>>) {add = true}
        %dma_wait3A_354 = arith.constant 0 : i32
        %dma_wait3A_355 = tpu.memref_slice %arg7[%run_scoped3A_345, %run_scoped3A_346, %dma_wait3A_354] : memref<8x2x128xi32, #tpu.memory_space<vmem>> -> memref<1x1x128xi32, #tpu.memory_space<vmem>>
        %dma_wait3A_356 = tpu.memref_squeeze %dma_wait3A_355 : memref<1x1x128xi32, #tpu.memory_space<vmem>> -> memref<128xi32, #tpu.memory_space<vmem>>
        %dma_wait3A_357 = arith.constant 0 : i32
        %dma_wait3A_358 = arith.constant 0 : i32
        %dma_wait3A_359 = tpu.memref_slice %arg10[%dma_wait3A_357, %dma_wait3A_358] : memref<10240x128xf32, #tpu.memory_space<vmem_shared>> -> memref<10240x128xf32, #tpu.memory_space<vmem_shared>>
        tpu.wait_indirect_dma semaphore(%run_scoped3A_347 : memref<!tpu.dma_semaphore, #tpu.memory_space<semaphore_mem>>) src(%arg8 : memref<128x128xf32, #tpu.memory_space<vmem>>) dst(%dma_wait3A_359 : memref<10240x128xf32, #tpu.memory_space<vmem_shared>>)
        tpu.yield
      }) : () -> ()
    }
    %scan3A_9 = arith.constant 5 : i32
    %barrier3A_10 = arith.constant 0 : index
    tpu.barrier barrier_id(%barrier3A_10)
    "tpu.region"() ({
      %run_scoped3A = tpu.sem_alloc : memref<!tpu.dma_semaphore, #tpu.memory_space<semaphore_mem>>
      %dma_start3A = arith.constant 0 : i32
      %dma_start3A_11 = tpu.memref_slice %arg5[%arg0, %mul3A_2, %dma_start3A] : memref<2x10240x128xf32, #tpu.memory_space<hbm>> -> memref<1x640x128xf32, #tpu.memory_space<hbm>>
      %dma_start3A_12 = tpu.memref_squeeze %dma_start3A_11 : memref<1x640x128xf32, #tpu.memory_space<hbm>> -> memref<640x128xf32, #tpu.memory_space<hbm>>
      %dma_start3A_13 = arith.constant 0 : i32
      %dma_start3A_14 = tpu.memref_slice %arg10[%mul3A_2, %dma_start3A_13] : memref<10240x128xf32, #tpu.memory_space<vmem_shared>> -> memref<640x128xf32, #tpu.memory_space<vmem_shared>>
      tpu.enqueue_dma source(%dma_start3A_14 : memref<640x128xf32, #tpu.memory_space<vmem_shared>>) target(%dma_start3A_12 : memref<640x128xf32, #tpu.memory_space<hbm>>) target_semaphore(%run_scoped3A : memref<!tpu.dma_semaphore, #tpu.memory_space<semaphore_mem>>)
      %dma_wait3A = arith.constant 0 : i32
      %dma_wait3A_15 = tpu.memref_slice %arg5[%arg0, %mul3A_2, %dma_wait3A] : memref<2x10240x128xf32, #tpu.memory_space<hbm>> -> memref<1x640x128xf32, #tpu.memory_space<hbm>>
      %dma_wait3A_16 = tpu.memref_squeeze %dma_wait3A_15 : memref<1x640x128xf32, #tpu.memory_space<hbm>> -> memref<640x128xf32, #tpu.memory_space<hbm>>
      %dma_wait3A_17 = arith.constant 0 : i32
      %dma_wait3A_18 = tpu.memref_slice %arg10[%mul3A_2, %dma_wait3A_17] : memref<10240x128xf32, #tpu.memory_space<vmem_shared>> -> memref<640x128xf32, #tpu.memory_space<vmem_shared>>
      tpu.wait_dma2 semaphore(%run_scoped3A : memref<!tpu.dma_semaphore, #tpu.memory_space<semaphore_mem>>) src(%dma_wait3A_18 : memref<640x128xf32, #tpu.memory_space<vmem_shared>>) dst(%dma_wait3A_16 : memref<640x128xf32, #tpu.memory_space<hbm>>)
      tpu.yield
    }) : () -> ()
    return
  }
}

#map = affine_map<(d0, d1) -> (0, 0)>
#map1 = affine_map<(d0, d1) -> (0, 0, 0, 0)>
#map2 = affine_map<(d0, d1) -> (0, 0, 0)>
module attributes {stable_mosaic.version = 14 : i64} {
  func.func @_scat_kernel_body(%arg0: i32, %arg1: i32, %arg2: memref<10240x128xf32, #tpu.memory_space<hbm>>, %arg3: memref<320x8x2x128xi32, #tpu.memory_space<hbm>>, %arg4: memref<10240x128xf32, #tpu.memory_space<hbm>>, %arg5: memref<2x10240x128xf32, #tpu.memory_space<hbm>>, %arg6: memref<8x2x128xi32, #tpu.memory_space<vmem>>, %arg7: memref<8x2x128xi32, #tpu.memory_space<vmem>>, %arg8: memref<128x128xf32, #tpu.memory_space<vmem>>, %arg9: memref<128x128xf32, #tpu.memory_space<vmem>>, %arg10: memref<10240x128xf32, #tpu.memory_space<vmem_shared>>, %arg11: memref<!tpu.dma_semaphore, #tpu.memory_space<semaphore_mem>>, %arg12: memref<!tpu.dma_semaphore, #tpu.memory_space<semaphore_mem>>, %arg13: memref<!tpu.dma_semaphore, #tpu.memory_space<semaphore_mem>>) attributes {dimension_semantics = [#tpu.dimension_semantics<core_parallel>, #tpu.dimension_semantics<subcore_parallel>], iteration_bounds = array<i64: 2, 16>, scalar_prefetch = 0 : i64, scratch_operands = 8 : i64, tpu.core_type = #tpu.core_type<sc_vector_subcore>, window_params = [{transform_indices = #map}, {transform_indices = #map1}, {transform_indices = #map}, {transform_indices = #map2}]} {
    %mul3A = arith.constant 16 : i32
    %mul3A_0 = arith.muli %arg0, %mul3A : i32
    %add3A = arith.addi %mul3A_0, %arg1 : i32
    %mul3A_1 = arith.constant 640 : i32
    %mul3A_2 = arith.muli %arg1, %mul3A_1 : i32
    "tpu.region"() ({
      %run_scoped3A = tpu.sem_alloc : memref<!tpu.dma_semaphore, #tpu.memory_space<semaphore_mem>>
      %dma_start3A = arith.constant 0 : i32
      %dma_start3A_11 = tpu.memref_slice %arg10[%mul3A_2, %dma_start3A] : memref<10240x128xf32, #tpu.memory_space<vmem_shared>> -> memref<640x128xf32, #tpu.memory_space<vmem_shared>>
      %dma_start3A_12 = arith.constant 0 : i32
      %dma_start3A_13 = tpu.memref_slice %arg4[%mul3A_2, %dma_start3A_12] : memref<10240x128xf32, #tpu.memory_space<hbm>> -> memref<640x128xf32, #tpu.memory_space<hbm>>
      tpu.enqueue_dma source(%dma_start3A_13 : memref<640x128xf32, #tpu.memory_space<hbm>>) target(%dma_start3A_11 : memref<640x128xf32, #tpu.memory_space<vmem_shared>>) target_semaphore(%run_scoped3A : memref<!tpu.dma_semaphore, #tpu.memory_space<semaphore_mem>>)
      %dma_wait3A = arith.constant 0 : i32
      %dma_wait3A_14 = tpu.memref_slice %arg10[%mul3A_2, %dma_wait3A] : memref<10240x128xf32, #tpu.memory_space<vmem_shared>> -> memref<640x128xf32, #tpu.memory_space<vmem_shared>>
      %dma_wait3A_15 = arith.constant 0 : i32
      %dma_wait3A_16 = tpu.memref_slice %arg4[%mul3A_2, %dma_wait3A_15] : memref<10240x128xf32, #tpu.memory_space<hbm>> -> memref<640x128xf32, #tpu.memory_space<hbm>>
      tpu.wait_dma2 semaphore(%run_scoped3A : memref<!tpu.dma_semaphore, #tpu.memory_space<semaphore_mem>>) src(%dma_wait3A_16 : memref<640x128xf32, #tpu.memory_space<hbm>>) dst(%dma_wait3A_14 : memref<640x128xf32, #tpu.memory_space<vmem_shared>>)
      tpu.yield
    }) : () -> ()
    %barrier3A = arith.constant 0 : index
    tpu.barrier barrier_id(%barrier3A)
    %mul3A_3 = arith.constant 10 : i32
    %mul3A_4 = arith.muli %add3A, %mul3A_3 : i32
    %scan3A = arith.constant 0 : i32
    %scan3A_5 = arith.constant 0 : i32
    %scan3A_6 = arith.constant 5 : i32
    %scan3A_7 = arith.addi %scan3A_5, %scan3A_6 : i32
    %scan3A_8 = arith.constant 1 : i32
    scf.for %scan3A_11 = %scan3A_5 to %scan3A_7 step %scan3A_8  : i32 {
      %mul3A_12 = arith.constant 2 : i32
      %mul3A_13 = arith.muli %mul3A_12, %scan3A_11 : i32
      %add3A_14 = arith.constant 0 : i32
      %add3A_15 = arith.addi %mul3A_13, %add3A_14 : i32
      %add3A_16 = arith.addi %mul3A_4, %add3A_15 : i32
      %dma_start3A = arith.constant 0 : i32
      %dma_start3A_17 = arith.constant 0 : i32
      %dma_start3A_18 = arith.constant 0 : i32
      %dma_start3A_19 = tpu.memref_slice %arg3[%add3A_16, %dma_start3A, %dma_start3A_17, %dma_start3A_18] : memref<320x8x2x128xi32, #tpu.memory_space<hbm>> -> memref<1x8x2x128xi32, #tpu.memory_space<hbm>>
      %dma_start3A_20 = tpu.memref_squeeze %dma_start3A_19 : memref<1x8x2x128xi32, #tpu.memory_space<hbm>> -> memref<8x2x128xi32, #tpu.memory_space<hbm>>
      %dma_start3A_21 = arith.constant 0 : i32
      %dma_start3A_22 = arith.constant 0 : i32
      %dma_start3A_23 = arith.constant 0 : i32
      %dma_start3A_24 = tpu.memref_slice %arg3[%add3A_16, %dma_start3A_21, %dma_start3A_22, %dma_start3A_23] : memref<320x8x2x128xi32, #tpu.memory_space<hbm>> -> memref<1x8x2x128xi32, #tpu.memory_space<hbm>>
      %dma_start3A_25 = tpu.memref_squeeze %dma_start3A_24 : memref<1x8x2x128xi32, #tpu.memory_space<hbm>> -> memref<8x2x128xi32, #tpu.memory_space<hbm>>
      tpu.enqueue_dma source(%dma_start3A_25 : memref<8x2x128xi32, #tpu.memory_space<hbm>>) target(%arg6 : memref<8x2x128xi32, #tpu.memory_space<vmem>>) target_semaphore(%arg11 : memref<!tpu.dma_semaphore, #tpu.memory_space<semaphore_mem>>)
      %dma_wait3A = arith.constant 0 : i32
      %dma_wait3A_26 = arith.constant 0 : i32
      %dma_wait3A_27 = arith.constant 0 : i32
      %dma_wait3A_28 = tpu.memref_slice %arg3[%add3A_16, %dma_wait3A, %dma_wait3A_26, %dma_wait3A_27] : memref<320x8x2x128xi32, #tpu.memory_space<hbm>> -> memref<1x8x2x128xi32, #tpu.memory_space<hbm>>
      %dma_wait3A_29 = tpu.memref_squeeze %dma_wait3A_28 : memref<1x8x2x128xi32, #tpu.memory_space<hbm>> -> memref<8x2x128xi32, #tpu.memory_space<hbm>>
      %dma_wait3A_30 = arith.constant 0 : i32
      %dma_wait3A_31 = arith.constant 0 : i32
      %dma_wait3A_32 = arith.constant 0 : i32
      %dma_wait3A_33 = tpu.memref_slice %arg3[%add3A_16, %dma_wait3A_30, %dma_wait3A_31, %dma_wait3A_32] : memref<320x8x2x128xi32, #tpu.memory_space<hbm>> -> memref<1x8x2x128xi32, #tpu.memory_space<hbm>>
      %dma_wait3A_34 = tpu.memref_squeeze %dma_wait3A_33 : memref<1x8x2x128xi32, #tpu.memory_space<hbm>> -> memref<8x2x128xi32, #tpu.memory_space<hbm>>
      tpu.wait_dma2 semaphore(%arg11 : memref<!tpu.dma_semaphore, #tpu.memory_space<semaphore_mem>>) src(%dma_wait3A_34 : memref<8x2x128xi32, #tpu.memory_space<hbm>>) dst(%arg6 : memref<8x2x128xi32, #tpu.memory_space<vmem>>)
      %dma_start3A_35 = arith.constant 0 : i32
      %dma_start3A_36 = arith.constant 0 : i32
      %dma_start3A_37 = arith.constant 0 : i32
      %dma_start3A_38 = tpu.memref_slice %arg6[%dma_start3A_35, %dma_start3A_36, %dma_start3A_37] : memref<8x2x128xi32, #tpu.memory_space<vmem>> -> memref<1x1x128xi32, #tpu.memory_space<vmem>>
      %dma_start3A_39 = tpu.memref_squeeze %dma_start3A_38 : memref<1x1x128xi32, #tpu.memory_space<vmem>> -> memref<128xi32, #tpu.memory_space<vmem>>
      %dma_start3A_40 = arith.constant 0 : i32
      %dma_start3A_41 = arith.constant 0 : i32
      %dma_start3A_42 = tpu.memref_slice %arg2[%dma_start3A_40, %dma_start3A_41] : memref<10240x128xf32, #tpu.memory_space<hbm>> -> memref<10240x128xf32, #tpu.memory_space<hbm>>
      tpu.enqueue_indirect_dma source(%dma_start3A_42 : memref<10240x128xf32, #tpu.memory_space<hbm>>) target(%arg8 : memref<128x128xf32, #tpu.memory_space<vmem>>) offsets(%dma_start3A_39 : memref<128xi32, #tpu.memory_space<vmem>>) semaphore(%arg12 : memref<!tpu.dma_semaphore, #tpu.memory_space<semaphore_mem>>)
      %dma_wait3A_43 = arith.constant 0 : i32
      %dma_wait3A_44 = arith.constant 0 : i32
      %dma_wait3A_45 = arith.constant 0 : i32
      %dma_wait3A_46 = tpu.memref_slice %arg6[%dma_wait3A_43, %dma_wait3A_44, %dma_wait3A_45] : memref<8x2x128xi32, #tpu.memory_space<vmem>> -> memref<1x1x128xi32, #tpu.memory_space<vmem>>
      %dma_wait3A_47 = tpu.memref_squeeze %dma_wait3A_46 : memref<1x1x128xi32, #tpu.memory_space<vmem>> -> memref<128xi32, #tpu.memory_space<vmem>>
      %dma_wait3A_48 = arith.constant 0 : i32
      %dma_wait3A_49 = arith.constant 0 : i32
      %dma_wait3A_50 = tpu.memref_slice %arg2[%dma_wait3A_48, %dma_wait3A_49] : memref<10240x128xf32, #tpu.memory_space<hbm>> -> memref<10240x128xf32, #tpu.memory_space<hbm>>
      tpu.wait_indirect_dma semaphore(%arg12 : memref<!tpu.dma_semaphore, #tpu.memory_space<semaphore_mem>>) src(%dma_wait3A_50 : memref<10240x128xf32, #tpu.memory_space<hbm>>) dst(%arg8 : memref<128x128xf32, #tpu.memory_space<vmem>>)
      %run_scoped3A = arith.constant 0 : i32
      %run_scoped3A_51 = arith.constant 1 : i32
      "tpu.region"() ({
        %run_scoped3A_347 = tpu.sem_alloc : memref<!tpu.dma_semaphore, #tpu.memory_space<semaphore_mem>>
        %dma_start3A_348 = arith.constant 0 : i32
        %dma_start3A_349 = tpu.memref_slice %arg6[%run_scoped3A, %run_scoped3A_51, %dma_start3A_348] : memref<8x2x128xi32, #tpu.memory_space<vmem>> -> memref<1x1x128xi32, #tpu.memory_space<vmem>>
        %dma_start3A_350 = tpu.memref_squeeze %dma_start3A_349 : memref<1x1x128xi32, #tpu.memory_space<vmem>> -> memref<128xi32, #tpu.memory_space<vmem>>
        %dma_start3A_351 = arith.constant 0 : i32
        %dma_start3A_352 = arith.constant 0 : i32
        %dma_start3A_353 = tpu.memref_slice %arg10[%dma_start3A_351, %dma_start3A_352] : memref<10240x128xf32, #tpu.memory_space<vmem_shared>> -> memref<10240x128xf32, #tpu.memory_space<vmem_shared>>
        tpu.enqueue_indirect_dma source(%arg8 : memref<128x128xf32, #tpu.memory_space<vmem>>) target(%dma_start3A_353 : memref<10240x128xf32, #tpu.memory_space<vmem_shared>>) offsets(%dma_start3A_350 : memref<128xi32, #tpu.memory_space<vmem>>) semaphore(%run_scoped3A_347 : memref<!tpu.dma_semaphore, #tpu.memory_space<semaphore_mem>>) {add = true}
        %dma_wait3A_354 = arith.constant 0 : i32
        %dma_wait3A_355 = tpu.memref_slice %arg6[%run_scoped3A, %run_scoped3A_51, %dma_wait3A_354] : memref<8x2x128xi32, #tpu.memory_space<vmem>> -> memref<1x1x128xi32, #tpu.memory_space<vmem>>
        %dma_wait3A_356 = tpu.memref_squeeze %dma_wait3A_355 : memref<1x1x128xi32, #tpu.memory_space<vmem>> -> memref<128xi32, #tpu.memory_space<vmem>>
        %dma_wait3A_357 = arith.constant 0 : i32
        %dma_wait3A_358 = arith.constant 0 : i32
        %dma_wait3A_359 = tpu.memref_slice %arg10[%dma_wait3A_357, %dma_wait3A_358] : memref<10240x128xf32, #tpu.memory_space<vmem_shared>> -> memref<10240x128xf32, #tpu.memory_space<vmem_shared>>
        tpu.wait_indirect_dma semaphore(%run_scoped3A_347 : memref<!tpu.dma_semaphore, #tpu.memory_space<semaphore_mem>>) src(%arg8 : memref<128x128xf32, #tpu.memory_space<vmem>>) dst(%dma_wait3A_359 : memref<10240x128xf32, #tpu.memory_space<vmem_shared>>)
        tpu.yield
      }) : () -> ()
      %dma_start3A_52 = arith.constant 1 : i32
      %dma_start3A_53 = arith.constant 0 : i32
      %dma_start3A_54 = arith.constant 0 : i32
      %dma_start3A_55 = tpu.memref_slice %arg6[%dma_start3A_52, %dma_start3A_53, %dma_start3A_54] : memref<8x2x128xi32, #tpu.memory_space<vmem>> -> memref<1x1x128xi32, #tpu.memory_space<vmem>>
      %dma_start3A_56 = tpu.memref_squeeze %dma_start3A_55 : memref<1x1x128xi32, #tpu.memory_space<vmem>> -> memref<128xi32, #tpu.memory_space<vmem>>
      %dma_start3A_57 = arith.constant 0 : i32
      %dma_start3A_58 = arith.constant 0 : i32
      %dma_start3A_59 = tpu.memref_slice %arg2[%dma_start3A_57, %dma_start3A_58] : memref<10240x128xf32, #tpu.memory_space<hbm>> -> memref<10240x128xf32, #tpu.memory_space<hbm>>
      tpu.enqueue_indirect_dma source(%dma_start3A_59 : memref<10240x128xf32, #tpu.memory_space<hbm>>) target(%arg8 : memref<128x128xf32, #tpu.memory_space<vmem>>) offsets(%dma_start3A_56 : memref<128xi32, #tpu.memory_space<vmem>>) semaphore(%arg12 : memref<!tpu.dma_semaphore, #tpu.memory_space<semaphore_mem>>)
      %dma_wait3A_60 = arith.constant 1 : i32
      %dma_wait3A_61 = arith.constant 0 : i32
      %dma_wait3A_62 = arith.constant 0 : i32
      %dma_wait3A_63 = tpu.memref_slice %arg6[%dma_wait3A_60, %dma_wait3A_61, %dma_wait3A_62] : memref<8x2x128xi32, #tpu.memory_space<vmem>> -> memref<1x1x128xi32, #tpu.memory_space<vmem>>
      %dma_wait3A_64 = tpu.memref_squeeze %dma_wait3A_63 : memref<1x1x128xi32, #tpu.memory_space<vmem>> -> memref<128xi32, #tpu.memory_space<vmem>>
      %dma_wait3A_65 = arith.constant 0 : i32
      %dma_wait3A_66 = arith.constant 0 : i32
      %dma_wait3A_67 = tpu.memref_slice %arg2[%dma_wait3A_65, %dma_wait3A_66] : memref<10240x128xf32, #tpu.memory_space<hbm>> -> memref<10240x128xf32, #tpu.memory_space<hbm>>
      tpu.wait_indirect_dma semaphore(%arg12 : memref<!tpu.dma_semaphore, #tpu.memory_space<semaphore_mem>>) src(%dma_wait3A_67 : memref<10240x128xf32, #tpu.memory_space<hbm>>) dst(%arg8 : memref<128x128xf32, #tpu.memory_space<vmem>>)
      %run_scoped3A_68 = arith.constant 1 : i32
      %run_scoped3A_69 = arith.constant 1 : i32
      "tpu.region"() ({
        %run_scoped3A_347 = tpu.sem_alloc : memref<!tpu.dma_semaphore, #tpu.memory_space<semaphore_mem>>
        %dma_start3A_348 = arith.constant 0 : i32
        %dma_start3A_349 = tpu.memref_slice %arg6[%run_scoped3A_68, %run_scoped3A_69, %dma_start3A_348] : memref<8x2x128xi32, #tpu.memory_space<vmem>> -> memref<1x1x128xi32, #tpu.memory_space<vmem>>
        %dma_start3A_350 = tpu.memref_squeeze %dma_start3A_349 : memref<1x1x128xi32, #tpu.memory_space<vmem>> -> memref<128xi32, #tpu.memory_space<vmem>>
        %dma_start3A_351 = arith.constant 0 : i32
        %dma_start3A_352 = arith.constant 0 : i32
        %dma_start3A_353 = tpu.memref_slice %arg10[%dma_start3A_351, %dma_start3A_352] : memref<10240x128xf32, #tpu.memory_space<vmem_shared>> -> memref<10240x128xf32, #tpu.memory_space<vmem_shared>>
        tpu.enqueue_indirect_dma source(%arg8 : memref<128x128xf32, #tpu.memory_space<vmem>>) target(%dma_start3A_353 : memref<10240x128xf32, #tpu.memory_space<vmem_shared>>) offsets(%dma_start3A_350 : memref<128xi32, #tpu.memory_space<vmem>>) semaphore(%run_scoped3A_347 : memref<!tpu.dma_semaphore, #tpu.memory_space<semaphore_mem>>) {add = true}
        %dma_wait3A_354 = arith.constant 0 : i32
        %dma_wait3A_355 = tpu.memref_slice %arg6[%run_scoped3A_68, %run_scoped3A_69, %dma_wait3A_354] : memref<8x2x128xi32, #tpu.memory_space<vmem>> -> memref<1x1x128xi32, #tpu.memory_space<vmem>>
        %dma_wait3A_356 = tpu.memref_squeeze %dma_wait3A_355 : memref<1x1x128xi32, #tpu.memory_space<vmem>> -> memref<128xi32, #tpu.memory_space<vmem>>
        %dma_wait3A_357 = arith.constant 0 : i32
        %dma_wait3A_358 = arith.constant 0 : i32
        %dma_wait3A_359 = tpu.memref_slice %arg10[%dma_wait3A_357, %dma_wait3A_358] : memref<10240x128xf32, #tpu.memory_space<vmem_shared>> -> memref<10240x128xf32, #tpu.memory_space<vmem_shared>>
        tpu.wait_indirect_dma semaphore(%run_scoped3A_347 : memref<!tpu.dma_semaphore, #tpu.memory_space<semaphore_mem>>) src(%arg8 : memref<128x128xf32, #tpu.memory_space<vmem>>) dst(%dma_wait3A_359 : memref<10240x128xf32, #tpu.memory_space<vmem_shared>>)
        tpu.yield
      }) : () -> ()
      %dma_start3A_70 = arith.constant 2 : i32
      %dma_start3A_71 = arith.constant 0 : i32
      %dma_start3A_72 = arith.constant 0 : i32
      %dma_start3A_73 = tpu.memref_slice %arg6[%dma_start3A_70, %dma_start3A_71, %dma_start3A_72] : memref<8x2x128xi32, #tpu.memory_space<vmem>> -> memref<1x1x128xi32, #tpu.memory_space<vmem>>
      %dma_start3A_74 = tpu.memref_squeeze %dma_start3A_73 : memref<1x1x128xi32, #tpu.memory_space<vmem>> -> memref<128xi32, #tpu.memory_space<vmem>>
      %dma_start3A_75 = arith.constant 0 : i32
      %dma_start3A_76 = arith.constant 0 : i32
      %dma_start3A_77 = tpu.memref_slice %arg2[%dma_start3A_75, %dma_start3A_76] : memref<10240x128xf32, #tpu.memory_space<hbm>> -> memref<10240x128xf32, #tpu.memory_space<hbm>>
      tpu.enqueue_indirect_dma source(%dma_start3A_77 : memref<10240x128xf32, #tpu.memory_space<hbm>>) target(%arg8 : memref<128x128xf32, #tpu.memory_space<vmem>>) offsets(%dma_start3A_74 : memref<128xi32, #tpu.memory_space<vmem>>) semaphore(%arg12 : memref<!tpu.dma_semaphore, #tpu.memory_space<semaphore_mem>>)
      %dma_wait3A_78 = arith.constant 2 : i32
      %dma_wait3A_79 = arith.constant 0 : i32
      %dma_wait3A_80 = arith.constant 0 : i32
      %dma_wait3A_81 = tpu.memref_slice %arg6[%dma_wait3A_78, %dma_wait3A_79, %dma_wait3A_80] : memref<8x2x128xi32, #tpu.memory_space<vmem>> -> memref<1x1x128xi32, #tpu.memory_space<vmem>>
      %dma_wait3A_82 = tpu.memref_squeeze %dma_wait3A_81 : memref<1x1x128xi32, #tpu.memory_space<vmem>> -> memref<128xi32, #tpu.memory_space<vmem>>
      %dma_wait3A_83 = arith.constant 0 : i32
      %dma_wait3A_84 = arith.constant 0 : i32
      %dma_wait3A_85 = tpu.memref_slice %arg2[%dma_wait3A_83, %dma_wait3A_84] : memref<10240x128xf32, #tpu.memory_space<hbm>> -> memref<10240x128xf32, #tpu.memory_space<hbm>>
      tpu.wait_indirect_dma semaphore(%arg12 : memref<!tpu.dma_semaphore, #tpu.memory_space<semaphore_mem>>) src(%dma_wait3A_85 : memref<10240x128xf32, #tpu.memory_space<hbm>>) dst(%arg8 : memref<128x128xf32, #tpu.memory_space<vmem>>)
      %run_scoped3A_86 = arith.constant 2 : i32
      %run_scoped3A_87 = arith.constant 1 : i32
      "tpu.region"() ({
        %run_scoped3A_347 = tpu.sem_alloc : memref<!tpu.dma_semaphore, #tpu.memory_space<semaphore_mem>>
        %dma_start3A_348 = arith.constant 0 : i32
        %dma_start3A_349 = tpu.memref_slice %arg6[%run_scoped3A_86, %run_scoped3A_87, %dma_start3A_348] : memref<8x2x128xi32, #tpu.memory_space<vmem>> -> memref<1x1x128xi32, #tpu.memory_space<vmem>>
        %dma_start3A_350 = tpu.memref_squeeze %dma_start3A_349 : memref<1x1x128xi32, #tpu.memory_space<vmem>> -> memref<128xi32, #tpu.memory_space<vmem>>
        %dma_start3A_351 = arith.constant 0 : i32
        %dma_start3A_352 = arith.constant 0 : i32
        %dma_start3A_353 = tpu.memref_slice %arg10[%dma_start3A_351, %dma_start3A_352] : memref<10240x128xf32, #tpu.memory_space<vmem_shared>> -> memref<10240x128xf32, #tpu.memory_space<vmem_shared>>
        tpu.enqueue_indirect_dma source(%arg8 : memref<128x128xf32, #tpu.memory_space<vmem>>) target(%dma_start3A_353 : memref<10240x128xf32, #tpu.memory_space<vmem_shared>>) offsets(%dma_start3A_350 : memref<128xi32, #tpu.memory_space<vmem>>) semaphore(%run_scoped3A_347 : memref<!tpu.dma_semaphore, #tpu.memory_space<semaphore_mem>>) {add = true}
        %dma_wait3A_354 = arith.constant 0 : i32
        %dma_wait3A_355 = tpu.memref_slice %arg6[%run_scoped3A_86, %run_scoped3A_87, %dma_wait3A_354] : memref<8x2x128xi32, #tpu.memory_space<vmem>> -> memref<1x1x128xi32, #tpu.memory_space<vmem>>
        %dma_wait3A_356 = tpu.memref_squeeze %dma_wait3A_355 : memref<1x1x128xi32, #tpu.memory_space<vmem>> -> memref<128xi32, #tpu.memory_space<vmem>>
        %dma_wait3A_357 = arith.constant 0 : i32
        %dma_wait3A_358 = arith.constant 0 : i32
        %dma_wait3A_359 = tpu.memref_slice %arg10[%dma_wait3A_357, %dma_wait3A_358] : memref<10240x128xf32, #tpu.memory_space<vmem_shared>> -> memref<10240x128xf32, #tpu.memory_space<vmem_shared>>
        tpu.wait_indirect_dma semaphore(%run_scoped3A_347 : memref<!tpu.dma_semaphore, #tpu.memory_space<semaphore_mem>>) src(%arg8 : memref<128x128xf32, #tpu.memory_space<vmem>>) dst(%dma_wait3A_359 : memref<10240x128xf32, #tpu.memory_space<vmem_shared>>)
        tpu.yield
      }) : () -> ()
      %dma_start3A_88 = arith.constant 3 : i32
      %dma_start3A_89 = arith.constant 0 : i32
      %dma_start3A_90 = arith.constant 0 : i32
      %dma_start3A_91 = tpu.memref_slice %arg6[%dma_start3A_88, %dma_start3A_89, %dma_start3A_90] : memref<8x2x128xi32, #tpu.memory_space<vmem>> -> memref<1x1x128xi32, #tpu.memory_space<vmem>>
      %dma_start3A_92 = tpu.memref_squeeze %dma_start3A_91 : memref<1x1x128xi32, #tpu.memory_space<vmem>> -> memref<128xi32, #tpu.memory_space<vmem>>
      %dma_start3A_93 = arith.constant 0 : i32
      %dma_start3A_94 = arith.constant 0 : i32
      %dma_start3A_95 = tpu.memref_slice %arg2[%dma_start3A_93, %dma_start3A_94] : memref<10240x128xf32, #tpu.memory_space<hbm>> -> memref<10240x128xf32, #tpu.memory_space<hbm>>
      tpu.enqueue_indirect_dma source(%dma_start3A_95 : memref<10240x128xf32, #tpu.memory_space<hbm>>) target(%arg8 : memref<128x128xf32, #tpu.memory_space<vmem>>) offsets(%dma_start3A_92 : memref<128xi32, #tpu.memory_space<vmem>>) semaphore(%arg12 : memref<!tpu.dma_semaphore, #tpu.memory_space<semaphore_mem>>)
      %dma_wait3A_96 = arith.constant 3 : i32
      %dma_wait3A_97 = arith.constant 0 : i32
      %dma_wait3A_98 = arith.constant 0 : i32
      %dma_wait3A_99 = tpu.memref_slice %arg6[%dma_wait3A_96, %dma_wait3A_97, %dma_wait3A_98] : memref<8x2x128xi32, #tpu.memory_space<vmem>> -> memref<1x1x128xi32, #tpu.memory_space<vmem>>
      %dma_wait3A_100 = tpu.memref_squeeze %dma_wait3A_99 : memref<1x1x128xi32, #tpu.memory_space<vmem>> -> memref<128xi32, #tpu.memory_space<vmem>>
      %dma_wait3A_101 = arith.constant 0 : i32
      %dma_wait3A_102 = arith.constant 0 : i32
      %dma_wait3A_103 = tpu.memref_slice %arg2[%dma_wait3A_101, %dma_wait3A_102] : memref<10240x128xf32, #tpu.memory_space<hbm>> -> memref<10240x128xf32, #tpu.memory_space<hbm>>
      tpu.wait_indirect_dma semaphore(%arg12 : memref<!tpu.dma_semaphore, #tpu.memory_space<semaphore_mem>>) src(%dma_wait3A_103 : memref<10240x128xf32, #tpu.memory_space<hbm>>) dst(%arg8 : memref<128x128xf32, #tpu.memory_space<vmem>>)
      %run_scoped3A_104 = arith.constant 3 : i32
      %run_scoped3A_105 = arith.constant 1 : i32
      "tpu.region"() ({
        %run_scoped3A_347 = tpu.sem_alloc : memref<!tpu.dma_semaphore, #tpu.memory_space<semaphore_mem>>
        %dma_start3A_348 = arith.constant 0 : i32
        %dma_start3A_349 = tpu.memref_slice %arg6[%run_scoped3A_104, %run_scoped3A_105, %dma_start3A_348] : memref<8x2x128xi32, #tpu.memory_space<vmem>> -> memref<1x1x128xi32, #tpu.memory_space<vmem>>
        %dma_start3A_350 = tpu.memref_squeeze %dma_start3A_349 : memref<1x1x128xi32, #tpu.memory_space<vmem>> -> memref<128xi32, #tpu.memory_space<vmem>>
        %dma_start3A_351 = arith.constant 0 : i32
        %dma_start3A_352 = arith.constant 0 : i32
        %dma_start3A_353 = tpu.memref_slice %arg10[%dma_start3A_351, %dma_start3A_352] : memref<10240x128xf32, #tpu.memory_space<vmem_shared>> -> memref<10240x128xf32, #tpu.memory_space<vmem_shared>>
        tpu.enqueue_indirect_dma source(%arg8 : memref<128x128xf32, #tpu.memory_space<vmem>>) target(%dma_start3A_353 : memref<10240x128xf32, #tpu.memory_space<vmem_shared>>) offsets(%dma_start3A_350 : memref<128xi32, #tpu.memory_space<vmem>>) semaphore(%run_scoped3A_347 : memref<!tpu.dma_semaphore, #tpu.memory_space<semaphore_mem>>) {add = true}
        %dma_wait3A_354 = arith.constant 0 : i32
        %dma_wait3A_355 = tpu.memref_slice %arg6[%run_scoped3A_104, %run_scoped3A_105, %dma_wait3A_354] : memref<8x2x128xi32, #tpu.memory_space<vmem>> -> memref<1x1x128xi32, #tpu.memory_space<vmem>>
        %dma_wait3A_356 = tpu.memref_squeeze %dma_wait3A_355 : memref<1x1x128xi32, #tpu.memory_space<vmem>> -> memref<128xi32, #tpu.memory_space<vmem>>
        %dma_wait3A_357 = arith.constant 0 : i32
        %dma_wait3A_358 = arith.constant 0 : i32
        %dma_wait3A_359 = tpu.memref_slice %arg10[%dma_wait3A_357, %dma_wait3A_358] : memref<10240x128xf32, #tpu.memory_space<vmem_shared>> -> memref<10240x128xf32, #tpu.memory_space<vmem_shared>>
        tpu.wait_indirect_dma semaphore(%run_scoped3A_347 : memref<!tpu.dma_semaphore, #tpu.memory_space<semaphore_mem>>) src(%arg8 : memref<128x128xf32, #tpu.memory_space<vmem>>) dst(%dma_wait3A_359 : memref<10240x128xf32, #tpu.memory_space<vmem_shared>>)
        tpu.yield
      }) : () -> ()
      %dma_start3A_106 = arith.constant 4 : i32
      %dma_start3A_107 = arith.constant 0 : i32
      %dma_start3A_108 = arith.constant 0 : i32
      %dma_start3A_109 = tpu.memref_slice %arg6[%dma_start3A_106, %dma_start3A_107, %dma_start3A_108] : memref<8x2x128xi32, #tpu.memory_space<vmem>> -> memref<1x1x128xi32, #tpu.memory_space<vmem>>
      %dma_start3A_110 = tpu.memref_squeeze %dma_start3A_109 : memref<1x1x128xi32, #tpu.memory_space<vmem>> -> memref<128xi32, #tpu.memory_space<vmem>>
      %dma_start3A_111 = arith.constant 0 : i32
      %dma_start3A_112 = arith.constant 0 : i32
      %dma_start3A_113 = tpu.memref_slice %arg2[%dma_start3A_111, %dma_start3A_112] : memref<10240x128xf32, #tpu.memory_space<hbm>> -> memref<10240x128xf32, #tpu.memory_space<hbm>>
      tpu.enqueue_indirect_dma source(%dma_start3A_113 : memref<10240x128xf32, #tpu.memory_space<hbm>>) target(%arg8 : memref<128x128xf32, #tpu.memory_space<vmem>>) offsets(%dma_start3A_110 : memref<128xi32, #tpu.memory_space<vmem>>) semaphore(%arg12 : memref<!tpu.dma_semaphore, #tpu.memory_space<semaphore_mem>>)
      %dma_wait3A_114 = arith.constant 4 : i32
      %dma_wait3A_115 = arith.constant 0 : i32
      %dma_wait3A_116 = arith.constant 0 : i32
      %dma_wait3A_117 = tpu.memref_slice %arg6[%dma_wait3A_114, %dma_wait3A_115, %dma_wait3A_116] : memref<8x2x128xi32, #tpu.memory_space<vmem>> -> memref<1x1x128xi32, #tpu.memory_space<vmem>>
      %dma_wait3A_118 = tpu.memref_squeeze %dma_wait3A_117 : memref<1x1x128xi32, #tpu.memory_space<vmem>> -> memref<128xi32, #tpu.memory_space<vmem>>
      %dma_wait3A_119 = arith.constant 0 : i32
      %dma_wait3A_120 = arith.constant 0 : i32
      %dma_wait3A_121 = tpu.memref_slice %arg2[%dma_wait3A_119, %dma_wait3A_120] : memref<10240x128xf32, #tpu.memory_space<hbm>> -> memref<10240x128xf32, #tpu.memory_space<hbm>>
      tpu.wait_indirect_dma semaphore(%arg12 : memref<!tpu.dma_semaphore, #tpu.memory_space<semaphore_mem>>) src(%dma_wait3A_121 : memref<10240x128xf32, #tpu.memory_space<hbm>>) dst(%arg8 : memref<128x128xf32, #tpu.memory_space<vmem>>)
      %run_scoped3A_122 = arith.constant 4 : i32
      %run_scoped3A_123 = arith.constant 1 : i32
      "tpu.region"() ({
        %run_scoped3A_347 = tpu.sem_alloc : memref<!tpu.dma_semaphore, #tpu.memory_space<semaphore_mem>>
        %dma_start3A_348 = arith.constant 0 : i32
        %dma_start3A_349 = tpu.memref_slice %arg6[%run_scoped3A_122, %run_scoped3A_123, %dma_start3A_348] : memref<8x2x128xi32, #tpu.memory_space<vmem>> -> memref<1x1x128xi32, #tpu.memory_space<vmem>>
        %dma_start3A_350 = tpu.memref_squeeze %dma_start3A_349 : memref<1x1x128xi32, #tpu.memory_space<vmem>> -> memref<128xi32, #tpu.memory_space<vmem>>
        %dma_start3A_351 = arith.constant 0 : i32
        %dma_start3A_352 = arith.constant 0 : i32
        %dma_start3A_353 = tpu.memref_slice %arg10[%dma_start3A_351, %dma_start3A_352] : memref<10240x128xf32, #tpu.memory_space<vmem_shared>> -> memref<10240x128xf32, #tpu.memory_space<vmem_shared>>
        tpu.enqueue_indirect_dma source(%arg8 : memref<128x128xf32, #tpu.memory_space<vmem>>) target(%dma_start3A_353 : memref<10240x128xf32, #tpu.memory_space<vmem_shared>>) offsets(%dma_start3A_350 : memref<128xi32, #tpu.memory_space<vmem>>) semaphore(%run_scoped3A_347 : memref<!tpu.dma_semaphore, #tpu.memory_space<semaphore_mem>>) {add = true}
        %dma_wait3A_354 = arith.constant 0 : i32
        %dma_wait3A_355 = tpu.memref_slice %arg6[%run_scoped3A_122, %run_scoped3A_123, %dma_wait3A_354] : memref<8x2x128xi32, #tpu.memory_space<vmem>> -> memref<1x1x128xi32, #tpu.memory_space<vmem>>
        %dma_wait3A_356 = tpu.memref_squeeze %dma_wait3A_355 : memref<1x1x128xi32, #tpu.memory_space<vmem>> -> memref<128xi32, #tpu.memory_space<vmem>>
        %dma_wait3A_357 = arith.constant 0 : i32
        %dma_wait3A_358 = arith.constant 0 : i32
        %dma_wait3A_359 = tpu.memref_slice %arg10[%dma_wait3A_357, %dma_wait3A_358] : memref<10240x128xf32, #tpu.memory_space<vmem_shared>> -> memref<10240x128xf32, #tpu.memory_space<vmem_shared>>
        tpu.wait_indirect_dma semaphore(%run_scoped3A_347 : memref<!tpu.dma_semaphore, #tpu.memory_space<semaphore_mem>>) src(%arg8 : memref<128x128xf32, #tpu.memory_space<vmem>>) dst(%dma_wait3A_359 : memref<10240x128xf32, #tpu.memory_space<vmem_shared>>)
        tpu.yield
      }) : () -> ()
      %dma_start3A_124 = arith.constant 5 : i32
      %dma_start3A_125 = arith.constant 0 : i32
      %dma_start3A_126 = arith.constant 0 : i32
      %dma_start3A_127 = tpu.memref_slice %arg6[%dma_start3A_124, %dma_start3A_125, %dma_start3A_126] : memref<8x2x128xi32, #tpu.memory_space<vmem>> -> memref<1x1x128xi32, #tpu.memory_space<vmem>>
      %dma_start3A_128 = tpu.memref_squeeze %dma_start3A_127 : memref<1x1x128xi32, #tpu.memory_space<vmem>> -> memref<128xi32, #tpu.memory_space<vmem>>
      %dma_start3A_129 = arith.constant 0 : i32
      %dma_start3A_130 = arith.constant 0 : i32
      %dma_start3A_131 = tpu.memref_slice %arg2[%dma_start3A_129, %dma_start3A_130] : memref<10240x128xf32, #tpu.memory_space<hbm>> -> memref<10240x128xf32, #tpu.memory_space<hbm>>
      tpu.enqueue_indirect_dma source(%dma_start3A_131 : memref<10240x128xf32, #tpu.memory_space<hbm>>) target(%arg8 : memref<128x128xf32, #tpu.memory_space<vmem>>) offsets(%dma_start3A_128 : memref<128xi32, #tpu.memory_space<vmem>>) semaphore(%arg12 : memref<!tpu.dma_semaphore, #tpu.memory_space<semaphore_mem>>)
      %dma_wait3A_132 = arith.constant 5 : i32
      %dma_wait3A_133 = arith.constant 0 : i32
      %dma_wait3A_134 = arith.constant 0 : i32
      %dma_wait3A_135 = tpu.memref_slice %arg6[%dma_wait3A_132, %dma_wait3A_133, %dma_wait3A_134] : memref<8x2x128xi32, #tpu.memory_space<vmem>> -> memref<1x1x128xi32, #tpu.memory_space<vmem>>
      %dma_wait3A_136 = tpu.memref_squeeze %dma_wait3A_135 : memref<1x1x128xi32, #tpu.memory_space<vmem>> -> memref<128xi32, #tpu.memory_space<vmem>>
      %dma_wait3A_137 = arith.constant 0 : i32
      %dma_wait3A_138 = arith.constant 0 : i32
      %dma_wait3A_139 = tpu.memref_slice %arg2[%dma_wait3A_137, %dma_wait3A_138] : memref<10240x128xf32, #tpu.memory_space<hbm>> -> memref<10240x128xf32, #tpu.memory_space<hbm>>
      tpu.wait_indirect_dma semaphore(%arg12 : memref<!tpu.dma_semaphore, #tpu.memory_space<semaphore_mem>>) src(%dma_wait3A_139 : memref<10240x128xf32, #tpu.memory_space<hbm>>) dst(%arg8 : memref<128x128xf32, #tpu.memory_space<vmem>>)
      %run_scoped3A_140 = arith.constant 5 : i32
      %run_scoped3A_141 = arith.constant 1 : i32
      "tpu.region"() ({
        %run_scoped3A_347 = tpu.sem_alloc : memref<!tpu.dma_semaphore, #tpu.memory_space<semaphore_mem>>
        %dma_start3A_348 = arith.constant 0 : i32
        %dma_start3A_349 = tpu.memref_slice %arg6[%run_scoped3A_140, %run_scoped3A_141, %dma_start3A_348] : memref<8x2x128xi32, #tpu.memory_space<vmem>> -> memref<1x1x128xi32, #tpu.memory_space<vmem>>
        %dma_start3A_350 = tpu.memref_squeeze %dma_start3A_349 : memref<1x1x128xi32, #tpu.memory_space<vmem>> -> memref<128xi32, #tpu.memory_space<vmem>>
        %dma_start3A_351 = arith.constant 0 : i32
        %dma_start3A_352 = arith.constant 0 : i32
        %dma_start3A_353 = tpu.memref_slice %arg10[%dma_start3A_351, %dma_start3A_352] : memref<10240x128xf32, #tpu.memory_space<vmem_shared>> -> memref<10240x128xf32, #tpu.memory_space<vmem_shared>>
        tpu.enqueue_indirect_dma source(%arg8 : memref<128x128xf32, #tpu.memory_space<vmem>>) target(%dma_start3A_353 : memref<10240x128xf32, #tpu.memory_space<vmem_shared>>) offsets(%dma_start3A_350 : memref<128xi32, #tpu.memory_space<vmem>>) semaphore(%run_scoped3A_347 : memref<!tpu.dma_semaphore, #tpu.memory_space<semaphore_mem>>) {add = true}
        %dma_wait3A_354 = arith.constant 0 : i32
        %dma_wait3A_355 = tpu.memref_slice %arg6[%run_scoped3A_140, %run_scoped3A_141, %dma_wait3A_354] : memref<8x2x128xi32, #tpu.memory_space<vmem>> -> memref<1x1x128xi32, #tpu.memory_space<vmem>>
        %dma_wait3A_356 = tpu.memref_squeeze %dma_wait3A_355 : memref<1x1x128xi32, #tpu.memory_space<vmem>> -> memref<128xi32, #tpu.memory_space<vmem>>
        %dma_wait3A_357 = arith.constant 0 : i32
        %dma_wait3A_358 = arith.constant 0 : i32
        %dma_wait3A_359 = tpu.memref_slice %arg10[%dma_wait3A_357, %dma_wait3A_358] : memref<10240x128xf32, #tpu.memory_space<vmem_shared>> -> memref<10240x128xf32, #tpu.memory_space<vmem_shared>>
        tpu.wait_indirect_dma semaphore(%run_scoped3A_347 : memref<!tpu.dma_semaphore, #tpu.memory_space<semaphore_mem>>) src(%arg8 : memref<128x128xf32, #tpu.memory_space<vmem>>) dst(%dma_wait3A_359 : memref<10240x128xf32, #tpu.memory_space<vmem_shared>>)
        tpu.yield
      }) : () -> ()
      %dma_start3A_142 = arith.constant 6 : i32
      %dma_start3A_143 = arith.constant 0 : i32
      %dma_start3A_144 = arith.constant 0 : i32
      %dma_start3A_145 = tpu.memref_slice %arg6[%dma_start3A_142, %dma_start3A_143, %dma_start3A_144] : memref<8x2x128xi32, #tpu.memory_space<vmem>> -> memref<1x1x128xi32, #tpu.memory_space<vmem>>
      %dma_start3A_146 = tpu.memref_squeeze %dma_start3A_145 : memref<1x1x128xi32, #tpu.memory_space<vmem>> -> memref<128xi32, #tpu.memory_space<vmem>>
      %dma_start3A_147 = arith.constant 0 : i32
      %dma_start3A_148 = arith.constant 0 : i32
      %dma_start3A_149 = tpu.memref_slice %arg2[%dma_start3A_147, %dma_start3A_148] : memref<10240x128xf32, #tpu.memory_space<hbm>> -> memref<10240x128xf32, #tpu.memory_space<hbm>>
      tpu.enqueue_indirect_dma source(%dma_start3A_149 : memref<10240x128xf32, #tpu.memory_space<hbm>>) target(%arg8 : memref<128x128xf32, #tpu.memory_space<vmem>>) offsets(%dma_start3A_146 : memref<128xi32, #tpu.memory_space<vmem>>) semaphore(%arg12 : memref<!tpu.dma_semaphore, #tpu.memory_space<semaphore_mem>>)
      %dma_wait3A_150 = arith.constant 6 : i32
      %dma_wait3A_151 = arith.constant 0 : i32
      %dma_wait3A_152 = arith.constant 0 : i32
      %dma_wait3A_153 = tpu.memref_slice %arg6[%dma_wait3A_150, %dma_wait3A_151, %dma_wait3A_152] : memref<8x2x128xi32, #tpu.memory_space<vmem>> -> memref<1x1x128xi32, #tpu.memory_space<vmem>>
      %dma_wait3A_154 = tpu.memref_squeeze %dma_wait3A_153 : memref<1x1x128xi32, #tpu.memory_space<vmem>> -> memref<128xi32, #tpu.memory_space<vmem>>
      %dma_wait3A_155 = arith.constant 0 : i32
      %dma_wait3A_156 = arith.constant 0 : i32
      %dma_wait3A_157 = tpu.memref_slice %arg2[%dma_wait3A_155, %dma_wait3A_156] : memref<10240x128xf32, #tpu.memory_space<hbm>> -> memref<10240x128xf32, #tpu.memory_space<hbm>>
      tpu.wait_indirect_dma semaphore(%arg12 : memref<!tpu.dma_semaphore, #tpu.memory_space<semaphore_mem>>) src(%dma_wait3A_157 : memref<10240x128xf32, #tpu.memory_space<hbm>>) dst(%arg8 : memref<128x128xf32, #tpu.memory_space<vmem>>)
      %run_scoped3A_158 = arith.constant 6 : i32
      %run_scoped3A_159 = arith.constant 1 : i32
      "tpu.region"() ({
        %run_scoped3A_347 = tpu.sem_alloc : memref<!tpu.dma_semaphore, #tpu.memory_space<semaphore_mem>>
        %dma_start3A_348 = arith.constant 0 : i32
        %dma_start3A_349 = tpu.memref_slice %arg6[%run_scoped3A_158, %run_scoped3A_159, %dma_start3A_348] : memref<8x2x128xi32, #tpu.memory_space<vmem>> -> memref<1x1x128xi32, #tpu.memory_space<vmem>>
        %dma_start3A_350 = tpu.memref_squeeze %dma_start3A_349 : memref<1x1x128xi32, #tpu.memory_space<vmem>> -> memref<128xi32, #tpu.memory_space<vmem>>
        %dma_start3A_351 = arith.constant 0 : i32
        %dma_start3A_352 = arith.constant 0 : i32
        %dma_start3A_353 = tpu.memref_slice %arg10[%dma_start3A_351, %dma_start3A_352] : memref<10240x128xf32, #tpu.memory_space<vmem_shared>> -> memref<10240x128xf32, #tpu.memory_space<vmem_shared>>
        tpu.enqueue_indirect_dma source(%arg8 : memref<128x128xf32, #tpu.memory_space<vmem>>) target(%dma_start3A_353 : memref<10240x128xf32, #tpu.memory_space<vmem_shared>>) offsets(%dma_start3A_350 : memref<128xi32, #tpu.memory_space<vmem>>) semaphore(%run_scoped3A_347 : memref<!tpu.dma_semaphore, #tpu.memory_space<semaphore_mem>>) {add = true}
        %dma_wait3A_354 = arith.constant 0 : i32
        %dma_wait3A_355 = tpu.memref_slice %arg6[%run_scoped3A_158, %run_scoped3A_159, %dma_wait3A_354] : memref<8x2x128xi32, #tpu.memory_space<vmem>> -> memref<1x1x128xi32, #tpu.memory_space<vmem>>
        %dma_wait3A_356 = tpu.memref_squeeze %dma_wait3A_355 : memref<1x1x128xi32, #tpu.memory_space<vmem>> -> memref<128xi32, #tpu.memory_space<vmem>>
        %dma_wait3A_357 = arith.constant 0 : i32
        %dma_wait3A_358 = arith.constant 0 : i32
        %dma_wait3A_359 = tpu.memref_slice %arg10[%dma_wait3A_357, %dma_wait3A_358] : memref<10240x128xf32, #tpu.memory_space<vmem_shared>> -> memref<10240x128xf32, #tpu.memory_space<vmem_shared>>
        tpu.wait_indirect_dma semaphore(%run_scoped3A_347 : memref<!tpu.dma_semaphore, #tpu.memory_space<semaphore_mem>>) src(%arg8 : memref<128x128xf32, #tpu.memory_space<vmem>>) dst(%dma_wait3A_359 : memref<10240x128xf32, #tpu.memory_space<vmem_shared>>)
        tpu.yield
      }) : () -> ()
      %dma_start3A_160 = arith.constant 7 : i32
      %dma_start3A_161 = arith.constant 0 : i32
      %dma_start3A_162 = arith.constant 0 : i32
      %dma_start3A_163 = tpu.memref_slice %arg6[%dma_start3A_160, %dma_start3A_161, %dma_start3A_162] : memref<8x2x128xi32, #tpu.memory_space<vmem>> -> memref<1x1x128xi32, #tpu.memory_space<vmem>>
      %dma_start3A_164 = tpu.memref_squeeze %dma_start3A_163 : memref<1x1x128xi32, #tpu.memory_space<vmem>> -> memref<128xi32, #tpu.memory_space<vmem>>
      %dma_start3A_165 = arith.constant 0 : i32
      %dma_start3A_166 = arith.constant 0 : i32
      %dma_start3A_167 = tpu.memref_slice %arg2[%dma_start3A_165, %dma_start3A_166] : memref<10240x128xf32, #tpu.memory_space<hbm>> -> memref<10240x128xf32, #tpu.memory_space<hbm>>
      tpu.enqueue_indirect_dma source(%dma_start3A_167 : memref<10240x128xf32, #tpu.memory_space<hbm>>) target(%arg8 : memref<128x128xf32, #tpu.memory_space<vmem>>) offsets(%dma_start3A_164 : memref<128xi32, #tpu.memory_space<vmem>>) semaphore(%arg12 : memref<!tpu.dma_semaphore, #tpu.memory_space<semaphore_mem>>)
      %dma_wait3A_168 = arith.constant 7 : i32
      %dma_wait3A_169 = arith.constant 0 : i32
      %dma_wait3A_170 = arith.constant 0 : i32
      %dma_wait3A_171 = tpu.memref_slice %arg6[%dma_wait3A_168, %dma_wait3A_169, %dma_wait3A_170] : memref<8x2x128xi32, #tpu.memory_space<vmem>> -> memref<1x1x128xi32, #tpu.memory_space<vmem>>
      %dma_wait3A_172 = tpu.memref_squeeze %dma_wait3A_171 : memref<1x1x128xi32, #tpu.memory_space<vmem>> -> memref<128xi32, #tpu.memory_space<vmem>>
      %dma_wait3A_173 = arith.constant 0 : i32
      %dma_wait3A_174 = arith.constant 0 : i32
      %dma_wait3A_175 = tpu.memref_slice %arg2[%dma_wait3A_173, %dma_wait3A_174] : memref<10240x128xf32, #tpu.memory_space<hbm>> -> memref<10240x128xf32, #tpu.memory_space<hbm>>
      tpu.wait_indirect_dma semaphore(%arg12 : memref<!tpu.dma_semaphore, #tpu.memory_space<semaphore_mem>>) src(%dma_wait3A_175 : memref<10240x128xf32, #tpu.memory_space<hbm>>) dst(%arg8 : memref<128x128xf32, #tpu.memory_space<vmem>>)
      %run_scoped3A_176 = arith.constant 7 : i32
      %run_scoped3A_177 = arith.constant 1 : i32
      "tpu.region"() ({
        %run_scoped3A_347 = tpu.sem_alloc : memref<!tpu.dma_semaphore, #tpu.memory_space<semaphore_mem>>
        %dma_start3A_348 = arith.constant 0 : i32
        %dma_start3A_349 = tpu.memref_slice %arg6[%run_scoped3A_176, %run_scoped3A_177, %dma_start3A_348] : memref<8x2x128xi32, #tpu.memory_space<vmem>> -> memref<1x1x128xi32, #tpu.memory_space<vmem>>
        %dma_start3A_350 = tpu.memref_squeeze %dma_start3A_349 : memref<1x1x128xi32, #tpu.memory_space<vmem>> -> memref<128xi32, #tpu.memory_space<vmem>>
        %dma_start3A_351 = arith.constant 0 : i32
        %dma_start3A_352 = arith.constant 0 : i32
        %dma_start3A_353 = tpu.memref_slice %arg10[%dma_start3A_351, %dma_start3A_352] : memref<10240x128xf32, #tpu.memory_space<vmem_shared>> -> memref<10240x128xf32, #tpu.memory_space<vmem_shared>>
        tpu.enqueue_indirect_dma source(%arg8 : memref<128x128xf32, #tpu.memory_space<vmem>>) target(%dma_start3A_353 : memref<10240x128xf32, #tpu.memory_space<vmem_shared>>) offsets(%dma_start3A_350 : memref<128xi32, #tpu.memory_space<vmem>>) semaphore(%run_scoped3A_347 : memref<!tpu.dma_semaphore, #tpu.memory_space<semaphore_mem>>) {add = true}
        %dma_wait3A_354 = arith.constant 0 : i32
        %dma_wait3A_355 = tpu.memref_slice %arg6[%run_scoped3A_176, %run_scoped3A_177, %dma_wait3A_354] : memref<8x2x128xi32, #tpu.memory_space<vmem>> -> memref<1x1x128xi32, #tpu.memory_space<vmem>>
        %dma_wait3A_356 = tpu.memref_squeeze %dma_wait3A_355 : memref<1x1x128xi32, #tpu.memory_space<vmem>> -> memref<128xi32, #tpu.memory_space<vmem>>
        %dma_wait3A_357 = arith.constant 0 : i32
        %dma_wait3A_358 = arith.constant 0 : i32
        %dma_wait3A_359 = tpu.memref_slice %arg10[%dma_wait3A_357, %dma_wait3A_358] : memref<10240x128xf32, #tpu.memory_space<vmem_shared>> -> memref<10240x128xf32, #tpu.memory_space<vmem_shared>>
        tpu.wait_indirect_dma semaphore(%run_scoped3A_347 : memref<!tpu.dma_semaphore, #tpu.memory_space<semaphore_mem>>) src(%arg8 : memref<128x128xf32, #tpu.memory_space<vmem>>) dst(%dma_wait3A_359 : memref<10240x128xf32, #tpu.memory_space<vmem_shared>>)
        tpu.yield
      }) : () -> ()
      %mul3A_178 = arith.constant 2 : i32
      %mul3A_179 = arith.muli %mul3A_178, %scan3A_11 : i32
      %add3A_180 = arith.constant 1 : i32
      %add3A_181 = arith.addi %mul3A_179, %add3A_180 : i32
      %add3A_182 = arith.addi %mul3A_4, %add3A_181 : i32
      %dma_start3A_183 = arith.constant 0 : i32
      %dma_start3A_184 = arith.constant 0 : i32
      %dma_start3A_185 = arith.constant 0 : i32
      %dma_start3A_186 = tpu.memref_slice %arg3[%add3A_182, %dma_start3A_183, %dma_start3A_184, %dma_start3A_185] : memref<320x8x2x128xi32, #tpu.memory_space<hbm>> -> memref<1x8x2x128xi32, #tpu.memory_space<hbm>>
      %dma_start3A_187 = tpu.memref_squeeze %dma_start3A_186 : memref<1x8x2x128xi32, #tpu.memory_space<hbm>> -> memref<8x2x128xi32, #tpu.memory_space<hbm>>
      %dma_start3A_188 = arith.constant 0 : i32
      %dma_start3A_189 = arith.constant 0 : i32
      %dma_start3A_190 = arith.constant 0 : i32
      %dma_start3A_191 = tpu.memref_slice %arg3[%add3A_182, %dma_start3A_188, %dma_start3A_189, %dma_start3A_190] : memref<320x8x2x128xi32, #tpu.memory_space<hbm>> -> memref<1x8x2x128xi32, #tpu.memory_space<hbm>>
      %dma_start3A_192 = tpu.memref_squeeze %dma_start3A_191 : memref<1x8x2x128xi32, #tpu.memory_space<hbm>> -> memref<8x2x128xi32, #tpu.memory_space<hbm>>
      tpu.enqueue_dma source(%dma_start3A_192 : memref<8x2x128xi32, #tpu.memory_space<hbm>>) target(%arg7 : memref<8x2x128xi32, #tpu.memory_space<vmem>>) target_semaphore(%arg11 : memref<!tpu.dma_semaphore, #tpu.memory_space<semaphore_mem>>)
      %dma_wait3A_193 = arith.constant 0 : i32
      %dma_wait3A_194 = arith.constant 0 : i32
      %dma_wait3A_195 = arith.constant 0 : i32
      %dma_wait3A_196 = tpu.memref_slice %arg3[%add3A_182, %dma_wait3A_193, %dma_wait3A_194, %dma_wait3A_195] : memref<320x8x2x128xi32, #tpu.memory_space<hbm>> -> memref<1x8x2x128xi32, #tpu.memory_space<hbm>>
      %dma_wait3A_197 = tpu.memref_squeeze %dma_wait3A_196 : memref<1x8x2x128xi32, #tpu.memory_space<hbm>> -> memref<8x2x128xi32, #tpu.memory_space<hbm>>
      %dma_wait3A_198 = arith.constant 0 : i32
      %dma_wait3A_199 = arith.constant 0 : i32
      %dma_wait3A_200 = arith.constant 0 : i32
      %dma_wait3A_201 = tpu.memref_slice %arg3[%add3A_182, %dma_wait3A_198, %dma_wait3A_199, %dma_wait3A_200] : memref<320x8x2x128xi32, #tpu.memory_space<hbm>> -> memref<1x8x2x128xi32, #tpu.memory_space<hbm>>
      %dma_wait3A_202 = tpu.memref_squeeze %dma_wait3A_201 : memref<1x8x2x128xi32, #tpu.memory_space<hbm>> -> memref<8x2x128xi32, #tpu.memory_space<hbm>>
      tpu.wait_dma2 semaphore(%arg11 : memref<!tpu.dma_semaphore, #tpu.memory_space<semaphore_mem>>) src(%dma_wait3A_202 : memref<8x2x128xi32, #tpu.memory_space<hbm>>) dst(%arg7 : memref<8x2x128xi32, #tpu.memory_space<vmem>>)
      %dma_start3A_203 = arith.constant 0 : i32
      %dma_start3A_204 = arith.constant 0 : i32
      %dma_start3A_205 = arith.constant 0 : i32
      %dma_start3A_206 = tpu.memref_slice %arg7[%dma_start3A_203, %dma_start3A_204, %dma_start3A_205] : memref<8x2x128xi32, #tpu.memory_space<vmem>> -> memref<1x1x128xi32, #tpu.memory_space<vmem>>
      %dma_start3A_207 = tpu.memref_squeeze %dma_start3A_206 : memref<1x1x128xi32, #tpu.memory_space<vmem>> -> memref<128xi32, #tpu.memory_space<vmem>>
      %dma_start3A_208 = arith.constant 0 : i32
      %dma_start3A_209 = arith.constant 0 : i32
      %dma_start3A_210 = tpu.memref_slice %arg2[%dma_start3A_208, %dma_start3A_209] : memref<10240x128xf32, #tpu.memory_space<hbm>> -> memref<10240x128xf32, #tpu.memory_space<hbm>>
      tpu.enqueue_indirect_dma source(%dma_start3A_210 : memref<10240x128xf32, #tpu.memory_space<hbm>>) target(%arg8 : memref<128x128xf32, #tpu.memory_space<vmem>>) offsets(%dma_start3A_207 : memref<128xi32, #tpu.memory_space<vmem>>) semaphore(%arg12 : memref<!tpu.dma_semaphore, #tpu.memory_space<semaphore_mem>>)
      %dma_wait3A_211 = arith.constant 0 : i32
      %dma_wait3A_212 = arith.constant 0 : i32
      %dma_wait3A_213 = arith.constant 0 : i32
      %dma_wait3A_214 = tpu.memref_slice %arg7[%dma_wait3A_211, %dma_wait3A_212, %dma_wait3A_213] : memref<8x2x128xi32, #tpu.memory_space<vmem>> -> memref<1x1x128xi32, #tpu.memory_space<vmem>>
      %dma_wait3A_215 = tpu.memref_squeeze %dma_wait3A_214 : memref<1x1x128xi32, #tpu.memory_space<vmem>> -> memref<128xi32, #tpu.memory_space<vmem>>
      %dma_wait3A_216 = arith.constant 0 : i32
      %dma_wait3A_217 = arith.constant 0 : i32
      %dma_wait3A_218 = tpu.memref_slice %arg2[%dma_wait3A_216, %dma_wait3A_217] : memref<10240x128xf32, #tpu.memory_space<hbm>> -> memref<10240x128xf32, #tpu.memory_space<hbm>>
      tpu.wait_indirect_dma semaphore(%arg12 : memref<!tpu.dma_semaphore, #tpu.memory_space<semaphore_mem>>) src(%dma_wait3A_218 : memref<10240x128xf32, #tpu.memory_space<hbm>>) dst(%arg8 : memref<128x128xf32, #tpu.memory_space<vmem>>)
      %run_scoped3A_219 = arith.constant 0 : i32
      %run_scoped3A_220 = arith.constant 1 : i32
      "tpu.region"() ({
        %run_scoped3A_347 = tpu.sem_alloc : memref<!tpu.dma_semaphore, #tpu.memory_space<semaphore_mem>>
        %dma_start3A_348 = arith.constant 0 : i32
        %dma_start3A_349 = tpu.memref_slice %arg7[%run_scoped3A_219, %run_scoped3A_220, %dma_start3A_348] : memref<8x2x128xi32, #tpu.memory_space<vmem>> -> memref<1x1x128xi32, #tpu.memory_space<vmem>>
        %dma_start3A_350 = tpu.memref_squeeze %dma_start3A_349 : memref<1x1x128xi32, #tpu.memory_space<vmem>> -> memref<128xi32, #tpu.memory_space<vmem>>
        %dma_start3A_351 = arith.constant 0 : i32
        %dma_start3A_352 = arith.constant 0 : i32
        %dma_start3A_353 = tpu.memref_slice %arg10[%dma_start3A_351, %dma_start3A_352] : memref<10240x128xf32, #tpu.memory_space<vmem_shared>> -> memref<10240x128xf32, #tpu.memory_space<vmem_shared>>
        tpu.enqueue_indirect_dma source(%arg8 : memref<128x128xf32, #tpu.memory_space<vmem>>) target(%dma_start3A_353 : memref<10240x128xf32, #tpu.memory_space<vmem_shared>>) offsets(%dma_start3A_350 : memref<128xi32, #tpu.memory_space<vmem>>) semaphore(%run_scoped3A_347 : memref<!tpu.dma_semaphore, #tpu.memory_space<semaphore_mem>>) {add = true}
        %dma_wait3A_354 = arith.constant 0 : i32
        %dma_wait3A_355 = tpu.memref_slice %arg7[%run_scoped3A_219, %run_scoped3A_220, %dma_wait3A_354] : memref<8x2x128xi32, #tpu.memory_space<vmem>> -> memref<1x1x128xi32, #tpu.memory_space<vmem>>
        %dma_wait3A_356 = tpu.memref_squeeze %dma_wait3A_355 : memref<1x1x128xi32, #tpu.memory_space<vmem>> -> memref<128xi32, #tpu.memory_space<vmem>>
        %dma_wait3A_357 = arith.constant 0 : i32
        %dma_wait3A_358 = arith.constant 0 : i32
        %dma_wait3A_359 = tpu.memref_slice %arg10[%dma_wait3A_357, %dma_wait3A_358] : memref<10240x128xf32, #tpu.memory_space<vmem_shared>> -> memref<10240x128xf32, #tpu.memory_space<vmem_shared>>
        tpu.wait_indirect_dma semaphore(%run_scoped3A_347 : memref<!tpu.dma_semaphore, #tpu.memory_space<semaphore_mem>>) src(%arg8 : memref<128x128xf32, #tpu.memory_space<vmem>>) dst(%dma_wait3A_359 : memref<10240x128xf32, #tpu.memory_space<vmem_shared>>)
        tpu.yield
      }) : () -> ()
      %dma_start3A_221 = arith.constant 1 : i32
      %dma_start3A_222 = arith.constant 0 : i32
      %dma_start3A_223 = arith.constant 0 : i32
      %dma_start3A_224 = tpu.memref_slice %arg7[%dma_start3A_221, %dma_start3A_222, %dma_start3A_223] : memref<8x2x128xi32, #tpu.memory_space<vmem>> -> memref<1x1x128xi32, #tpu.memory_space<vmem>>
      %dma_start3A_225 = tpu.memref_squeeze %dma_start3A_224 : memref<1x1x128xi32, #tpu.memory_space<vmem>> -> memref<128xi32, #tpu.memory_space<vmem>>
      %dma_start3A_226 = arith.constant 0 : i32
      %dma_start3A_227 = arith.constant 0 : i32
      %dma_start3A_228 = tpu.memref_slice %arg2[%dma_start3A_226, %dma_start3A_227] : memref<10240x128xf32, #tpu.memory_space<hbm>> -> memref<10240x128xf32, #tpu.memory_space<hbm>>
      tpu.enqueue_indirect_dma source(%dma_start3A_228 : memref<10240x128xf32, #tpu.memory_space<hbm>>) target(%arg8 : memref<128x128xf32, #tpu.memory_space<vmem>>) offsets(%dma_start3A_225 : memref<128xi32, #tpu.memory_space<vmem>>) semaphore(%arg12 : memref<!tpu.dma_semaphore, #tpu.memory_space<semaphore_mem>>)
      %dma_wait3A_229 = arith.constant 1 : i32
      %dma_wait3A_230 = arith.constant 0 : i32
      %dma_wait3A_231 = arith.constant 0 : i32
      %dma_wait3A_232 = tpu.memref_slice %arg7[%dma_wait3A_229, %dma_wait3A_230, %dma_wait3A_231] : memref<8x2x128xi32, #tpu.memory_space<vmem>> -> memref<1x1x128xi32, #tpu.memory_space<vmem>>
      %dma_wait3A_233 = tpu.memref_squeeze %dma_wait3A_232 : memref<1x1x128xi32, #tpu.memory_space<vmem>> -> memref<128xi32, #tpu.memory_space<vmem>>
      %dma_wait3A_234 = arith.constant 0 : i32
      %dma_wait3A_235 = arith.constant 0 : i32
      %dma_wait3A_236 = tpu.memref_slice %arg2[%dma_wait3A_234, %dma_wait3A_235] : memref<10240x128xf32, #tpu.memory_space<hbm>> -> memref<10240x128xf32, #tpu.memory_space<hbm>>
      tpu.wait_indirect_dma semaphore(%arg12 : memref<!tpu.dma_semaphore, #tpu.memory_space<semaphore_mem>>) src(%dma_wait3A_236 : memref<10240x128xf32, #tpu.memory_space<hbm>>) dst(%arg8 : memref<128x128xf32, #tpu.memory_space<vmem>>)
      %run_scoped3A_237 = arith.constant 1 : i32
      %run_scoped3A_238 = arith.constant 1 : i32
      "tpu.region"() ({
        %run_scoped3A_347 = tpu.sem_alloc : memref<!tpu.dma_semaphore, #tpu.memory_space<semaphore_mem>>
        %dma_start3A_348 = arith.constant 0 : i32
        %dma_start3A_349 = tpu.memref_slice %arg7[%run_scoped3A_237, %run_scoped3A_238, %dma_start3A_348] : memref<8x2x128xi32, #tpu.memory_space<vmem>> -> memref<1x1x128xi32, #tpu.memory_space<vmem>>
        %dma_start3A_350 = tpu.memref_squeeze %dma_start3A_349 : memref<1x1x128xi32, #tpu.memory_space<vmem>> -> memref<128xi32, #tpu.memory_space<vmem>>
        %dma_start3A_351 = arith.constant 0 : i32
        %dma_start3A_352 = arith.constant 0 : i32
        %dma_start3A_353 = tpu.memref_slice %arg10[%dma_start3A_351, %dma_start3A_352] : memref<10240x128xf32, #tpu.memory_space<vmem_shared>> -> memref<10240x128xf32, #tpu.memory_space<vmem_shared>>
        tpu.enqueue_indirect_dma source(%arg8 : memref<128x128xf32, #tpu.memory_space<vmem>>) target(%dma_start3A_353 : memref<10240x128xf32, #tpu.memory_space<vmem_shared>>) offsets(%dma_start3A_350 : memref<128xi32, #tpu.memory_space<vmem>>) semaphore(%run_scoped3A_347 : memref<!tpu.dma_semaphore, #tpu.memory_space<semaphore_mem>>) {add = true}
        %dma_wait3A_354 = arith.constant 0 : i32
        %dma_wait3A_355 = tpu.memref_slice %arg7[%run_scoped3A_237, %run_scoped3A_238, %dma_wait3A_354] : memref<8x2x128xi32, #tpu.memory_space<vmem>> -> memref<1x1x128xi32, #tpu.memory_space<vmem>>
        %dma_wait3A_356 = tpu.memref_squeeze %dma_wait3A_355 : memref<1x1x128xi32, #tpu.memory_space<vmem>> -> memref<128xi32, #tpu.memory_space<vmem>>
        %dma_wait3A_357 = arith.constant 0 : i32
        %dma_wait3A_358 = arith.constant 0 : i32
        %dma_wait3A_359 = tpu.memref_slice %arg10[%dma_wait3A_357, %dma_wait3A_358] : memref<10240x128xf32, #tpu.memory_space<vmem_shared>> -> memref<10240x128xf32, #tpu.memory_space<vmem_shared>>
        tpu.wait_indirect_dma semaphore(%run_scoped3A_347 : memref<!tpu.dma_semaphore, #tpu.memory_space<semaphore_mem>>) src(%arg8 : memref<128x128xf32, #tpu.memory_space<vmem>>) dst(%dma_wait3A_359 : memref<10240x128xf32, #tpu.memory_space<vmem_shared>>)
        tpu.yield
      }) : () -> ()
      %dma_start3A_239 = arith.constant 2 : i32
      %dma_start3A_240 = arith.constant 0 : i32
      %dma_start3A_241 = arith.constant 0 : i32
      %dma_start3A_242 = tpu.memref_slice %arg7[%dma_start3A_239, %dma_start3A_240, %dma_start3A_241] : memref<8x2x128xi32, #tpu.memory_space<vmem>> -> memref<1x1x128xi32, #tpu.memory_space<vmem>>
      %dma_start3A_243 = tpu.memref_squeeze %dma_start3A_242 : memref<1x1x128xi32, #tpu.memory_space<vmem>> -> memref<128xi32, #tpu.memory_space<vmem>>
      %dma_start3A_244 = arith.constant 0 : i32
      %dma_start3A_245 = arith.constant 0 : i32
      %dma_start3A_246 = tpu.memref_slice %arg2[%dma_start3A_244, %dma_start3A_245] : memref<10240x128xf32, #tpu.memory_space<hbm>> -> memref<10240x128xf32, #tpu.memory_space<hbm>>
      tpu.enqueue_indirect_dma source(%dma_start3A_246 : memref<10240x128xf32, #tpu.memory_space<hbm>>) target(%arg8 : memref<128x128xf32, #tpu.memory_space<vmem>>) offsets(%dma_start3A_243 : memref<128xi32, #tpu.memory_space<vmem>>) semaphore(%arg12 : memref<!tpu.dma_semaphore, #tpu.memory_space<semaphore_mem>>)
      %dma_wait3A_247 = arith.constant 2 : i32
      %dma_wait3A_248 = arith.constant 0 : i32
      %dma_wait3A_249 = arith.constant 0 : i32
      %dma_wait3A_250 = tpu.memref_slice %arg7[%dma_wait3A_247, %dma_wait3A_248, %dma_wait3A_249] : memref<8x2x128xi32, #tpu.memory_space<vmem>> -> memref<1x1x128xi32, #tpu.memory_space<vmem>>
      %dma_wait3A_251 = tpu.memref_squeeze %dma_wait3A_250 : memref<1x1x128xi32, #tpu.memory_space<vmem>> -> memref<128xi32, #tpu.memory_space<vmem>>
      %dma_wait3A_252 = arith.constant 0 : i32
      %dma_wait3A_253 = arith.constant 0 : i32
      %dma_wait3A_254 = tpu.memref_slice %arg2[%dma_wait3A_252, %dma_wait3A_253] : memref<10240x128xf32, #tpu.memory_space<hbm>> -> memref<10240x128xf32, #tpu.memory_space<hbm>>
      tpu.wait_indirect_dma semaphore(%arg12 : memref<!tpu.dma_semaphore, #tpu.memory_space<semaphore_mem>>) src(%dma_wait3A_254 : memref<10240x128xf32, #tpu.memory_space<hbm>>) dst(%arg8 : memref<128x128xf32, #tpu.memory_space<vmem>>)
      %run_scoped3A_255 = arith.constant 2 : i32
      %run_scoped3A_256 = arith.constant 1 : i32
      "tpu.region"() ({
        %run_scoped3A_347 = tpu.sem_alloc : memref<!tpu.dma_semaphore, #tpu.memory_space<semaphore_mem>>
        %dma_start3A_348 = arith.constant 0 : i32
        %dma_start3A_349 = tpu.memref_slice %arg7[%run_scoped3A_255, %run_scoped3A_256, %dma_start3A_348] : memref<8x2x128xi32, #tpu.memory_space<vmem>> -> memref<1x1x128xi32, #tpu.memory_space<vmem>>
        %dma_start3A_350 = tpu.memref_squeeze %dma_start3A_349 : memref<1x1x128xi32, #tpu.memory_space<vmem>> -> memref<128xi32, #tpu.memory_space<vmem>>
        %dma_start3A_351 = arith.constant 0 : i32
        %dma_start3A_352 = arith.constant 0 : i32
        %dma_start3A_353 = tpu.memref_slice %arg10[%dma_start3A_351, %dma_start3A_352] : memref<10240x128xf32, #tpu.memory_space<vmem_shared>> -> memref<10240x128xf32, #tpu.memory_space<vmem_shared>>
        tpu.enqueue_indirect_dma source(%arg8 : memref<128x128xf32, #tpu.memory_space<vmem>>) target(%dma_start3A_353 : memref<10240x128xf32, #tpu.memory_space<vmem_shared>>) offsets(%dma_start3A_350 : memref<128xi32, #tpu.memory_space<vmem>>) semaphore(%run_scoped3A_347 : memref<!tpu.dma_semaphore, #tpu.memory_space<semaphore_mem>>) {add = true}
        %dma_wait3A_354 = arith.constant 0 : i32
        %dma_wait3A_355 = tpu.memref_slice %arg7[%run_scoped3A_255, %run_scoped3A_256, %dma_wait3A_354] : memref<8x2x128xi32, #tpu.memory_space<vmem>> -> memref<1x1x128xi32, #tpu.memory_space<vmem>>
        %dma_wait3A_356 = tpu.memref_squeeze %dma_wait3A_355 : memref<1x1x128xi32, #tpu.memory_space<vmem>> -> memref<128xi32, #tpu.memory_space<vmem>>
        %dma_wait3A_357 = arith.constant 0 : i32
        %dma_wait3A_358 = arith.constant 0 : i32
        %dma_wait3A_359 = tpu.memref_slice %arg10[%dma_wait3A_357, %dma_wait3A_358] : memref<10240x128xf32, #tpu.memory_space<vmem_shared>> -> memref<10240x128xf32, #tpu.memory_space<vmem_shared>>
        tpu.wait_indirect_dma semaphore(%run_scoped3A_347 : memref<!tpu.dma_semaphore, #tpu.memory_space<semaphore_mem>>) src(%arg8 : memref<128x128xf32, #tpu.memory_space<vmem>>) dst(%dma_wait3A_359 : memref<10240x128xf32, #tpu.memory_space<vmem_shared>>)
        tpu.yield
      }) : () -> ()
      %dma_start3A_257 = arith.constant 3 : i32
      %dma_start3A_258 = arith.constant 0 : i32
      %dma_start3A_259 = arith.constant 0 : i32
      %dma_start3A_260 = tpu.memref_slice %arg7[%dma_start3A_257, %dma_start3A_258, %dma_start3A_259] : memref<8x2x128xi32, #tpu.memory_space<vmem>> -> memref<1x1x128xi32, #tpu.memory_space<vmem>>
      %dma_start3A_261 = tpu.memref_squeeze %dma_start3A_260 : memref<1x1x128xi32, #tpu.memory_space<vmem>> -> memref<128xi32, #tpu.memory_space<vmem>>
      %dma_start3A_262 = arith.constant 0 : i32
      %dma_start3A_263 = arith.constant 0 : i32
      %dma_start3A_264 = tpu.memref_slice %arg2[%dma_start3A_262, %dma_start3A_263] : memref<10240x128xf32, #tpu.memory_space<hbm>> -> memref<10240x128xf32, #tpu.memory_space<hbm>>
      tpu.enqueue_indirect_dma source(%dma_start3A_264 : memref<10240x128xf32, #tpu.memory_space<hbm>>) target(%arg8 : memref<128x128xf32, #tpu.memory_space<vmem>>) offsets(%dma_start3A_261 : memref<128xi32, #tpu.memory_space<vmem>>) semaphore(%arg12 : memref<!tpu.dma_semaphore, #tpu.memory_space<semaphore_mem>>)
      %dma_wait3A_265 = arith.constant 3 : i32
      %dma_wait3A_266 = arith.constant 0 : i32
      %dma_wait3A_267 = arith.constant 0 : i32
      %dma_wait3A_268 = tpu.memref_slice %arg7[%dma_wait3A_265, %dma_wait3A_266, %dma_wait3A_267] : memref<8x2x128xi32, #tpu.memory_space<vmem>> -> memref<1x1x128xi32, #tpu.memory_space<vmem>>
      %dma_wait3A_269 = tpu.memref_squeeze %dma_wait3A_268 : memref<1x1x128xi32, #tpu.memory_space<vmem>> -> memref<128xi32, #tpu.memory_space<vmem>>
      %dma_wait3A_270 = arith.constant 0 : i32
      %dma_wait3A_271 = arith.constant 0 : i32
      %dma_wait3A_272 = tpu.memref_slice %arg2[%dma_wait3A_270, %dma_wait3A_271] : memref<10240x128xf32, #tpu.memory_space<hbm>> -> memref<10240x128xf32, #tpu.memory_space<hbm>>
      tpu.wait_indirect_dma semaphore(%arg12 : memref<!tpu.dma_semaphore, #tpu.memory_space<semaphore_mem>>) src(%dma_wait3A_272 : memref<10240x128xf32, #tpu.memory_space<hbm>>) dst(%arg8 : memref<128x128xf32, #tpu.memory_space<vmem>>)
      %run_scoped3A_273 = arith.constant 3 : i32
      %run_scoped3A_274 = arith.constant 1 : i32
      "tpu.region"() ({
        %run_scoped3A_347 = tpu.sem_alloc : memref<!tpu.dma_semaphore, #tpu.memory_space<semaphore_mem>>
        %dma_start3A_348 = arith.constant 0 : i32
        %dma_start3A_349 = tpu.memref_slice %arg7[%run_scoped3A_273, %run_scoped3A_274, %dma_start3A_348] : memref<8x2x128xi32, #tpu.memory_space<vmem>> -> memref<1x1x128xi32, #tpu.memory_space<vmem>>
        %dma_start3A_350 = tpu.memref_squeeze %dma_start3A_349 : memref<1x1x128xi32, #tpu.memory_space<vmem>> -> memref<128xi32, #tpu.memory_space<vmem>>
        %dma_start3A_351 = arith.constant 0 : i32
        %dma_start3A_352 = arith.constant 0 : i32
        %dma_start3A_353 = tpu.memref_slice %arg10[%dma_start3A_351, %dma_start3A_352] : memref<10240x128xf32, #tpu.memory_space<vmem_shared>> -> memref<10240x128xf32, #tpu.memory_space<vmem_shared>>
        tpu.enqueue_indirect_dma source(%arg8 : memref<128x128xf32, #tpu.memory_space<vmem>>) target(%dma_start3A_353 : memref<10240x128xf32, #tpu.memory_space<vmem_shared>>) offsets(%dma_start3A_350 : memref<128xi32, #tpu.memory_space<vmem>>) semaphore(%run_scoped3A_347 : memref<!tpu.dma_semaphore, #tpu.memory_space<semaphore_mem>>) {add = true}
        %dma_wait3A_354 = arith.constant 0 : i32
        %dma_wait3A_355 = tpu.memref_slice %arg7[%run_scoped3A_273, %run_scoped3A_274, %dma_wait3A_354] : memref<8x2x128xi32, #tpu.memory_space<vmem>> -> memref<1x1x128xi32, #tpu.memory_space<vmem>>
        %dma_wait3A_356 = tpu.memref_squeeze %dma_wait3A_355 : memref<1x1x128xi32, #tpu.memory_space<vmem>> -> memref<128xi32, #tpu.memory_space<vmem>>
        %dma_wait3A_357 = arith.constant 0 : i32
        %dma_wait3A_358 = arith.constant 0 : i32
        %dma_wait3A_359 = tpu.memref_slice %arg10[%dma_wait3A_357, %dma_wait3A_358] : memref<10240x128xf32, #tpu.memory_space<vmem_shared>> -> memref<10240x128xf32, #tpu.memory_space<vmem_shared>>
        tpu.wait_indirect_dma semaphore(%run_scoped3A_347 : memref<!tpu.dma_semaphore, #tpu.memory_space<semaphore_mem>>) src(%arg8 : memref<128x128xf32, #tpu.memory_space<vmem>>) dst(%dma_wait3A_359 : memref<10240x128xf32, #tpu.memory_space<vmem_shared>>)
        tpu.yield
      }) : () -> ()
      %dma_start3A_275 = arith.constant 4 : i32
      %dma_start3A_276 = arith.constant 0 : i32
      %dma_start3A_277 = arith.constant 0 : i32
      %dma_start3A_278 = tpu.memref_slice %arg7[%dma_start3A_275, %dma_start3A_276, %dma_start3A_277] : memref<8x2x128xi32, #tpu.memory_space<vmem>> -> memref<1x1x128xi32, #tpu.memory_space<vmem>>
      %dma_start3A_279 = tpu.memref_squeeze %dma_start3A_278 : memref<1x1x128xi32, #tpu.memory_space<vmem>> -> memref<128xi32, #tpu.memory_space<vmem>>
      %dma_start3A_280 = arith.constant 0 : i32
      %dma_start3A_281 = arith.constant 0 : i32
      %dma_start3A_282 = tpu.memref_slice %arg2[%dma_start3A_280, %dma_start3A_281] : memref<10240x128xf32, #tpu.memory_space<hbm>> -> memref<10240x128xf32, #tpu.memory_space<hbm>>
      tpu.enqueue_indirect_dma source(%dma_start3A_282 : memref<10240x128xf32, #tpu.memory_space<hbm>>) target(%arg8 : memref<128x128xf32, #tpu.memory_space<vmem>>) offsets(%dma_start3A_279 : memref<128xi32, #tpu.memory_space<vmem>>) semaphore(%arg12 : memref<!tpu.dma_semaphore, #tpu.memory_space<semaphore_mem>>)
      %dma_wait3A_283 = arith.constant 4 : i32
      %dma_wait3A_284 = arith.constant 0 : i32
      %dma_wait3A_285 = arith.constant 0 : i32
      %dma_wait3A_286 = tpu.memref_slice %arg7[%dma_wait3A_283, %dma_wait3A_284, %dma_wait3A_285] : memref<8x2x128xi32, #tpu.memory_space<vmem>> -> memref<1x1x128xi32, #tpu.memory_space<vmem>>
      %dma_wait3A_287 = tpu.memref_squeeze %dma_wait3A_286 : memref<1x1x128xi32, #tpu.memory_space<vmem>> -> memref<128xi32, #tpu.memory_space<vmem>>
      %dma_wait3A_288 = arith.constant 0 : i32
      %dma_wait3A_289 = arith.constant 0 : i32
      %dma_wait3A_290 = tpu.memref_slice %arg2[%dma_wait3A_288, %dma_wait3A_289] : memref<10240x128xf32, #tpu.memory_space<hbm>> -> memref<10240x128xf32, #tpu.memory_space<hbm>>
      tpu.wait_indirect_dma semaphore(%arg12 : memref<!tpu.dma_semaphore, #tpu.memory_space<semaphore_mem>>) src(%dma_wait3A_290 : memref<10240x128xf32, #tpu.memory_space<hbm>>) dst(%arg8 : memref<128x128xf32, #tpu.memory_space<vmem>>)
      %run_scoped3A_291 = arith.constant 4 : i32
      %run_scoped3A_292 = arith.constant 1 : i32
      "tpu.region"() ({
        %run_scoped3A_347 = tpu.sem_alloc : memref<!tpu.dma_semaphore, #tpu.memory_space<semaphore_mem>>
        %dma_start3A_348 = arith.constant 0 : i32
        %dma_start3A_349 = tpu.memref_slice %arg7[%run_scoped3A_291, %run_scoped3A_292, %dma_start3A_348] : memref<8x2x128xi32, #tpu.memory_space<vmem>> -> memref<1x1x128xi32, #tpu.memory_space<vmem>>
        %dma_start3A_350 = tpu.memref_squeeze %dma_start3A_349 : memref<1x1x128xi32, #tpu.memory_space<vmem>> -> memref<128xi32, #tpu.memory_space<vmem>>
        %dma_start3A_351 = arith.constant 0 : i32
        %dma_start3A_352 = arith.constant 0 : i32
        %dma_start3A_353 = tpu.memref_slice %arg10[%dma_start3A_351, %dma_start3A_352] : memref<10240x128xf32, #tpu.memory_space<vmem_shared>> -> memref<10240x128xf32, #tpu.memory_space<vmem_shared>>
        tpu.enqueue_indirect_dma source(%arg8 : memref<128x128xf32, #tpu.memory_space<vmem>>) target(%dma_start3A_353 : memref<10240x128xf32, #tpu.memory_space<vmem_shared>>) offsets(%dma_start3A_350 : memref<128xi32, #tpu.memory_space<vmem>>) semaphore(%run_scoped3A_347 : memref<!tpu.dma_semaphore, #tpu.memory_space<semaphore_mem>>) {add = true}
        %dma_wait3A_354 = arith.constant 0 : i32
        %dma_wait3A_355 = tpu.memref_slice %arg7[%run_scoped3A_291, %run_scoped3A_292, %dma_wait3A_354] : memref<8x2x128xi32, #tpu.memory_space<vmem>> -> memref<1x1x128xi32, #tpu.memory_space<vmem>>
        %dma_wait3A_356 = tpu.memref_squeeze %dma_wait3A_355 : memref<1x1x128xi32, #tpu.memory_space<vmem>> -> memref<128xi32, #tpu.memory_space<vmem>>
        %dma_wait3A_357 = arith.constant 0 : i32
        %dma_wait3A_358 = arith.constant 0 : i32
        %dma_wait3A_359 = tpu.memref_slice %arg10[%dma_wait3A_357, %dma_wait3A_358] : memref<10240x128xf32, #tpu.memory_space<vmem_shared>> -> memref<10240x128xf32, #tpu.memory_space<vmem_shared>>
        tpu.wait_indirect_dma semaphore(%run_scoped3A_347 : memref<!tpu.dma_semaphore, #tpu.memory_space<semaphore_mem>>) src(%arg8 : memref<128x128xf32, #tpu.memory_space<vmem>>) dst(%dma_wait3A_359 : memref<10240x128xf32, #tpu.memory_space<vmem_shared>>)
        tpu.yield
      }) : () -> ()
      %dma_start3A_293 = arith.constant 5 : i32
      %dma_start3A_294 = arith.constant 0 : i32
      %dma_start3A_295 = arith.constant 0 : i32
      %dma_start3A_296 = tpu.memref_slice %arg7[%dma_start3A_293, %dma_start3A_294, %dma_start3A_295] : memref<8x2x128xi32, #tpu.memory_space<vmem>> -> memref<1x1x128xi32, #tpu.memory_space<vmem>>
      %dma_start3A_297 = tpu.memref_squeeze %dma_start3A_296 : memref<1x1x128xi32, #tpu.memory_space<vmem>> -> memref<128xi32, #tpu.memory_space<vmem>>
      %dma_start3A_298 = arith.constant 0 : i32
      %dma_start3A_299 = arith.constant 0 : i32
      %dma_start3A_300 = tpu.memref_slice %arg2[%dma_start3A_298, %dma_start3A_299] : memref<10240x128xf32, #tpu.memory_space<hbm>> -> memref<10240x128xf32, #tpu.memory_space<hbm>>
      tpu.enqueue_indirect_dma source(%dma_start3A_300 : memref<10240x128xf32, #tpu.memory_space<hbm>>) target(%arg8 : memref<128x128xf32, #tpu.memory_space<vmem>>) offsets(%dma_start3A_297 : memref<128xi32, #tpu.memory_space<vmem>>) semaphore(%arg12 : memref<!tpu.dma_semaphore, #tpu.memory_space<semaphore_mem>>)
      %dma_wait3A_301 = arith.constant 5 : i32
      %dma_wait3A_302 = arith.constant 0 : i32
      %dma_wait3A_303 = arith.constant 0 : i32
      %dma_wait3A_304 = tpu.memref_slice %arg7[%dma_wait3A_301, %dma_wait3A_302, %dma_wait3A_303] : memref<8x2x128xi32, #tpu.memory_space<vmem>> -> memref<1x1x128xi32, #tpu.memory_space<vmem>>
      %dma_wait3A_305 = tpu.memref_squeeze %dma_wait3A_304 : memref<1x1x128xi32, #tpu.memory_space<vmem>> -> memref<128xi32, #tpu.memory_space<vmem>>
      %dma_wait3A_306 = arith.constant 0 : i32
      %dma_wait3A_307 = arith.constant 0 : i32
      %dma_wait3A_308 = tpu.memref_slice %arg2[%dma_wait3A_306, %dma_wait3A_307] : memref<10240x128xf32, #tpu.memory_space<hbm>> -> memref<10240x128xf32, #tpu.memory_space<hbm>>
      tpu.wait_indirect_dma semaphore(%arg12 : memref<!tpu.dma_semaphore, #tpu.memory_space<semaphore_mem>>) src(%dma_wait3A_308 : memref<10240x128xf32, #tpu.memory_space<hbm>>) dst(%arg8 : memref<128x128xf32, #tpu.memory_space<vmem>>)
      %run_scoped3A_309 = arith.constant 5 : i32
      %run_scoped3A_310 = arith.constant 1 : i32
      "tpu.region"() ({
        %run_scoped3A_347 = tpu.sem_alloc : memref<!tpu.dma_semaphore, #tpu.memory_space<semaphore_mem>>
        %dma_start3A_348 = arith.constant 0 : i32
        %dma_start3A_349 = tpu.memref_slice %arg7[%run_scoped3A_309, %run_scoped3A_310, %dma_start3A_348] : memref<8x2x128xi32, #tpu.memory_space<vmem>> -> memref<1x1x128xi32, #tpu.memory_space<vmem>>
        %dma_start3A_350 = tpu.memref_squeeze %dma_start3A_349 : memref<1x1x128xi32, #tpu.memory_space<vmem>> -> memref<128xi32, #tpu.memory_space<vmem>>
        %dma_start3A_351 = arith.constant 0 : i32
        %dma_start3A_352 = arith.constant 0 : i32
        %dma_start3A_353 = tpu.memref_slice %arg10[%dma_start3A_351, %dma_start3A_352] : memref<10240x128xf32, #tpu.memory_space<vmem_shared>> -> memref<10240x128xf32, #tpu.memory_space<vmem_shared>>
        tpu.enqueue_indirect_dma source(%arg8 : memref<128x128xf32, #tpu.memory_space<vmem>>) target(%dma_start3A_353 : memref<10240x128xf32, #tpu.memory_space<vmem_shared>>) offsets(%dma_start3A_350 : memref<128xi32, #tpu.memory_space<vmem>>) semaphore(%run_scoped3A_347 : memref<!tpu.dma_semaphore, #tpu.memory_space<semaphore_mem>>) {add = true}
        %dma_wait3A_354 = arith.constant 0 : i32
        %dma_wait3A_355 = tpu.memref_slice %arg7[%run_scoped3A_309, %run_scoped3A_310, %dma_wait3A_354] : memref<8x2x128xi32, #tpu.memory_space<vmem>> -> memref<1x1x128xi32, #tpu.memory_space<vmem>>
        %dma_wait3A_356 = tpu.memref_squeeze %dma_wait3A_355 : memref<1x1x128xi32, #tpu.memory_space<vmem>> -> memref<128xi32, #tpu.memory_space<vmem>>
        %dma_wait3A_357 = arith.constant 0 : i32
        %dma_wait3A_358 = arith.constant 0 : i32
        %dma_wait3A_359 = tpu.memref_slice %arg10[%dma_wait3A_357, %dma_wait3A_358] : memref<10240x128xf32, #tpu.memory_space<vmem_shared>> -> memref<10240x128xf32, #tpu.memory_space<vmem_shared>>
        tpu.wait_indirect_dma semaphore(%run_scoped3A_347 : memref<!tpu.dma_semaphore, #tpu.memory_space<semaphore_mem>>) src(%arg8 : memref<128x128xf32, #tpu.memory_space<vmem>>) dst(%dma_wait3A_359 : memref<10240x128xf32, #tpu.memory_space<vmem_shared>>)
        tpu.yield
      }) : () -> ()
      %dma_start3A_311 = arith.constant 6 : i32
      %dma_start3A_312 = arith.constant 0 : i32
      %dma_start3A_313 = arith.constant 0 : i32
      %dma_start3A_314 = tpu.memref_slice %arg7[%dma_start3A_311, %dma_start3A_312, %dma_start3A_313] : memref<8x2x128xi32, #tpu.memory_space<vmem>> -> memref<1x1x128xi32, #tpu.memory_space<vmem>>
      %dma_start3A_315 = tpu.memref_squeeze %dma_start3A_314 : memref<1x1x128xi32, #tpu.memory_space<vmem>> -> memref<128xi32, #tpu.memory_space<vmem>>
      %dma_start3A_316 = arith.constant 0 : i32
      %dma_start3A_317 = arith.constant 0 : i32
      %dma_start3A_318 = tpu.memref_slice %arg2[%dma_start3A_316, %dma_start3A_317] : memref<10240x128xf32, #tpu.memory_space<hbm>> -> memref<10240x128xf32, #tpu.memory_space<hbm>>
      tpu.enqueue_indirect_dma source(%dma_start3A_318 : memref<10240x128xf32, #tpu.memory_space<hbm>>) target(%arg8 : memref<128x128xf32, #tpu.memory_space<vmem>>) offsets(%dma_start3A_315 : memref<128xi32, #tpu.memory_space<vmem>>) semaphore(%arg12 : memref<!tpu.dma_semaphore, #tpu.memory_space<semaphore_mem>>)
      %dma_wait3A_319 = arith.constant 6 : i32
      %dma_wait3A_320 = arith.constant 0 : i32
      %dma_wait3A_321 = arith.constant 0 : i32
      %dma_wait3A_322 = tpu.memref_slice %arg7[%dma_wait3A_319, %dma_wait3A_320, %dma_wait3A_321] : memref<8x2x128xi32, #tpu.memory_space<vmem>> -> memref<1x1x128xi32, #tpu.memory_space<vmem>>
      %dma_wait3A_323 = tpu.memref_squeeze %dma_wait3A_322 : memref<1x1x128xi32, #tpu.memory_space<vmem>> -> memref<128xi32, #tpu.memory_space<vmem>>
      %dma_wait3A_324 = arith.constant 0 : i32
      %dma_wait3A_325 = arith.constant 0 : i32
      %dma_wait3A_326 = tpu.memref_slice %arg2[%dma_wait3A_324, %dma_wait3A_325] : memref<10240x128xf32, #tpu.memory_space<hbm>> -> memref<10240x128xf32, #tpu.memory_space<hbm>>
      tpu.wait_indirect_dma semaphore(%arg12 : memref<!tpu.dma_semaphore, #tpu.memory_space<semaphore_mem>>) src(%dma_wait3A_326 : memref<10240x128xf32, #tpu.memory_space<hbm>>) dst(%arg8 : memref<128x128xf32, #tpu.memory_space<vmem>>)
      %run_scoped3A_327 = arith.constant 6 : i32
      %run_scoped3A_328 = arith.constant 1 : i32
      "tpu.region"() ({
        %run_scoped3A_347 = tpu.sem_alloc : memref<!tpu.dma_semaphore, #tpu.memory_space<semaphore_mem>>
        %dma_start3A_348 = arith.constant 0 : i32
        %dma_start3A_349 = tpu.memref_slice %arg7[%run_scoped3A_327, %run_scoped3A_328, %dma_start3A_348] : memref<8x2x128xi32, #tpu.memory_space<vmem>> -> memref<1x1x128xi32, #tpu.memory_space<vmem>>
        %dma_start3A_350 = tpu.memref_squeeze %dma_start3A_349 : memref<1x1x128xi32, #tpu.memory_space<vmem>> -> memref<128xi32, #tpu.memory_space<vmem>>
        %dma_start3A_351 = arith.constant 0 : i32
        %dma_start3A_352 = arith.constant 0 : i32
        %dma_start3A_353 = tpu.memref_slice %arg10[%dma_start3A_351, %dma_start3A_352] : memref<10240x128xf32, #tpu.memory_space<vmem_shared>> -> memref<10240x128xf32, #tpu.memory_space<vmem_shared>>
        tpu.enqueue_indirect_dma source(%arg8 : memref<128x128xf32, #tpu.memory_space<vmem>>) target(%dma_start3A_353 : memref<10240x128xf32, #tpu.memory_space<vmem_shared>>) offsets(%dma_start3A_350 : memref<128xi32, #tpu.memory_space<vmem>>) semaphore(%run_scoped3A_347 : memref<!tpu.dma_semaphore, #tpu.memory_space<semaphore_mem>>) {add = true}
        %dma_wait3A_354 = arith.constant 0 : i32
        %dma_wait3A_355 = tpu.memref_slice %arg7[%run_scoped3A_327, %run_scoped3A_328, %dma_wait3A_354] : memref<8x2x128xi32, #tpu.memory_space<vmem>> -> memref<1x1x128xi32, #tpu.memory_space<vmem>>
        %dma_wait3A_356 = tpu.memref_squeeze %dma_wait3A_355 : memref<1x1x128xi32, #tpu.memory_space<vmem>> -> memref<128xi32, #tpu.memory_space<vmem>>
        %dma_wait3A_357 = arith.constant 0 : i32
        %dma_wait3A_358 = arith.constant 0 : i32
        %dma_wait3A_359 = tpu.memref_slice %arg10[%dma_wait3A_357, %dma_wait3A_358] : memref<10240x128xf32, #tpu.memory_space<vmem_shared>> -> memref<10240x128xf32, #tpu.memory_space<vmem_shared>>
        tpu.wait_indirect_dma semaphore(%run_scoped3A_347 : memref<!tpu.dma_semaphore, #tpu.memory_space<semaphore_mem>>) src(%arg8 : memref<128x128xf32, #tpu.memory_space<vmem>>) dst(%dma_wait3A_359 : memref<10240x128xf32, #tpu.memory_space<vmem_shared>>)
        tpu.yield
      }) : () -> ()
      %dma_start3A_329 = arith.constant 7 : i32
      %dma_start3A_330 = arith.constant 0 : i32
      %dma_start3A_331 = arith.constant 0 : i32
      %dma_start3A_332 = tpu.memref_slice %arg7[%dma_start3A_329, %dma_start3A_330, %dma_start3A_331] : memref<8x2x128xi32, #tpu.memory_space<vmem>> -> memref<1x1x128xi32, #tpu.memory_space<vmem>>
      %dma_start3A_333 = tpu.memref_squeeze %dma_start3A_332 : memref<1x1x128xi32, #tpu.memory_space<vmem>> -> memref<128xi32, #tpu.memory_space<vmem>>
      %dma_start3A_334 = arith.constant 0 : i32
      %dma_start3A_335 = arith.constant 0 : i32
      %dma_start3A_336 = tpu.memref_slice %arg2[%dma_start3A_334, %dma_start3A_335] : memref<10240x128xf32, #tpu.memory_space<hbm>> -> memref<10240x128xf32, #tpu.memory_space<hbm>>
      tpu.enqueue_indirect_dma source(%dma_start3A_336 : memref<10240x128xf32, #tpu.memory_space<hbm>>) target(%arg8 : memref<128x128xf32, #tpu.memory_space<vmem>>) offsets(%dma_start3A_333 : memref<128xi32, #tpu.memory_space<vmem>>) semaphore(%arg12 : memref<!tpu.dma_semaphore, #tpu.memory_space<semaphore_mem>>)
      %dma_wait3A_337 = arith.constant 7 : i32
      %dma_wait3A_338 = arith.constant 0 : i32
      %dma_wait3A_339 = arith.constant 0 : i32
      %dma_wait3A_340 = tpu.memref_slice %arg7[%dma_wait3A_337, %dma_wait3A_338, %dma_wait3A_339] : memref<8x2x128xi32, #tpu.memory_space<vmem>> -> memref<1x1x128xi32, #tpu.memory_space<vmem>>
      %dma_wait3A_341 = tpu.memref_squeeze %dma_wait3A_340 : memref<1x1x128xi32, #tpu.memory_space<vmem>> -> memref<128xi32, #tpu.memory_space<vmem>>
      %dma_wait3A_342 = arith.constant 0 : i32
      %dma_wait3A_343 = arith.constant 0 : i32
      %dma_wait3A_344 = tpu.memref_slice %arg2[%dma_wait3A_342, %dma_wait3A_343] : memref<10240x128xf32, #tpu.memory_space<hbm>> -> memref<10240x128xf32, #tpu.memory_space<hbm>>
      tpu.wait_indirect_dma semaphore(%arg12 : memref<!tpu.dma_semaphore, #tpu.memory_space<semaphore_mem>>) src(%dma_wait3A_344 : memref<10240x128xf32, #tpu.memory_space<hbm>>) dst(%arg8 : memref<128x128xf32, #tpu.memory_space<vmem>>)
      %run_scoped3A_345 = arith.constant 7 : i32
      %run_scoped3A_346 = arith.constant 1 : i32
      "tpu.region"() ({
        %run_scoped3A_347 = tpu.sem_alloc : memref<!tpu.dma_semaphore, #tpu.memory_space<semaphore_mem>>
        %dma_start3A_348 = arith.constant 0 : i32
        %dma_start3A_349 = tpu.memref_slice %arg7[%run_scoped3A_345, %run_scoped3A_346, %dma_start3A_348] : memref<8x2x128xi32, #tpu.memory_space<vmem>> -> memref<1x1x128xi32, #tpu.memory_space<vmem>>
        %dma_start3A_350 = tpu.memref_squeeze %dma_start3A_349 : memref<1x1x128xi32, #tpu.memory_space<vmem>> -> memref<128xi32, #tpu.memory_space<vmem>>
        %dma_start3A_351 = arith.constant 0 : i32
        %dma_start3A_352 = arith.constant 0 : i32
        %dma_start3A_353 = tpu.memref_slice %arg10[%dma_start3A_351, %dma_start3A_352] : memref<10240x128xf32, #tpu.memory_space<vmem_shared>> -> memref<10240x128xf32, #tpu.memory_space<vmem_shared>>
        tpu.enqueue_indirect_dma source(%arg8 : memref<128x128xf32, #tpu.memory_space<vmem>>) target(%dma_start3A_353 : memref<10240x128xf32, #tpu.memory_space<vmem_shared>>) offsets(%dma_start3A_350 : memref<128xi32, #tpu.memory_space<vmem>>) semaphore(%run_scoped3A_347 : memref<!tpu.dma_semaphore, #tpu.memory_space<semaphore_mem>>) {add = true}
        %dma_wait3A_354 = arith.constant 0 : i32
        %dma_wait3A_355 = tpu.memref_slice %arg7[%run_scoped3A_345, %run_scoped3A_346, %dma_wait3A_354] : memref<8x2x128xi32, #tpu.memory_space<vmem>> -> memref<1x1x128xi32, #tpu.memory_space<vmem>>
        %dma_wait3A_356 = tpu.memref_squeeze %dma_wait3A_355 : memref<1x1x128xi32, #tpu.memory_space<vmem>> -> memref<128xi32, #tpu.memory_space<vmem>>
        %dma_wait3A_357 = arith.constant 0 : i32
        %dma_wait3A_358 = arith.constant 0 : i32
        %dma_wait3A_359 = tpu.memref_slice %arg10[%dma_wait3A_357, %dma_wait3A_358] : memref<10240x128xf32, #tpu.memory_space<vmem_shared>> -> memref<10240x128xf32, #tpu.memory_space<vmem_shared>>
        tpu.wait_indirect_dma semaphore(%run_scoped3A_347 : memref<!tpu.dma_semaphore, #tpu.memory_space<semaphore_mem>>) src(%arg8 : memref<128x128xf32, #tpu.memory_space<vmem>>) dst(%dma_wait3A_359 : memref<10240x128xf32, #tpu.memory_space<vmem_shared>>)
        tpu.yield
      }) : () -> ()
    }
    %scan3A_9 = arith.constant 5 : i32
    %barrier3A_10 = arith.constant 0 : index
    tpu.barrier barrier_id(%barrier3A_10)
    "tpu.region"() ({
      %run_scoped3A = tpu.sem_alloc : memref<!tpu.dma_semaphore, #tpu.memory_space<semaphore_mem>>
      %dma_start3A = arith.constant 0 : i32
      %dma_start3A_11 = tpu.memref_slice %arg5[%arg0, %mul3A_2, %dma_start3A] : memref<2x10240x128xf32, #tpu.memory_space<hbm>> -> memref<1x640x128xf32, #tpu.memory_space<hbm>>
      %dma_start3A_12 = tpu.memref_squeeze %dma_start3A_11 : memref<1x640x128xf32, #tpu.memory_space<hbm>> -> memref<640x128xf32, #tpu.memory_space<hbm>>
      %dma_start3A_13 = arith.constant 0 : i32
      %dma_start3A_14 = tpu.memref_slice %arg10[%mul3A_2, %dma_start3A_13] : memref<10240x128xf32, #tpu.memory_space<vmem_shared>> -> memref<640x128xf32, #tpu.memory_space<vmem_shared>>
      tpu.enqueue_dma source(%dma_start3A_14 : memref<640x128xf32, #tpu.memory_space<vmem_shared>>) target(%dma_start3A_12 : memref<640x128xf32, #tpu.memory_space<hbm>>) target_semaphore(%run_scoped3A : memref<!tpu.dma_semaphore, #tpu.memory_space<semaphore_mem>>)
      %dma_wait3A = arith.constant 0 : i32
      %dma_wait3A_15 = tpu.memref_slice %arg5[%arg0, %mul3A_2, %dma_wait3A] : memref<2x10240x128xf32, #tpu.memory_space<hbm>> -> memref<1x640x128xf32, #tpu.memory_space<hbm>>
      %dma_wait3A_16 = tpu.memref_squeeze %dma_wait3A_15 : memref<1x640x128xf32, #tpu.memory_space<hbm>> -> memref<640x128xf32, #tpu.memory_space<hbm>>
      %dma_wait3A_17 = arith.constant 0 : i32
      %dma_wait3A_18 = tpu.memref_slice %arg10[%mul3A_2, %dma_wait3A_17] : memref<10240x128xf32, #tpu.memory_space<vmem_shared>> -> memref<640x128xf32, #tpu.memory_space<vmem_shared>>
      tpu.wait_dma2 semaphore(%run_scoped3A : memref<!tpu.dma_semaphore, #tpu.memory_space<semaphore_mem>>) src(%dma_wait3A_18 : memref<640x128xf32, #tpu.memory_space<vmem_shared>>) dst(%dma_wait3A_16 : memref<640x128xf32, #tpu.memory_space<hbm>>)
      tpu.yield
    }) : () -> ()
    return
  }
}

module attributes {stable_mosaic.version = 14 : i64} {
  func.func @_tc_b_body(%arg0: i32, %arg1: memref<1024x128xf32, #tpu.memory_space<vmem>>, %arg2: memref<128x128xf32, #tpu.memory_space<vmem>>, %arg3: memref<2x1024x16xf32, #tpu.memory_space<vmem>>, %arg4: memref<1024x128xf32, #tpu.memory_space<vmem>>, %arg5: memref<1024x1xf32, #tpu.memory_space<vmem>>) attributes {dimension_semantics = [#tpu.dimension_semantics<arbitrary>], iteration_bounds = array<i64: 10>, scalar_prefetch = 0 : i64, scratch_operands = 0 : i64, tpu.core_type = #tpu.core_type<tc>, window_params = [{transform_indices = @transform_0, window_bounds = array<i64: 1024, 128>}, {pipeline_mode = #tpu.pipeline_mode<synchronous>, transform_indices = @transform_1, window_bounds = array<i64: 128, 128>}, {transform_indices = @transform_2, window_bounds = array<i64: 2, 1024, 16>}, {transform_indices = @transform_3, window_bounds = array<i64: 1024, 128>}, {transform_indices = @transform_4, window_bounds = array<i64: 1024, 1>}]} {
    %get3A = arith.constant 0 : index
    %get3A_0 = arith.constant 0 : index
    %get3A_1 = arith.constant 0 : index
    %get3A_2 = vector.load %arg3[%get3A, %get3A_0, %get3A_1] : memref<2x1024x16xf32, #tpu.memory_space<vmem>>, vector<1x1024x1xf32>
    %get3A_3 = vector.shape_cast %get3A_2 : vector<1x1024x1xf32> to vector<1024xf32>
    %add3A = arith.constant 1.000000e+00 : f32
    %add3A_4 = vector.broadcast %add3A : f32 to vector<1024xf32>
    %add3A_5 = arith.addf %add3A_4, %get3A_3 : vector<1024xf32>
    %get3A_6 = arith.constant 1 : index
    %get3A_7 = arith.constant 0 : index
    %get3A_8 = arith.constant 0 : index
    %get3A_9 = vector.load %arg3[%get3A_6, %get3A_7, %get3A_8] : memref<2x1024x16xf32, #tpu.memory_space<vmem>>, vector<1x1024x1xf32>
    %get3A_10 = vector.shape_cast %get3A_9 : vector<1x1024x1xf32> to vector<1024xf32>
    %add3A_11 = arith.addf %add3A_5, %get3A_10 : vector<1024xf32>
    %rsqrt3A = math.rsqrt %add3A_11 : vector<1024xf32>
    %get3A_12 = arith.constant 0 : index
    %get3A_13 = arith.constant 0 : index
    %get3A_14 = vector.load %arg1[%get3A_12, %get3A_13] : memref<1024x128xf32, #tpu.memory_space<vmem>>, vector<1024x128xf32>
    %get3A_15 = arith.constant 0 : index
    %get3A_16 = arith.constant 0 : index
    %get3A_17 = vector.load %arg2[%get3A_15, %get3A_16] : memref<128x128xf32, #tpu.memory_space<vmem>>, vector<128x128xf32>
    %dot_general3A = arith.constant dense<0.000000e+00> : vector<1024x128xf32>
    %dot_general3A_18 = tpu.matmul %get3A_14, %get3A_17, %dot_general3A {dimension_numbers = #tpu.dot_dimension_numbers<[1], [0], [0], [1], [0, 0, 1, 1], [], []>, transpose_lhs_hint = false} : vector<1024x128xf32>, vector<128x128xf32>, vector<1024x128xf32> -> vector<1024x128xf32>
    %broadcast_in_dim3A = vector.shape_cast %rsqrt3A : vector<1024xf32> to vector<1024x1xf32>
    %mul3A = vector.broadcast %broadcast_in_dim3A : vector<1024x1xf32> to vector<1024x128xf32>
    %mul3A_19 = arith.mulf %dot_general3A_18, %mul3A : vector<1024x128xf32>
    %swap3A = arith.constant 0 : index
    %swap3A_20 = arith.constant 0 : index
    %swap3A_21 = vector.load %arg4[%swap3A, %swap3A_20] : memref<1024x128xf32, #tpu.memory_space<vmem>>, vector<1024x128xf32>
    tpu.vector_store %arg4[%swap3A, %swap3A_20], %mul3A_19 {strides = array<i32>} : memref<1024x128xf32, #tpu.memory_space<vmem>>, vector<1024x128xf32>,
    %broadcast_in_dim3A_22 = vector.shape_cast %rsqrt3A : vector<1024xf32> to vector<1024x1xf32>
    %swap3A_23 = arith.constant 0 : index
    %swap3A_24 = arith.constant 0 : index
    %swap3A_25 = vector.load %arg5[%swap3A_23, %swap3A_24] : memref<1024x1xf32, #tpu.memory_space<vmem>>, vector<1024x1xf32>
    tpu.vector_store %arg5[%swap3A_23, %swap3A_24], %broadcast_in_dim3A_22 {strides = array<i32>} : memref<1024x1xf32, #tpu.memory_space<vmem>>, vector<1024x1xf32>,
    return
  }
  func.func @transform_0(%arg0: i32) -> (i32, i32) {
    %c0_i32 = arith.constant 0 : i32
    %c0_i32_0 = arith.constant 0 : i32
    return %arg0, %c0_i32 : i32, i32
  }
  func.func @transform_1(%arg0: i32) -> (i32, i32) {
    %c0_i32 = arith.constant 0 : i32
    %c0_i32_0 = arith.constant 0 : i32
    %c0_i32_1 = arith.constant 0 : i32
    return %c0_i32, %c0_i32_0 : i32, i32
  }
  func.func @transform_2(%arg0: i32) -> (i32, i32, i32) {
    %c0_i32 = arith.constant 0 : i32
    %c0_i32_0 = arith.constant 0 : i32
    %c0_i32_1 = arith.constant 0 : i32
    return %c0_i32, %arg0, %c0_i32_0 : i32, i32, i32
  }
  func.func @transform_3(%arg0: i32) -> (i32, i32) {
    %c0_i32 = arith.constant 0 : i32
    %c0_i32_0 = arith.constant 0 : i32
    return %arg0, %c0_i32 : i32, i32
  }
  func.func @transform_4(%arg0: i32) -> (i32, i32) {
    %c0_i32 = arith.constant 0 : i32
    %c0_i32_0 = arith.constant 0 : i32
    return %arg0, %c0_i32 : i32, i32
  }
}

module attributes {stable_mosaic.version = 14 : i64} {
  func.func @_tc_d_body(%arg0: i32, %arg1: memref<1024x128xf32, #tpu.memory_space<vmem>>, %arg2: memref<2x1024x128xf32, #tpu.memory_space<vmem>>, %arg3: memref<1024x1xf32, #tpu.memory_space<vmem>>, %arg4: memref<1x128xf32, #tpu.memory_space<vmem>>, %arg5: memref<128x128xf32, #tpu.memory_space<vmem>>, %arg6: memref<1024x128xf32, #tpu.memory_space<vmem>>) attributes {dimension_semantics = [#tpu.dimension_semantics<arbitrary>], iteration_bounds = array<i64: 10>, scalar_prefetch = 0 : i64, scratch_operands = 0 : i64, tpu.core_type = #tpu.core_type<tc>, window_params = [{transform_indices = @transform_0, window_bounds = array<i64: 1024, 128>}, {transform_indices = @transform_1, window_bounds = array<i64: 2, 1024, 128>}, {transform_indices = @transform_2, window_bounds = array<i64: 1024, 1>}, {pipeline_mode = #tpu.pipeline_mode<synchronous>, transform_indices = @transform_3, window_bounds = array<i64: 1, 128>}, {pipeline_mode = #tpu.pipeline_mode<synchronous>, transform_indices = @transform_4, window_bounds = array<i64: 128, 128>}, {transform_indices = @transform_5, window_bounds = array<i64: 1024, 128>}]} {
    %get3A = arith.constant 0 : index
    %get3A_0 = arith.constant 0 : index
    %get3A_1 = arith.constant 0 : index
    %get3A_2 = vector.load %arg2[%get3A, %get3A_0, %get3A_1] : memref<2x1024x128xf32, #tpu.memory_space<vmem>>, vector<1x1024x128xf32>
    %get3A_3 = vector.shape_cast %get3A_2 : vector<1x1024x128xf32> to vector<1024x128xf32>
    %get3A_4 = arith.constant 1 : index
    %get3A_5 = arith.constant 0 : index
    %get3A_6 = arith.constant 0 : index
    %get3A_7 = vector.load %arg2[%get3A_4, %get3A_5, %get3A_6] : memref<2x1024x128xf32, #tpu.memory_space<vmem>>, vector<1x1024x128xf32>
    %get3A_8 = vector.shape_cast %get3A_7 : vector<1x1024x128xf32> to vector<1024x128xf32>
    %add3A = arith.addf %get3A_3, %get3A_8 : vector<1024x128xf32>
    %get3A_9 = arith.constant 0 : index
    %get3A_10 = arith.constant 0 : index
    %get3A_11 = vector.load %arg1[%get3A_9, %get3A_10] : memref<1024x128xf32, #tpu.memory_space<vmem>>, vector<1024x128xf32>
    %add3A_12 = arith.addf %add3A, %get3A_11 : vector<1024x128xf32>
    %get3A_13 = arith.constant 0 : index
    %get3A_14 = arith.constant 0 : index
    %get3A_15 = vector.load %arg3[%get3A_13, %get3A_14] : memref<1024x1xf32, #tpu.memory_space<vmem>>, vector<1024x1xf32>
    %mul3A = vector.broadcast %get3A_15 : vector<1024x1xf32> to vector<1024x128xf32>
    %mul3A_16 = arith.mulf %mul3A, %add3A_12 : vector<1024x128xf32>
    %get3A_17 = arith.constant 0 : index
    %get3A_18 = arith.constant 0 : index
    %get3A_19 = vector.load %arg4[%get3A_17, %get3A_18] : memref<1x128xf32, #tpu.memory_space<vmem>>, vector<1x128xf32>
    %add3A_20 = vector.broadcast %get3A_19 : vector<1x128xf32> to vector<1024x128xf32>
    %add3A_21 = arith.addf %mul3A_16, %add3A_20 : vector<1024x128xf32>
    %max3A = arith.constant 0.000000e+00 : f32
    %max3A_22 = vector.broadcast %max3A : f32 to vector<1024x128xf32>
    %max3A_23 = arith.maximumf %add3A_21, %max3A_22 : vector<1024x128xf32>
    %get3A_24 = arith.constant 0 : index
    %get3A_25 = arith.constant 0 : index
    %get3A_26 = vector.load %arg5[%get3A_24, %get3A_25] : memref<128x128xf32, #tpu.memory_space<vmem>>, vector<128x128xf32>
    %dot_general3A = arith.constant dense<0.000000e+00> : vector<1024x128xf32>
    %dot_general3A_27 = tpu.matmul %max3A_23, %get3A_26, %dot_general3A {dimension_numbers = #tpu.dot_dimension_numbers<[1], [0], [0], [1], [0, 0, 1, 1], [], []>, transpose_lhs_hint = false} : vector<1024x128xf32>, vector<128x128xf32>, vector<1024x128xf32> -> vector<1024x128xf32>
    %get3A_28 = arith.constant 0 : index
    %get3A_29 = arith.constant 0 : index
    %get3A_30 = vector.load %arg3[%get3A_28, %get3A_29] : memref<1024x1xf32, #tpu.memory_space<vmem>>, vector<1024x1xf32>
    %mul3A_31 = vector.broadcast %get3A_30 : vector<1024x1xf32> to vector<1024x128xf32>
    %mul3A_32 = arith.mulf %dot_general3A_27, %mul3A_31 : vector<1024x128xf32>
    %swap3A = arith.constant 0 : index
    %swap3A_33 = arith.constant 0 : index
    %swap3A_34 = vector.load %arg6[%swap3A, %swap3A_33] : memref<1024x128xf32, #tpu.memory_space<vmem>>, vector<1024x128xf32>
    tpu.vector_store %arg6[%swap3A, %swap3A_33], %mul3A_32 {strides = array<i32>} : memref<1024x128xf32, #tpu.memory_space<vmem>>, vector<1024x128xf32>,
    return
  }
  func.func @transform_0(%arg0: i32) -> (i32, i32) {
    %c0_i32 = arith.constant 0 : i32
    %c0_i32_0 = arith.constant 0 : i32
    return %arg0, %c0_i32 : i32, i32
  }
  func.func @transform_1(%arg0: i32) -> (i32, i32, i32) {
    %c0_i32 = arith.constant 0 : i32
    %c0_i32_0 = arith.constant 0 : i32
    %c0_i32_1 = arith.constant 0 : i32
    return %c0_i32, %arg0, %c0_i32_0 : i32, i32, i32
  }
  func.func @transform_2(%arg0: i32) -> (i32, i32) {
    %c0_i32 = arith.constant 0 : i32
    %c0_i32_0 = arith.constant 0 : i32
    return %arg0, %c0_i32 : i32, i32
  }
  func.func @transform_3(%arg0: i32) -> (i32, i32) {
    %c0_i32 = arith.constant 0 : i32
    %c0_i32_0 = arith.constant 0 : i32
    %c0_i32_1 = arith.constant 0 : i32
    return %c0_i32, %c0_i32_0 : i32, i32
  }
  func.func @transform_4(%arg0: i32) -> (i32, i32) {
    %c0_i32 = arith.constant 0 : i32
    %c0_i32_0 = arith.constant 0 : i32
    %c0_i32_1 = arith.constant 0 : i32
    return %c0_i32, %c0_i32_0 : i32, i32
  }
  func.func @transform_5(%arg0: i32) -> (i32, i32) {
    %c0_i32 = arith.constant 0 : i32
    %c0_i32_0 = arith.constant 0 : i32
    return %arg0, %c0_i32 : i32, i32
  }
}

module attributes {stable_mosaic.version = 14 : i64} {
  func.func @_tc_e_body(%arg0: i32, %arg1: memref<1024x128xf32, #tpu.memory_space<vmem>>, %arg2: memref<2x1024x128xf32, #tpu.memory_space<vmem>>, %arg3: memref<1024x1xf32, #tpu.memory_space<vmem>>, %arg4: memref<1x128xf32, #tpu.memory_space<vmem>>, %arg5: memref<128x128xf32, #tpu.memory_space<vmem>>, %arg6: memref<1x128xf32, #tpu.memory_space<vmem>>, %arg7: memref<1024x128xf32, #tpu.memory_space<vmem>>) attributes {dimension_semantics = [#tpu.dimension_semantics<arbitrary>], iteration_bounds = array<i64: 10>, scalar_prefetch = 0 : i64, scratch_operands = 0 : i64, tpu.core_type = #tpu.core_type<tc>, window_params = [{transform_indices = @transform_0, window_bounds = array<i64: 1024, 128>}, {transform_indices = @transform_1, window_bounds = array<i64: 2, 1024, 128>}, {transform_indices = @transform_2, window_bounds = array<i64: 1024, 1>}, {pipeline_mode = #tpu.pipeline_mode<synchronous>, transform_indices = @transform_3, window_bounds = array<i64: 1, 128>}, {pipeline_mode = #tpu.pipeline_mode<synchronous>, transform_indices = @transform_4, window_bounds = array<i64: 128, 128>}, {pipeline_mode = #tpu.pipeline_mode<synchronous>, transform_indices = @transform_5, window_bounds = array<i64: 1, 128>}, {transform_indices = @transform_6, window_bounds = array<i64: 1024, 128>}]} {
    %get3A = arith.constant 0 : index
    %get3A_0 = arith.constant 0 : index
    %get3A_1 = arith.constant 0 : index
    %get3A_2 = vector.load %arg2[%get3A, %get3A_0, %get3A_1] : memref<2x1024x128xf32, #tpu.memory_space<vmem>>, vector<1x1024x128xf32>
    %get3A_3 = vector.shape_cast %get3A_2 : vector<1x1024x128xf32> to vector<1024x128xf32>
    %get3A_4 = arith.constant 1 : index
    %get3A_5 = arith.constant 0 : index
    %get3A_6 = arith.constant 0 : index
    %get3A_7 = vector.load %arg2[%get3A_4, %get3A_5, %get3A_6] : memref<2x1024x128xf32, #tpu.memory_space<vmem>>, vector<1x1024x128xf32>
    %get3A_8 = vector.shape_cast %get3A_7 : vector<1x1024x128xf32> to vector<1024x128xf32>
    %add3A = arith.addf %get3A_3, %get3A_8 : vector<1024x128xf32>
    %get3A_9 = arith.constant 0 : index
    %get3A_10 = arith.constant 0 : index
    %get3A_11 = vector.load %arg1[%get3A_9, %get3A_10] : memref<1024x128xf32, #tpu.memory_space<vmem>>, vector<1024x128xf32>
    %add3A_12 = arith.addf %add3A, %get3A_11 : vector<1024x128xf32>
    %get3A_13 = arith.constant 0 : index
    %get3A_14 = arith.constant 0 : index
    %get3A_15 = vector.load %arg3[%get3A_13, %get3A_14] : memref<1024x1xf32, #tpu.memory_space<vmem>>, vector<1024x1xf32>
    %mul3A = vector.broadcast %get3A_15 : vector<1024x1xf32> to vector<1024x128xf32>
    %mul3A_16 = arith.mulf %mul3A, %add3A_12 : vector<1024x128xf32>
    %get3A_17 = arith.constant 0 : index
    %get3A_18 = arith.constant 0 : index
    %get3A_19 = vector.load %arg4[%get3A_17, %get3A_18] : memref<1x128xf32, #tpu.memory_space<vmem>>, vector<1x128xf32>
    %add3A_20 = vector.broadcast %get3A_19 : vector<1x128xf32> to vector<1024x128xf32>
    %add3A_21 = arith.addf %mul3A_16, %add3A_20 : vector<1024x128xf32>
    %max3A = arith.constant 0.000000e+00 : f32
    %max3A_22 = vector.broadcast %max3A : f32 to vector<1024x128xf32>
    %max3A_23 = arith.maximumf %add3A_21, %max3A_22 : vector<1024x128xf32>
    %get3A_24 = arith.constant 0 : index
    %get3A_25 = arith.constant 0 : index
    %get3A_26 = vector.load %arg5[%get3A_24, %get3A_25] : memref<128x128xf32, #tpu.memory_space<vmem>>, vector<128x128xf32>
    %dot_general3A = arith.constant dense<0.000000e+00> : vector<1024x128xf32>
    %dot_general3A_27 = tpu.matmul %max3A_23, %get3A_26, %dot_general3A {dimension_numbers = #tpu.dot_dimension_numbers<[1], [0], [0], [1], [0, 0, 1, 1], [], []>, transpose_lhs_hint = false} : vector<1024x128xf32>, vector<128x128xf32>, vector<1024x128xf32> -> vector<1024x128xf32>
    %get3A_28 = arith.constant 0 : index
    %get3A_29 = arith.constant 0 : index
    %get3A_30 = vector.load %arg6[%get3A_28, %get3A_29] : memref<1x128xf32, #tpu.memory_space<vmem>>, vector<1x128xf32>
    %add3A_31 = vector.broadcast %get3A_30 : vector<1x128xf32> to vector<1024x128xf32>
    %add3A_32 = arith.addf %dot_general3A_27, %add3A_31 : vector<1024x128xf32>
    %reduce_max3A = arith.constant dense<0xFF800000> : vector<1024xf32>
    %reduce_max3A_33 = vector.multi_reduction <maximumf>, %add3A_32, %reduce_max3A [1] : vector<1024x128xf32> to vector<1024xf32>
    %broadcast_in_dim3A = vector.shape_cast %reduce_max3A_33 : vector<1024xf32> to vector<1024x1xf32>
    %sub3A = vector.broadcast %broadcast_in_dim3A : vector<1024x1xf32> to vector<1024x128xf32>
    %sub3A_34 = arith.subf %add3A_32, %sub3A : vector<1024x128xf32>
    %exp3A = math.exp %sub3A_34 : vector<1024x128xf32>
    %reduce_sum3A = arith.constant dense<0.000000e+00> : vector<1024xf32>
    %reduce_sum3A_35 = vector.multi_reduction <add>, %exp3A, %reduce_sum3A [1] : vector<1024x128xf32> to vector<1024xf32>
    %broadcast_in_dim3A_36 = vector.shape_cast %reduce_sum3A_35 : vector<1024xf32> to vector<1024x1xf32>
    %log3A = math.log %broadcast_in_dim3A_36 : vector<1024x1xf32>
    %add3A_37 = arith.addf %log3A, %broadcast_in_dim3A : vector<1024x1xf32>
    %sub3A_38 = vector.broadcast %add3A_37 : vector<1024x1xf32> to vector<1024x128xf32>
    %sub3A_39 = arith.subf %add3A_32, %sub3A_38 : vector<1024x128xf32>
    %swap3A = arith.constant 0 : index
    %swap3A_40 = arith.constant 0 : index
    %swap3A_41 = vector.load %arg7[%swap3A, %swap3A_40] : memref<1024x128xf32, #tpu.memory_space<vmem>>, vector<1024x128xf32>
    tpu.vector_store %arg7[%swap3A, %swap3A_40], %sub3A_39 {strides = array<i32>} : memref<1024x128xf32, #tpu.memory_space<vmem>>, vector<1024x128xf32>,
    return
  }
  func.func @transform_0(%arg0: i32) -> (i32, i32) {
    %c0_i32 = arith.constant 0 : i32
    %c0_i32_0 = arith.constant 0 : i32
    return %arg0, %c0_i32 : i32, i32
  }
  func.func @transform_1(%arg0: i32) -> (i32, i32, i32) {
    %c0_i32 = arith.constant 0 : i32
    %c0_i32_0 = arith.constant 0 : i32
    %c0_i32_1 = arith.constant 0 : i32
    return %c0_i32, %arg0, %c0_i32_0 : i32, i32, i32
  }
  func.func @transform_2(%arg0: i32) -> (i32, i32) {
    %c0_i32 = arith.constant 0 : i32
    %c0_i32_0 = arith.constant 0 : i32
    return %arg0, %c0_i32 : i32, i32
  }
  func.func @transform_3(%arg0: i32) -> (i32, i32) {
    %c0_i32 = arith.constant 0 : i32
    %c0_i32_0 = arith.constant 0 : i32
    %c0_i32_1 = arith.constant 0 : i32
    return %c0_i32, %c0_i32_0 : i32, i32
  }
  func.func @transform_4(%arg0: i32) -> (i32, i32) {
    %c0_i32 = arith.constant 0 : i32
    %c0_i32_0 = arith.constant 0 : i32
    %c0_i32_1 = arith.constant 0 : i32
    return %c0_i32, %c0_i32_0 : i32, i32
  }
  func.func @transform_5(%arg0: i32) -> (i32, i32) {
    %c0_i32 = arith.constant 0 : i32
    %c0_i32_0 = arith.constant 0 : i32
    %c0_i32_1 = arith.constant 0 : i32
    return %c0_i32, %c0_i32_0 : i32, i32
  }
  func.func @transform_6(%arg0: i32) -> (i32, i32) {
    %c0_i32 = arith.constant 0 : i32
    %c0_i32_0 = arith.constant 0 : i32
    return %arg0, %c0_i32 : i32, i32
  }
}

</mosaic_0001>

<sc_bundles>
// kernel: kernel.11.cloned.1.call-start
scs
__scs_entry_jumppad:
0x0: {  	(pc) =	sbr.rel $0x88, $3  }
0x1: {  	(tag) =	ssettag $0x0;
	lr =	simm.s32 $0x1  }
0x2: {  	[smem:$0x3F99] =	sst lr;
	_ =	strace $0xD0000000  }
0x3: {  	_ = 	snop  }
0x4: {  	_ = 	snop  }
0x5: {  	_ = 	snop  }
0x6: {  	_ = 	snop  }
0x7: {  	_ = 	snop  }
__scs_overlays_trampoline_lowered:
0x8: {  	[smem:$0x3FA8] =	sst s0  }
0x9: {  	[smem:$0x3FA9] =	sst s1  }
0xa: {  	[smem:$0x3FAA] =	sst s2  }
0xb: {  	[smem:$0x3FAB] =	sst s3  }
0xc: {  	[smem:$0x3FAC] =	sst s4  }
0xd: {  	[smem:$0x3FAD] =	sst s5  }
0xe: {  	[smem:$0x3FAE] =	sst s6  }
0xf: {  	[smem:$0x3FAF] =	sst s7  }
0x10: {  	[smem:$0x3FB0] =	sst s8  }
0x11: {  	[smem:$0x3FB1] =	sst s9;
	s0 =	simm.s32 @!p0 $0x0  }
0x12: {  	s1 =	sld [smem:$0x3F97];
	s0 =	simm.s32 @p0 $0x1  }
0x13: {  	[smem:$0x3FB2] =	sst s0;
	s0 =	simm.s32 @!p1 $0x0  }
0x14: {  	s2 =	sld [smem:$0x3F96];
	s0 =	simm.s32 @p1 $0x1  }
0x15: {  	[smem:$0x3FB3] =	sst s0;
	s0 =	simm.s32 @!p2 $0x0  }
0x16: {  	s3 =	sld [smem:$0x3FDB];
	s0 =	simm.s32 @p2 $0x1  }
0x17: {  	s4 =	simm.s32 $0x1BF5;
	[smem:$0x3FB5] =	sst s0  }
0x18: {  	s0 =	sld [smem:$0x3F98];
	_ =	swait.ge [sflag:s4], $0x0  }
0x19: {  	s7 =	sld [smem:$0x3F99]  }
0x1a: {  	s8 =	sadd.s32 $0xFFFFE003, lr  }
0x1b: {  	s9 =	sadd.s32 $0xFFFFFEF7, lr;
	s5 =	simm.s32 $0xFFFFFFFF;
	p2 =	slt.u32 s8, $0xFFFFF086  }
0x1c: {  	p1 =	slt.u32 s9, $0xF7A;
	s5 =	simm.s32 @!p2 $0x0  }
0x1d: {  	s5 =	simm.s32 @p1 $0x1;
	p0 =	seq.s32 s7, s2  }
0x1e: {  	s7 =	smul.u32 @!p0 $0xF7A, s2;
	p2 =	seq.s32 @!p0 s5, $0x0  }
0x1f: {  	s9 =	smul.u32 $0xF7A, s1;
	s8 =	simm.s32 @!p0 $0x1BF5;
	p2 =	por !p2, p0  }
0x20: {  	[sflag:s8] =	ssyncset.s32 @!p0 $0xFFFFF086;
	s6 =	sadd.s32 @!p0 s3, s7;
	s7 =	simm.s32 @!p0 $0x108  }
0x21: {  	s3 =	sadd.s32 s3, s9;
	s6 =	sadd.s32 @!p0 $0x88, s6;
	s7 =	simm.s32 @p2 $0x1082  }
0x22: {  	[simem:s7], [sflag:s8] =	dma.local @!p0 [hbm:s6], $0xF7A  }
0x23: {  	s9 =	sor.u32 $0xD0000000, s2;
	s6 =	simm.s32 $0x108;
	_ =	swait.ge @!p0 [sflag:s8], $0x0  }
0x24: {  	s3 =	sadd.s32 $0x88, s3;
	s6 =	simm.s32 @!p1 $0x1082;
	[sflag:s4] =	ssyncset.s32 $0xFFFFF086  }
0x25: {  	[simem:s6], [sflag:s4] =	dma.local [hbm:s3], $0xF7A  }
0x26: {  	[smem:$0x3F99] =	sst s1;
	(tag) =	ssettag s2;
	_ =	strace s9  }
0x27: {  	s1 =	sld [smem:$0x3FA9]  }
0x28: {  	s2 =	sld [smem:$0x3FAA]  }
0x29: {  	s4 =	sld [smem:$0x3FAC]  }
0x2a: {  	p0 =	seq.s32 s5, $0x0;
	s5 =	sld [smem:$0x3FAD]  }
0x2b: {  	s6 =	sld [smem:$0x3FAE]  }
0x2c: {  	s7 =	sld [smem:$0x3FAF]  }
0x2d: {  	s3 =	simm.s32 $0x108;
	s8 =	sld [smem:$0x3FB0]  }
0x2e: {  	s3 =	simm.s32 @!p0 $0x1082;
	s9 =	sld [smem:$0x3FB1]  }
0x2f: {  	lr =	sadd.s32 s0, s3;
	s0 =	sld [smem:$0x3FA8]  }
0x30: {  	s3 =	sld [smem:$0x3FAB]  }
0x31: {  	[smem:$0x3FB4] =	sst s10  }
0x32: {  	s10 =	sld [smem:$0x3FB2];
	_ =	sdelay $0x3  }
0x33: {  	p0 =	seq.s32 s10, $0x1;
	s10 =	sld [smem:$0x3FB4];
	_ =	sdelay $0x3  }
0x34: {  	[smem:$0x3FB4] =	sst s10  }
0x35: {  	s10 =	sld [smem:$0x3FB3];
	_ =	sdelay $0x3  }
0x36: {  	p1 =	seq.s32 s10, $0x1;
	s10 =	sld [smem:$0x3FB4];
	_ =	sdelay $0x3  }
0x37: {  	[smem:$0x3FB4] =	sst s10  }
0x38: {  	s10 =	sld [smem:$0x3FB5]  }
0x39: {  	_ = 	snop;
	(pc) =	sbr.ind lr, $3  }
0x3a: {  	_ = 	snop  }
0x3b: {  	_ = 	snop  }
0x3c: {  	p2 =	seq.s32 s10, $0x1;
	s10 =	sld [smem:$0x3FB4]  }
0x3d: {  	_ =	shalt  }
0x3e: {  	_ =	shalt  }
0x3f: {  	_ =	shalt  }
0x40: {  	_ =	shalt  }
0x41: {  	_ =	shalt  }
0x42: {  	_ =	shalt  }
0x43: {  	_ =	shalt  }
0x44: {  	_ =	shalt  }
0x45: {  	_ =	shalt  }
0x46: {  	_ =	shalt  }
0x47: {  	_ =	shalt  }
0x48: {  	_ =	shalt  }
0x49: {  	_ =	shalt  }
0x4a: {  	_ =	shalt  }
0x4b: {  	_ =	shalt  }
0x4c: {  	_ =	shalt  }
0x4d: {  	_ =	shalt  }
0x4e: {  	_ =	shalt  }
0x4f: {  	_ =	shalt  }
0x50: {  	_ =	shalt  }
0x51: {  	_ =	shalt  }
0x52: {  	_ =	shalt  }
0x53: {  	_ =	shalt  }
0x54: {  	_ =	shalt  }
0x55: {  	_ =	shalt  }
0x56: {  	_ =	shalt  }
0x57: {  	_ =	shalt  }
0x58: {  	_ =	shalt  }
0x59: {  	_ =	shalt  }
0x5a: {  	_ =	shalt  }
0x5b: {  	_ =	shalt  }
0x5c: {  	_ =	shalt  }
0x5d: {  	_ =	shalt  }
0x5e: {  	_ =	shalt  }
0x5f: {  	_ =	shalt  }
0x60: {  	_ =	shalt  }
0x61: {  	_ =	shalt  }
0x62: {  	_ =	shalt  }
0x63: {  	_ =	shalt  }
0x64: {  	_ =	shalt  }
0x65: {  	_ =	shalt  }
0x66: {  	_ =	shalt  }
0x67: {  	_ =	shalt  }
0x68: {  	_ =	shalt  }
0x69: {  	_ =	shalt  }
0x6a: {  	_ =	shalt  }
0x6b: {  	_ =	shalt  }
0x6c: {  	_ =	shalt  }
0x6d: {  	_ =	shalt  }
0x6e: {  	_ =	shalt  }
0x6f: {  	_ =	shalt  }
0x70: {  	_ =	shalt  }
0x71: {  	_ =	shalt  }
0x72: {  	_ =	shalt  }
0x73: {  	_ =	shalt  }
0x74: {  	_ =	shalt  }
0x75: {  	_ =	shalt  }
0x76: {  	_ =	shalt  }
0x77: {  	_ =	shalt  }
0x78: {  	_ =	shalt  }
0x79: {  	_ =	shalt  }
0x7a: {  	_ =	shalt  }
0x7b: {  	_ =	shalt  }
0x7c: {  	_ =	shalt  }
0x7d: {  	_ =	shalt  }
0x7e: {  	_ =	shalt  }
0x7f: {  	_ =	shalt  }
0x80: {  	_ =	shalt  }
0x81: {  	_ =	shalt  }
0x82: {  	_ =	shalt  }
0x83: {  	_ =	shalt  }
0x84: {  	_ =	shalt  }
0x85: {  	_ =	shalt  }
0x86: {  	_ =	shalt  }
0x87: {  	_ =	shalt  }
.Lfunc_end0:
.L_simem_size_0:
called_computation.1_lowered:
.L_overlay_start_0:
0x88: {  	s2 =	sld [smem:$0x3FD9]  }
0x89: {  	s3 =	sld [smem:$0x3FFE];
	_ =	sdelay $0x1  }
0x8a: {  	s1 =	srdreg.scid  }
0x8b: {  	s0 =	sand.u32 $0x1, s1  }
0x8c: {  	s16 =	sshll.u32 s0, $0xA;
	s2 =	sadd.s32 s3, s2  }
0x8d: {  	s2 =	sadd.s32 s2, s16  }
0x8e: {  	[smem:$0x3FC0] =	sst s2  }
0x8f: {  	_ = 	snop  }
0x90: {  	(tm) =	ssettm $0x1  }
0x91: {  	s17 =	sld [smem:$0x3FFB];
	_ =	sdelay $0x3  }
0x92: {  	_ =	strace s17  }
0x93: {  	s2 =	sld [smem:$0x3FFC];
	_ =	sdelay $0x3  }
0x94: {  	_ =	strace s2  }
0x95: {  	s2 =	sld [smem:$0x3FFD];
	_ =	sdelay $0x3  }
0x96: {  	_ =	strace s2  }
0x97: {  	_ =	strace $0x8FFFFFFF  }
0x98: {  	s18 =	sld [smem:$0x3FDB];
	_ =	sdelay $0x1  }
0x99: {  	s19 =	simm.s32 $_scs_section_size  }
0x9a: {  	s4 =	simm.s32 $_size__tile_overlayer_lowered;
	s5 =	simm.s32 $_tile_overlayer_lowered  }
0x9b: {  	s22 =	simm.s32 $0x1BFF;
	s21 =	sshll.u32 s5, $0x1;
	s2 =	sadd.s32 s19, s18  }
0x9c: {  	s6 =	simm.s32 $0x0;
	s20 =	sshll.u32 s4, $0x1;
	s4 =	sadd.s32 s21, s2  }
0x9d: {  	[timem:s6], [sflag:s22] =	dma.local [hbm:s4], s20  }
0x9e: {  	_ =	swait.ge [sflag:s22], s20  }
0x9f: {  	s3 =	ssub.s32 $0x0, s20;
	[sflag:s22] =	ssyncset.done $0x0  }
0xa0: {  	[sflag:s22] =	ssyncadd.s32 s3;
	_ =	sdelay $0x1  }
0xa1: {  	s23 =	simm.s32 $0x1B8B  }
0xa2: {  	_ =	swait.ge [sflag:s23], $0x1  }
0xa3: {  	[sflag:s23] =	ssyncset.done $0x0  }
0xa4: {  	s25 =	simm.s32 $0x1B8E;
	s24 =	sld [smem:$0x3FFE];
	[sflag:s23] =	ssyncadd.s32 $0xFFFFFFFF  }
0xa5: {  	s26 =	simm.s32 $execute0_lowered;
	[smem:$0x3FD2] =	sst s25  }
0xa6: {  	s4 =	sshll.u32 s26, $0x1;
	_ =	strace $0x80000049;
	[dreg:$0x1] =	wrdreg $0xFFFFFFFF  }
0xa7: {  	s28 =	simm.s32 $_size_execute0_lowered;
	s2 =	sadd.s32 s2, s4;
	[dreg:$0x0] =	wrdreg $0x0  }
0xa8: {  	s4 =	sshll.u32 s28, $0x1;
	[dreg:$0x2] =	wrdreg s2  }
0xa9: {  	[dreg:$0x3] =	wrdreg s4  }
0xaa: {  	[dreg:$0x4] =	wrdreg $0xC0  }
0xab: {  	_ =	task [dreg:s6], $0x5FFFF  }
0xac: {  	[dreg:$0x1] =	wrdreg $0xFFFFFFFF  }
0xad: {  	[dreg:$0x0] =	wrdreg $0x60  }
0xae: {  	[dreg:$0x2] =	wrdreg s24  }
0xaf: {  	[dreg:$0x3] =	wrdreg $0x50000  }
0xb0: {  	[dreg:$0x4] =	wrdreg $0x9  }
0xb1: {  	_ =	task.clear_ibuf [dreg:s6], $0x5FFFF;
	_ =	strace $0x90000049  }
0xb2: {  	s29 =	simm.s32 $0x9;
	_ =	strace $0x8000004B  }
0xb3: {  	_ =	swait.ge [sflag:s29], $0x1  }
0xb4: {  	[sflag:s29] =	ssyncadd.s32 $0xFFFFFFFF  }
0xb5: {  	_ =	strace $0x9000004B  }
0xb6: {  	_ =	sfence  }
0xb7: {  	s30 =	sld [smem:$0x0];
	_ =	sdelay $0x2  }
0xb8: {  	s31 =	sshll.u32 s1, $0xD;
	s1 =	sshrl.u32 s1, $0x2  }
0xb9: {  	s3 =	sand.u32 $0x4000, s31;
	s1 =	sadd.s32 s1, s30  }
0xba: {  	s0 =	sor.u32 s3, s0;
	s1 =	sshll.u32 s1, $0x11  }
0xbb: {  	s0 =	sor.u32 s1, s0  }
0xbc: {  	s0 =	sadd.s32 $0x8F2B, s0  }
0xbd: {  	[sflag:s0] =	ssyncadd.remote.s32 $0x1  }
0xbe: {  	_ =	sfence.sel $0xFFFF  }
0xbf: {  	[dreg:$0x0] =	wrdreg $0xFFFFFFFF;
	(pc) =	sbr.abs _section_cstart, $3  }
0xc0: {  	[dreg:$0x1] =	wrdreg $0xFFFFFFFF  }
0xc1: {  	_ =	task.clear_ibuf [dreg:s6], $0x2FFFF;
	_ =	strace $0x9FFFFFFF  }
0xc2: {  	(tm) =	ssettm $0x7FFFFFFF  }
0xc3: {  	_ =	shalt  }
tec
execute0_lowered:
.L_overlay_start_1:
0x0: {  	(tag) =	ssettag $0x1  }
0x1: {  	s0 =	rddreg [dreg:$0x0]  }
0x2: {  	s2 =	rddreg [dreg:$0x1];
	s11 =	stileid.u32  }
0x3: {  	s1 =	srdreg.scid;
	s3 =	simm.s32 $0x0;
	s14 =	simm.s32 $0x100  }
0x4: {  	s16 =	simm.s32 $0x180;
	s17 =	simm.s32 $0x200;
	s18 =	simm.s32 $0x280  }
0x5: {  	s20 =	simm.s32 $0x300;
	s21 =	simm.s32 $0x380;
	s22 =	simm.s32 $0x400  }
0x6: {  	s23 =	simm.s32 $0x480;
	s24 =	simm.s32 $0x500;
	[smem:$0x7FF] =	sst s3  }
0x7: {  	s28 =	simm.s32 $0xC80;
	_ =	strace $0x8000004A;
	[dreg:$0x5] =	wrdreg s14  }
0x8: {  	s29 =	simm.s32 $0xD00;
	s30 =	simm.s32 $0xD80;
	[dreg:$0x6] =	wrdreg s16  }
0x9: {  	s31 =	simm.s32 $0xE00;
	s5 =	smul.u32 $0x14000, s11;
	[dreg:$0x7] =	wrdreg s17  }
0xa: {  	s1 =	sand.u32 $0x1, s1;
	s8 =	smul.u32 $0xA, s11;
	[dreg:$0x8] =	wrdreg s18  }
0xb: {  	s4 =	sadd.s32 $0x2000, s0;
	s10 =	smul.u32 $0x50000, s11;
	[dreg:$0x9] =	wrdreg s20  }
0xc: {  	s9 =	sadd.s32 $0x7A000, s0;
	s12 =	smul.u32 $0xA00, s11;
	[dreg:$0xa] =	wrdreg s21  }
0xd: {  	s15 =	sshll.u32 s11, $0x6;
	s6 =	smul.u32 $0x140000, s1;
	[dreg:$0xb] =	wrdreg s22  }
0xe: {  	s11 =	simm.s32 $0x1;
	s7 =	smul.u32 $0xA0, s1;
	[dreg:$0xc] =	wrdreg s23  }
0xf: {  	s25 =	ssub.s32 $0x2, s1;
	s1 =	smul.u32 $0xA000, s1;
	[dreg:$0xd] =	wrdreg s24  }
0x10: {  	s14 =	simm.s32 $0x2;
	s16 =	simm.s32 $0x700;
	s17 =	simm.s32 $0x780  }
0x11: {  	s18 =	simm.s32 $0x800;
	s20 =	simm.s32 $0x900;
	s21 =	simm.s32 $0x980  }
0x12: {  	s22 =	simm.s32 $0xA00;
	s23 =	simm.s32 $0xA80;
	s24 =	simm.s32 $0xB00  }
0x13: {  	s26 =	sshrl.u32 s25, $0x1;
	s10 =	sshrl.u32 s10, $0x2;
	s6 =	sadd.s32 s5, s6  }
0x14: {  	s5 =	sshrl.u32 s5, $0x3;
	s7 =	sadd.s32 s8, s7;
	s1 =	sadd.s32 s1, s9  }
0x15: {  	s13 =	sadd.s32 s10, s2;
	s8 =	sor.u32 $0x1C03, s15;
	s10 =	simm.s32 $0x3  }
0x16: {  	s15 =	simm.s32 $0x680;
	s6 =	sshrl.u32 s6, $0x3;
	s5 =	sadd.s32 s5, s0  }
0x17: {  	s7 =	sshll.u32 s7, $0x8;
	s1 =	sadd.s32 s12, s1;
	[dreg:$0x11] =	wrdreg s8  }
0x18: {  	s0 =	sadd.s32 s6, s0;
	s5 =	sadd.s32 $0x2A000, s5;
	[dreg:$0x4] =	wrdreg s1  }
0x19: {  	s6 =	ssub.s32 s25, s26;
	s25 =	simm.s32 $0x580;
	[dreg:$0x10] =	wrdreg s5  }
0x1a: {  	s12 =	simm.s32 $0x80;
	s26 =	simm.s32 $0x600;
	[dreg:$0xe] =	wrdreg s25  }
0x1b: {  	s7 =	sadd.s32 s7, s9;
	s9 =	sshrl.u32 s13, $0x3;
	[dreg:$0xf] =	wrdreg s26  }
0x1c: {  	s13 =	simm.s32 $0x1000;
	s7 =	sadd.s32 $0x100, s7;
	[dreg:$0x14] =	wrdreg s9  }
0x1d: {  	s1 =	simm.s32 $0xF00;
	s0 =	sadd.s32 $0x8E000, s0;
	[dreg:$0x3] =	wrdreg s7  }
0x1e: {  	s19 =	smax.u32 s6, $0x1;
	s25 =	simm.s32 $0xB80;
	[dreg:$0x12] =	wrdreg s0  }
0x1f: {  	s26 =	simm.s32 $0xC00;
	s5 =	simm.s32 $0xF80;
	[dreg:$0x13] =	wrdreg s19  }
0x20: {  	s19 =	simm.s32 $0x880;
	s0 =	simm.s32 $0xE80;
	s7 =	simm.s32 $0x0  }
.LBB2_1:
0x21: {  	s6 =	rddreg [dreg:$0x10]  }
0x22: {  	[spmem:s9], [sflag:s8] =	dma.local [hbm:s6], $0x2800  }
0x23: {  	_ =	swait.ge [sflag:s10], $0x2800  }
0x24: {  	[sflag:s10] =	ssyncset.done $0x0  }
0x25: {  	[sflag:s10] =	ssyncadd.s32 $0xFFFFD800  }
0x26: {  	[bflag:$0x0] =	sbarrier.arrive $0xFFFF  }
0x27: {  	s9 =	rddreg [dreg:$0x4]  }
0x28: {  	s6 =	sadd.s32 $0x0, s9  }
0x29: {  	[tilespmem:s3], [sflag:$0x1] =	stream.linear.gather [hbm4b:s6+s3], $0x800, $0x38;
	[tilespmem:$0x19000] =	vst v63  }
0x2a: {  	_ =	swait.ge [sflag:s11], $0x800  }
0x2b: {  	[sflag:s11] =	ssyncset.done $0x0  }
0x2c: {  	[sflag:s11] =	ssyncadd.s32 $0xFFFFF800  }
0x2d: {  	[tilespmem:s13], [sflag:$0x2] =	stream.indirect.gather [hbm4b:s4+s12], $0x80, s3, s12, $0xb8;
	[tilespmem:$0x19000] =	vst v63  }
0x2e: {  	_ =	swait.ge [sflag:s14], $0x4000  }
0x2f: {  	[sflag:s14] =	ssyncset.done $0x0  }
0x30: {  	[sflag:s14] =	ssyncadd.s32 $0xFFFFC000  }
0x31: {  	[spmem:s2] =	stream.indirect.scatter.add.f32 [tilespmem:s13], [sflag:$0x3], $0x80, s12, s12, $0xb8;
	[tilespmem:$0x19000] =	vst v63  }
0x32: {  	_ =	swait.ge [sflag:s10], $0x4000  }
0x33: {  	[sflag:s10] =	ssyncset.done $0x0  }
0x34: {  	s8 =	rddreg [dreg:$0x5];
	[sflag:s10] =	ssyncadd.s32 $0xFFFFC000  }
0x35: {  	[tilespmem:s13], [sflag:$0x2] =	stream.indirect.gather [hbm4b:s4+s12], $0x80, s8, s12, $0xb8;
	[tilespmem:$0x19000] =	vst v63  }
0x36: {  	_ =	swait.ge [sflag:s14], $0x4000  }
0x37: {  	[sflag:s14] =	ssyncset.done $0x0  }
0x38: {  	s9 =	rddreg [dreg:$0x6];
	[sflag:s14] =	ssyncadd.s32 $0xFFFFC000  }
0x39: {  	[spmem:s2] =	stream.indirect.scatter.add.f32 [tilespmem:s13], [sflag:$0x3], $0x80, s9, s12, $0xb8;
	[tilespmem:$0x19000] =	vst v63  }
0x3a: {  	_ =	swait.ge [sflag:s10], $0x4000  }
0x3b: {  	[sflag:s10] =	ssyncset.done $0x0  }
0x3c: {  	s8 =	rddreg [dreg:$0x7];
	[sflag:s10] =	ssyncadd.s32 $0xFFFFC000  }
0x3d: {  	[tilespmem:s13], [sflag:$0x2] =	stream.indirect.gather [hbm4b:s4+s12], $0x80, s8, s12, $0xb8;
	[tilespmem:$0x19000] =	vst v63  }
0x3e: {  	_ =	swait.ge [sflag:s14], $0x4000  }
0x3f: {  	[sflag:s14] =	ssyncset.done $0x0  }
0x40: {  	s9 =	rddreg [dreg:$0x8];
	[sflag:s14] =	ssyncadd.s32 $0xFFFFC000  }
0x41: {  	[spmem:s2] =	stream.indirect.scatter.add.f32 [tilespmem:s13], [sflag:$0x3], $0x80, s9, s12, $0xb8;
	[tilespmem:$0x19000] =	vst v63  }
0x42: {  	_ =	swait.ge [sflag:s10], $0x4000  }
0x43: {  	[sflag:s10] =	ssyncset.done $0x0  }
0x44: {  	s8 =	rddreg [dreg:$0x9];
	[sflag:s10] =	ssyncadd.s32 $0xFFFFC000  }
0x45: {  	[tilespmem:s13], [sflag:$0x2] =	stream.indirect.gather [hbm4b:s4+s12], $0x80, s8, s12, $0xb8;
	[tilespmem:$0x19000] =	vst v63  }
0x46: {  	_ =	swait.ge [sflag:s14], $0x4000  }
0x47: {  	[sflag:s14] =	ssyncset.done $0x0  }
0x48: {  	s9 =	rddreg [dreg:$0xa];
	[sflag:s14] =	ssyncadd.s32 $0xFFFFC000  }
0x49: {  	[spmem:s2] =	stream.indirect.scatter.add.f32 [tilespmem:s13], [sflag:$0x3], $0x80, s9, s12, $0xb8;
	[tilespmem:$0x19000] =	vst v63  }
0x4a: {  	_ =	swait.ge [sflag:s10], $0x4000  }
0x4b: {  	[sflag:s10] =	ssyncset.done $0x0  }
0x4c: {  	s8 =	rddreg [dreg:$0xb];
	[sflag:s10] =	ssyncadd.s32 $0xFFFFC000  }
0x4d: {  	[tilespmem:s13], [sflag:$0x2] =	stream.indirect.gather [hbm4b:s4+s12], $0x80, s8, s12, $0xb8;
	[tilespmem:$0x19000] =	vst v63  }
0x4e: {  	_ =	swait.ge [sflag:s14], $0x4000  }
0x4f: {  	[sflag:s14] =	ssyncset.done $0x0  }
0x50: {  	s9 =	rddreg [dreg:$0xc];
	[sflag:s14] =	ssyncadd.s32 $0xFFFFC000  }
0x51: {  	[spmem:s2] =	stream.indirect.scatter.add.f32 [tilespmem:s13], [sflag:$0x3], $0x80, s9, s12, $0xb8;
	[tilespmem:$0x19000] =	vst v63  }
0x52: {  	_ =	swait.ge [sflag:s10], $0x4000  }
0x53: {  	[sflag:s10] =	ssyncset.done $0x0  }
0x54: {  	s8 =	rddreg [dreg:$0xd];
	[sflag:s10] =	ssyncadd.s32 $0xFFFFC000  }
0x55: {  	[tilespmem:s13], [sflag:$0x2] =	stream.indirect.gather [hbm4b:s4+s12], $0x80, s8, s12, $0xb8;
	[tilespmem:$0x19000] =	vst v63  }
0x56: {  	_ =	swait.ge [sflag:s14], $0x4000  }
0x57: {  	[sflag:s14] =	ssyncset.done $0x0  }
0x58: {  	s9 =	rddreg [dreg:$0xe];
	[sflag:s14] =	ssyncadd.s32 $0xFFFFC000  }
0x59: {  	[spmem:s2] =	stream.indirect.scatter.add.f32 [tilespmem:s13], [sflag:$0x3], $0x80, s9, s12, $0xb8;
	[tilespmem:$0x19000] =	vst v63  }
0x5a: {  	_ =	swait.ge [sflag:s10], $0x4000  }
0x5b: {  	[sflag:s10] =	ssyncset.done $0x0  }
0x5c: {  	s8 =	rddreg [dreg:$0xf];
	[sflag:s10] =	ssyncadd.s32 $0xFFFFC000  }
0x5d: {  	[tilespmem:s13], [sflag:$0x2] =	stream.indirect.gather [hbm4b:s4+s12], $0x80, s8, s12, $0xb8;
	[tilespmem:$0x19000] =	vst v63  }
0x5e: {  	_ =	swait.ge [sflag:s14], $0x4000  }
0x5f: {  	[sflag:s14] =	ssyncset.done $0x0  }
0x60: {  	[sflag:s14] =	ssyncadd.s32 $0xFFFFC000  }
0x61: {  	[spmem:s2] =	stream.indirect.scatter.add.f32 [tilespmem:s13], [sflag:$0x3], $0x80, s15, s12, $0xb8;
	[tilespmem:$0x19000] =	vst v63  }
0x62: {  	_ =	swait.ge [sflag:s10], $0x4000  }
0x63: {  	[sflag:s10] =	ssyncset.done $0x0  }
0x64: {  	[sflag:s10] =	ssyncadd.s32 $0xFFFFC000  }
0x65: {  	[tilespmem:s13], [sflag:$0x2] =	stream.indirect.gather [hbm4b:s4+s12], $0x80, s16, s12, $0xb8;
	[tilespmem:$0x19000] =	vst v63  }
0x66: {  	_ =	swait.ge [sflag:s14], $0x4000  }
0x67: {  	[sflag:s14] =	ssyncset.done $0x0  }
0x68: {  	[sflag:s14] =	ssyncadd.s32 $0xFFFFC000  }
0x69: {  	[spmem:s2] =	stream.indirect.scatter.add.f32 [tilespmem:s13], [sflag:$0x3], $0x80, s17, s12, $0xb8;
	[tilespmem:$0x19000] =	vst v63  }
0x6a: {  	_ =	swait.ge [sflag:s10], $0x4000  }
0x6b: {  	s9 =	rddreg [dreg:$0x3];
	[sflag:s10] =	ssyncset.done $0x0  }
0x6c: {  	[sflag:s10] =	ssyncadd.s32 $0xFFFFC000;
	s6 =	sadd.s32 $0x0, s9  }
0x6d: {  	[tilespmem:s18], [sflag:$0x1] =	stream.linear.gather [hbm4b:s6+s3], $0x800, $0x38;
	[tilespmem:$0x19000] =	vst v63  }
0x6e: {  	_ =	swait.ge [sflag:s11], $0x800  }
0x6f: {  	[sflag:s11] =	ssyncset.done $0x0  }
0x70: {  	[sflag:s11] =	ssyncadd.s32 $0xFFFFF800  }
0x71: {  	[tilespmem:s13], [sflag:$0x2] =	stream.indirect.gather [hbm4b:s4+s12], $0x80, s18, s12, $0xb8;
	[tilespmem:$0x19000] =	vst v63  }
0x72: {  	_ =	swait.ge [sflag:s14], $0x4000  }
0x73: {  	[sflag:s14] =	ssyncset.done $0x0  }
0x74: {  	[sflag:s14] =	ssyncadd.s32 $0xFFFFC000  }
0x75: {  	[spmem:s2] =	stream.indirect.scatter.add.f32 [tilespmem:s13], [sflag:$0x3], $0x80, s19, s12, $0xb8;
	[tilespmem:$0x19000] =	vst v63  }
0x76: {  	_ =	swait.ge [sflag:s10], $0x4000  }
0x77: {  	[sflag:s10] =	ssyncset.done $0x0  }
0x78: {  	[sflag:s10] =	ssyncadd.s32 $0xFFFFC000  }
0x79: {  	[tilespmem:s13], [sflag:$0x2] =	stream.indirect.gather [hbm4b:s4+s12], $0x80, s20, s12, $0xb8;
	[tilespmem:$0x19000] =	vst v63  }
0x7a: {  	_ =	swait.ge [sflag:s14], $0x4000  }
0x7b: {  	[sflag:s14] =	ssyncset.done $0x0  }
0x7c: {  	[sflag:s14] =	ssyncadd.s32 $0xFFFFC000  }
0x7d: {  	[spmem:s2] =	stream.indirect.scatter.add.f32 [tilespmem:s13], [sflag:$0x3], $0x80, s21, s12, $0xb8;
	[tilespmem:$0x19000] =	vst v63  }
0x7e: {  	_ =	swait.ge [sflag:s10], $0x4000  }
0x7f: {  	[sflag:s10] =	ssyncset.done $0x0  }
0x80: {  	[sflag:s10] =	ssyncadd.s32 $0xFFFFC000  }
0x81: {  	[tilespmem:s13], [sflag:$0x2] =	stream.indirect.gather [hbm4b:s4+s12], $0x80, s22, s12, $0xb8;
	[tilespmem:$0x19000] =	vst v63  }
0x82: {  	_ =	swait.ge [sflag:s14], $0x4000  }
0x83: {  	[sflag:s14] =	ssyncset.done $0x0  }
0x84: {  	[sflag:s14] =	ssyncadd.s32 $0xFFFFC000  }
0x85: {  	[spmem:s2] =	stream.indirect.scatter.add.f32 [tilespmem:s13], [sflag:$0x3], $0x80, s23, s12, $0xb8;
	[tilespmem:$0x19000] =	vst v63  }
0x86: {  	_ =	swait.ge [sflag:s10], $0x4000  }
0x87: {  	[sflag:s10] =	ssyncset.done $0x0  }
0x88: {  	[sflag:s10] =	ssyncadd.s32 $0xFFFFC000  }
0x89: {  	[tilespmem:s13], [sflag:$0x2] =	stream.indirect.gather [hbm4b:s4+s12], $0x80, s24, s12, $0xb8;
	[tilespmem:$0x19000] =	vst v63  }
0x8a: {  	_ =	swait.ge [sflag:s14], $0x4000  }
0x8b: {  	[sflag:s14] =	ssyncset.done $0x0  }
0x8c: {  	[sflag:s14] =	ssyncadd.s32 $0xFFFFC000  }
0x8d: {  	[spmem:s2] =	stream.indirect.scatter.add.f32 [tilespmem:s13], [sflag:$0x3], $0x80, s25, s12, $0xb8;
	[tilespmem:$0x19000] =	vst v63  }
0x8e: {  	_ =	swait.ge [sflag:s10], $0x4000  }
0x8f: {  	[sflag:s10] =	ssyncset.done $0x0  }
0x90: {  	[sflag:s10] =	ssyncadd.s32 $0xFFFFC000  }
0x91: {  	[tilespmem:s13], [sflag:$0x2] =	stream.indirect.gather [hbm4b:s4+s12], $0x80, s26, s12, $0xb8;
	[tilespmem:$0x19000] =	vst v63  }
0x92: {  	_ =	swait.ge [sflag:s14], $0x4000  }
0x93: {  	[sflag:s14] =	ssyncset.done $0x0  }
0x94: {  	[sflag:s14] =	ssyncadd.s32 $0xFFFFC000  }
0x95: {  	[spmem:s2] =	stream.indirect.scatter.add.f32 [tilespmem:s13], [sflag:$0x3], $0x80, s28, s12, $0xb8;
	[tilespmem:$0x19000] =	vst v63  }
0x96: {  	_ =	swait.ge [sflag:s10], $0x4000  }
0x97: {  	[sflag:s10] =	ssyncset.done $0x0  }
0x98: {  	[sflag:s10] =	ssyncadd.s32 $0xFFFFC000  }
0x99: {  	[tilespmem:s13], [sflag:$0x2] =	stream.indirect.gather [hbm4b:s4+s12], $0x80, s29, s12, $0xb8;
	[tilespmem:$0x19000] =	vst v63  }
0x9a: {  	_ =	swait.ge [sflag:s14], $0x4000  }
0x9b: {  	[sflag:s14] =	ssyncset.done $0x0  }
0x9c: {  	[sflag:s14] =	ssyncadd.s32 $0xFFFFC000  }
0x9d: {  	[spmem:s2] =	stream.indirect.scatter.add.f32 [tilespmem:s13], [sflag:$0x3], $0x80, s30, s12, $0xb8;
	[tilespmem:$0x19000] =	vst v63  }
0x9e: {  	_ =	swait.ge [sflag:s10], $0x4000  }
0x9f: {  	[sflag:s10] =	ssyncset.done $0x0  }
0xa0: {  	[sflag:s10] =	ssyncadd.s32 $0xFFFFC000  }
0xa1: {  	[tilespmem:s13], [sflag:$0x2] =	stream.indirect.gather [hbm4b:s4+s12], $0x80, s31, s12, $0xb8;
	[tilespmem:$0x19000] =	vst v63  }
0xa2: {  	_ =	swait.ge [sflag:s14], $0x4000  }
0xa3: {  	[sflag:s14] =	ssyncset.done $0x0  }
0xa4: {  	[sflag:s14] =	ssyncadd.s32 $0xFFFFC000  }
0xa5: {  	[spmem:s2] =	stream.indirect.scatter.add.f32 [tilespmem:s13], [sflag:$0x3], $0x80, s0, s12, $0xb8;
	[tilespmem:$0x19000] =	vst v63  }
0xa6: {  	_ =	swait.ge [sflag:s10], $0x4000  }
0xa7: {  	[sflag:s10] =	ssyncset.done $0x0  }
0xa8: {  	[sflag:s10] =	ssyncadd.s32 $0xFFFFC000  }
0xa9: {  	[tilespmem:s13], [sflag:$0x2] =	stream.indirect.gather [hbm4b:s4+s12], $0x80, s1, s12, $0xb8;
	[tilespmem:$0x19000] =	vst v63  }
0xaa: {  	_ =	swait.ge [sflag:s14], $0x4000  }
0xab: {  	[sflag:s14] =	ssyncset.done $0x0  }
0xac: {  	[sflag:s14] =	ssyncadd.s32 $0xFFFFC000  }
0xad: {  	[spmem:s2] =	stream.indirect.scatter.add.f32 [tilespmem:s13], [sflag:$0x3], $0x80, s5, s12, $0xb8;
	[tilespmem:$0x19000] =	vst v63  }
0xae: {  	s8 =	simm.s32 $0x200;
	_ =	swait.ge [sflag:s10], $0x4000  }
.LBB2_2:
0xaf: {  	s9 =	rddreg [dreg:$0x4];
	s6 =	smov.u32 s8;
	[sflag:s10] =	ssyncset.done $0x0  }
0xb0: {  	s9 =	sadd.s32 s6, s9;
	[sflag:s10] =	ssyncadd.s32 $0xFFFFC000  }
0xb1: {  	[tilespmem:s3], [sflag:$0x1] =	stream.linear.gather [hbm4b:s9+s3], $0x800, $0x38;
	[tilespmem:$0x19000] =	vst v63  }
0xb2: {  	_ =	swait.ge [sflag:s11], $0x800  }
0xb3: {  	[sflag:s11] =	ssyncset.done $0x0  }
0xb4: {  	[sflag:s11] =	ssyncadd.s32 $0xFFFFF800  }
0xb5: {  	[tilespmem:s13], [sflag:$0x2] =	stream.indirect.gather [hbm4b:s4+s12], $0x80, s3, s12, $0xb8;
	[tilespmem:$0x19000] =	vst v63  }
0xb6: {  	_ =	swait.ge [sflag:s14], $0x4000  }
0xb7: {  	[sflag:s14] =	ssyncset.done $0x0  }
0xb8: {  	[sflag:s14] =	ssyncadd.s32 $0xFFFFC000  }
0xb9: {  	[spmem:s2] =	stream.indirect.scatter.add.f32 [tilespmem:s13], [sflag:$0x3], $0x80, s12, s12, $0xb8;
	[tilespmem:$0x19000] =	vst v63  }
0xba: {  	_ =	swait.ge [sflag:s10], $0x4000  }
0xbb: {  	[sflag:s10] =	ssyncset.done $0x0  }
0xbc: {  	s9 =	rddreg [dreg:$0x5];
	[sflag:s10] =	ssyncadd.s32 $0xFFFFC000  }
0xbd: {  	[tilespmem:s13], [sflag:$0x2] =	stream.indirect.gather [hbm4b:s4+s12], $0x80, s9, s12, $0xb8;
	[tilespmem:$0x19000] =	vst v63  }
0xbe: {  	_ =	swait.ge [sflag:s14], $0x4000  }
0xbf: {  	[sflag:s14] =	ssyncset.done $0x0  }
0xc0: {  	s9 =	rddreg [dreg:$0x6];
	[sflag:s14] =	ssyncadd.s32 $0xFFFFC000  }
0xc1: {  	[spmem:s2] =	stream.indirect.scatter.add.f32 [tilespmem:s13], [sflag:$0x3], $0x80, s9, s12, $0xb8;
	[tilespmem:$0x19000] =	vst v63  }
0xc2: {  	_ =	swait.ge [sflag:s10], $0x4000  }
0xc3: {  	[sflag:s10] =	ssyncset.done $0x0  }
0xc4: {  	s9 =	rddreg [dreg:$0x7];
	[sflag:s10] =	ssyncadd.s32 $0xFFFFC000  }
0xc5: {  	[tilespmem:s13], [sflag:$0x2] =	stream.indirect.gather [hbm4b:s4+s12], $0x80, s9, s12, $0xb8;
	[tilespmem:$0x19000] =	vst v63  }
0xc6: {  	_ =	swait.ge [sflag:s14], $0x4000  }
0xc7: {  	[sflag:s14] =	ssyncset.done $0x0  }
0xc8: {  	s9 =	rddreg [dreg:$0x8];
	[sflag:s14] =	ssyncadd.s32 $0xFFFFC000  }
0xc9: {  	[spmem:s2] =	stream.indirect.scatter.add.f32 [tilespmem:s13], [sflag:$0x3], $0x80, s9, s12, $0xb8;
	[tilespmem:$0x19000] =	vst v63  }
0xca: {  	_ =	swait.ge [sflag:s10], $0x4000  }
0xcb: {  	[sflag:s10] =	ssyncset.done $0x0  }
0xcc: {  	s9 =	rddreg [dreg:$0x9];
	[sflag:s10] =	ssyncadd.s32 $0xFFFFC000  }
0xcd: {  	[tilespmem:s13], [sflag:$0x2] =	stream.indirect.gather [hbm4b:s4+s12], $0x80, s9, s12, $0xb8;
	[tilespmem:$0x19000] =	vst v63  }
0xce: {  	_ =	swait.ge [sflag:s14], $0x4000  }
0xcf: {  	[sflag:s14] =	ssyncset.done $0x0  }
0xd0: {  	s9 =	rddreg [dreg:$0xa];
	[sflag:s14] =	ssyncadd.s32 $0xFFFFC000  }
0xd1: {  	[spmem:s2] =	stream.indirect.scatter.add.f32 [tilespmem:s13], [sflag:$0x3], $0x80, s9, s12, $0xb8;
	[tilespmem:$0x19000] =	vst v63  }
0xd2: {  	_ =	swait.ge [sflag:s10], $0x4000  }
0xd3: {  	[sflag:s10] =	ssyncset.done $0x0  }
0xd4: {  	s9 =	rddreg [dreg:$0xb];
	[sflag:s10] =	ssyncadd.s32 $0xFFFFC000  }
0xd5: {  	[tilespmem:s13], [sflag:$0x2] =	stream.indirect.gather [hbm4b:s4+s12], $0x80, s9, s12, $0xb8;
	[tilespmem:$0x19000] =	vst v63  }
0xd6: {  	_ =	swait.ge [sflag:s14], $0x4000  }
0xd7: {  	[sflag:s14] =	ssyncset.done $0x0  }
0xd8: {  	s9 =	rddreg [dreg:$0xc];
	[sflag:s14] =	ssyncadd.s32 $0xFFFFC000  }
0xd9: {  	[spmem:s2] =	stream.indirect.scatter.add.f32 [tilespmem:s13], [sflag:$0x3], $0x80, s9, s12, $0xb8;
	[tilespmem:$0x19000] =	vst v63  }
0xda: {  	_ =	swait.ge [sflag:s10], $0x4000  }
0xdb: {  	[sflag:s10] =	ssyncset.done $0x0  }
0xdc: {  	s9 =	rddreg [dreg:$0xd];
	[sflag:s10] =	ssyncadd.s32 $0xFFFFC000  }
0xdd: {  	[tilespmem:s13], [sflag:$0x2] =	stream.indirect.gather [hbm4b:s4+s12], $0x80, s9, s12, $0xb8;
	[tilespmem:$0x19000] =	vst v63  }
0xde: {  	_ =	swait.ge [sflag:s14], $0x4000  }
0xdf: {  	[sflag:s14] =	ssyncset.done $0x0  }
0xe0: {  	s9 =	rddreg [dreg:$0xe];
	[sflag:s14] =	ssyncadd.s32 $0xFFFFC000  }
0xe1: {  	[spmem:s2] =	stream.indirect.scatter.add.f32 [tilespmem:s13], [sflag:$0x3], $0x80, s9, s12, $0xb8;
	[tilespmem:$0x19000] =	vst v63  }
0xe2: {  	_ =	swait.ge [sflag:s10], $0x4000  }
0xe3: {  	[sflag:s10] =	ssyncset.done $0x0  }
0xe4: {  	s9 =	rddreg [dreg:$0xf];
	[sflag:s10] =	ssyncadd.s32 $0xFFFFC000  }
0xe5: {  	[tilespmem:s13], [sflag:$0x2] =	stream.indirect.gather [hbm4b:s4+s12], $0x80, s9, s12, $0xb8;
	[tilespmem:$0x19000] =	vst v63  }
0xe6: {  	_ =	swait.ge [sflag:s14], $0x4000  }
0xe7: {  	[sflag:s14] =	ssyncset.done $0x0  }
0xe8: {  	[sflag:s14] =	ssyncadd.s32 $0xFFFFC000  }
0xe9: {  	[spmem:s2] =	stream.indirect.scatter.add.f32 [tilespmem:s13], [sflag:$0x3], $0x80, s15, s12, $0xb8;
	[tilespmem:$0x19000] =	vst v63  }
0xea: {  	_ =	swait.ge [sflag:s10], $0x4000  }
0xeb: {  	[sflag:s10] =	ssyncset.done $0x0  }
0xec: {  	[sflag:s10] =	ssyncadd.s32 $0xFFFFC000  }
0xed: {  	[tilespmem:s13], [sflag:$0x2] =	stream.indirect.gather [hbm4b:s4+s12], $0x80, s16, s12, $0xb8;
	[tilespmem:$0x19000] =	vst v63  }
0xee: {  	_ =	swait.ge [sflag:s14], $0x4000  }
0xef: {  	[sflag:s14] =	ssyncset.done $0x0  }
0xf0: {  	[sflag:s14] =	ssyncadd.s32 $0xFFFFC000  }
0xf1: {  	[spmem:s2] =	stream.indirect.scatter.add.f32 [tilespmem:s13], [sflag:$0x3], $0x80, s17, s12, $0xb8;
	[tilespmem:$0x19000] =	vst v63  }
0xf2: {  	_ =	swait.ge [sflag:s10], $0x4000  }
0xf3: {  	s9 =	rddreg [dreg:$0x3];
	[sflag:s10] =	ssyncset.done $0x0  }
0xf4: {  	[sflag:s10] =	ssyncadd.s32 $0xFFFFC000;
	s6 =	sadd.s32 s6, s9  }
0xf5: {  	[tilespmem:s18], [sflag:$0x1] =	stream.linear.gather [hbm4b:s6+s3], $0x800, $0x38;
	[tilespmem:$0x19000] =	vst v63  }
0xf6: {  	_ =	swait.ge [sflag:s11], $0x800  }
0xf7: {  	[sflag:s11] =	ssyncset.done $0x0  }
0xf8: {  	[sflag:s11] =	ssyncadd.s32 $0xFFFFF800  }
0xf9: {  	[tilespmem:s13], [sflag:$0x2] =	stream.indirect.gather [hbm4b:s4+s12], $0x80, s18, s12, $0xb8;
	[tilespmem:$0x19000] =	vst v63  }
0xfa: {  	_ =	swait.ge [sflag:s14], $0x4000  }
0xfb: {  	[sflag:s14] =	ssyncset.done $0x0  }
0xfc: {  	[sflag:s14] =	ssyncadd.s32 $0xFFFFC000  }
0xfd: {  	[spmem:s2] =	stream.indirect.scatter.add.f32 [tilespmem:s13], [sflag:$0x3], $0x80, s19, s12, $0xb8;
	[tilespmem:$0x19000] =	vst v63  }
0xfe: {  	_ =	swait.ge [sflag:s10], $0x4000  }
0xff: {  	[sflag:s10] =	ssyncset.done $0x0  }
0x100: {  	[sflag:s10] =	ssyncadd.s32 $0xFFFFC000  }
0x101: {  	[tilespmem:s13], [sflag:$0x2] =	stream.indirect.gather [hbm4b:s4+s12], $0x80, s20, s12, $0xb8;
	[tilespmem:$0x19000] =	vst v63  }
0x102: {  	_ =	swait.ge [sflag:s14], $0x4000  }
0x103: {  	[sflag:s14] =	ssyncset.done $0x0  }
0x104: {  	[sflag:s14] =	ssyncadd.s32 $0xFFFFC000  }
0x105: {  	[spmem:s2] =	stream.indirect.scatter.add.f32 [tilespmem:s13], [sflag:$0x3], $0x80, s21, s12, $0xb8;
	[tilespmem:$0x19000] =	vst v63  }
0x106: {  	_ =	swait.ge [sflag:s10], $0x4000  }
0x107: {  	[sflag:s10] =	ssyncset.done $0x0  }
0x108: {  	[sflag:s10] =	ssyncadd.s32 $0xFFFFC000  }
0x109: {  	[tilespmem:s13], [sflag:$0x2] =	stream.indirect.gather [hbm4b:s4+s12], $0x80, s22, s12, $0xb8;
	[tilespmem:$0x19000] =	vst v63  }
0x10a: {  	_ =	swait.ge [sflag:s14], $0x4000  }
0x10b: {  	[sflag:s14] =	ssyncset.done $0x0  }
0x10c: {  	[sflag:s14] =	ssyncadd.s32 $0xFFFFC000  }
0x10d: {  	[spmem:s2] =	stream.indirect.scatter.add.f32 [tilespmem:s13], [sflag:$0x3], $0x80, s23, s12, $0xb8;
	[tilespmem:$0x19000] =	vst v63  }
0x10e: {  	_ =	swait.ge [sflag:s10], $0x4000  }
0x10f: {  	[sflag:s10] =	ssyncset.done $0x0  }
0x110: {  	[sflag:s10] =	ssyncadd.s32 $0xFFFFC000  }
0x111: {  	[tilespmem:s13], [sflag:$0x2] =	stream.indirect.gather [hbm4b:s4+s12], $0x80, s24, s12, $0xb8;
	[tilespmem:$0x19000] =	vst v63  }
0x112: {  	_ =	swait.ge [sflag:s14], $0x4000  }
0x113: {  	[sflag:s14] =	ssyncset.done $0x0  }
0x114: {  	[sflag:s14] =	ssyncadd.s32 $0xFFFFC000  }
0x115: {  	[spmem:s2] =	stream.indirect.scatter.add.f32 [tilespmem:s13], [sflag:$0x3], $0x80, s25, s12, $0xb8;
	[tilespmem:$0x19000] =	vst v63  }
0x116: {  	_ =	swait.ge [sflag:s10], $0x4000  }
0x117: {  	[sflag:s10] =	ssyncset.done $0x0  }
0x118: {  	[sflag:s10] =	ssyncadd.s32 $0xFFFFC000  }
0x119: {  	[tilespmem:s13], [sflag:$0x2] =	stream.indirect.gather [hbm4b:s4+s12], $0x80, s26, s12, $0xb8;
	[tilespmem:$0x19000] =	vst v63  }
0x11a: {  	_ =	swait.ge [sflag:s14], $0x4000  }
0x11b: {  	[sflag:s14] =	ssyncset.done $0x0  }
0x11c: {  	[sflag:s14] =	ssyncadd.s32 $0xFFFFC000  }
0x11d: {  	[spmem:s2] =	stream.indirect.scatter.add.f32 [tilespmem:s13], [sflag:$0x3], $0x80, s28, s12, $0xb8;
	[tilespmem:$0x19000] =	vst v63  }
0x11e: {  	_ =	swait.ge [sflag:s10], $0x4000  }
0x11f: {  	[sflag:s10] =	ssyncset.done $0x0  }
0x120: {  	[sflag:s10] =	ssyncadd.s32 $0xFFFFC000  }
0x121: {  	[tilespmem:s13], [sflag:$0x2] =	stream.indirect.gather [hbm4b:s4+s12], $0x80, s29, s12, $0xb8;
	[tilespmem:$0x19000] =	vst v63  }
0x122: {  	_ =	swait.ge [sflag:s14], $0x4000  }
0x123: {  	[sflag:s14] =	ssyncset.done $0x0  }
0x124: {  	[sflag:s14] =	ssyncadd.s32 $0xFFFFC000  }
0x125: {  	[spmem:s2] =	stream.indirect.scatter.add.f32 [tilespmem:s13], [sflag:$0x3], $0x80, s30, s12, $0xb8;
	[tilespmem:$0x19000] =	vst v63  }
0x126: {  	_ =	swait.ge [sflag:s10], $0x4000  }
0x127: {  	[sflag:s10] =	ssyncset.done $0x0  }
0x128: {  	[sflag:s10] =	ssyncadd.s32 $0xFFFFC000  }
0x129: {  	[tilespmem:s13], [sflag:$0x2] =	stream.indirect.gather [hbm4b:s4+s12], $0x80, s31, s12, $0xb8;
	[tilespmem:$0x19000] =	vst v63  }
0x12a: {  	_ =	swait.ge [sflag:s14], $0x4000  }
0x12b: {  	[sflag:s14] =	ssyncset.done $0x0  }
0x12c: {  	[sflag:s14] =	ssyncadd.s32 $0xFFFFC000  }
0x12d: {  	[spmem:s2] =	stream.indirect.scatter.add.f32 [tilespmem:s13], [sflag:$0x3], $0x80, s0, s12, $0xb8;
	[tilespmem:$0x19000] =	vst v63  }
0x12e: {  	_ =	swait.ge [sflag:s10], $0x4000  }
0x12f: {  	[sflag:s10] =	ssyncset.done $0x0  }
0x130: {  	p0 =	sne.s32 s8, $0x800;
	[sflag:s10] =	ssyncadd.s32 $0xFFFFC000  }
0x131: {  	[tilespmem:s13], [sflag:$0x2] =	stream.indirect.gather [hbm4b:s4+s12], $0x80, s1, s12, $0xb8;
	[tilespmem:$0x19000] =	vst v63  }
.Ltmp0:
0x132: {  	_ =	swait.ge [sflag:s14], $0x4000;
	(pc) =	sbr.rel @p0 .LBB2_2-.Ltmp0, $4  }
0x133: {  	[sflag:s14] =	ssyncset.done $0x0  }
0x134: {  	[sflag:s14] =	ssyncadd.s32 $0xFFFFC000  }
0x135: {  	[spmem:s2] =	stream.indirect.scatter.add.f32 [tilespmem:s13], [sflag:$0x3], $0x80, s5, s12, $0xb8;
	[tilespmem:$0x19000] =	vst v63  }
0x136: {  	s8 =	sadd.s32 $0x200, s8;
	_ =	swait.ge [sflag:s10], $0x4000  }
0x137: {  	[sflag:s10] =	ssyncset.done $0x0  }
0x138: {  	[sflag:s10] =	ssyncadd.s32 $0xFFFFC000  }
0x139: {  	[bflag:$0x0] =	sbarrier.arrive $0xFFFF  }
0x13a: {  	s8 =	rddreg [dreg:$0x11]  }
0x13b: {  	s6 =	rddreg [dreg:$0x12]  }
0x13c: {  	s9 =	rddreg [dreg:$0x14]  }
0x13d: {  	[hbm:s6], [sflag:s8] =	dma.local [spmem:s9], $0x2800  }
0x13e: {  	_ =	swait.ge [sflag:s10], $0x2800  }
0x13f: {  	s7 =	sadd.s32 $0x1, s7;
	s6 =	rddreg [dreg:$0x13]  }
0x140: {  	p0 =	sne.s32 s7, s6  }
.Ltmp1:
0x141: {  	_ = 	snop;
	(pc) =	sbr.rel @p0 .LBB2_1-.Ltmp1, $3  }
0x142: {  	_ =	sdelay $0x1  }
0x143: {  	[sflag:s10] =	ssyncset.done $0x0  }
0x144: {  	[sflag:s10] =	ssyncadd.s32 $0xFFFFD800  }
0x145: {  	_ =	sfence.sel $0x180000  }
0x146: {  	[bflag:$0x0] =	sbarrier.arrive $0xFFFF  }
0x147: {  	_ =	strace $0x9000004A  }
0x148: {  	s0 =	stileid.u32;
	[bflag:$0x2] =	sbarrier.arrive $0xFFFF  }
0x149: {  	p0 =	sne.s32 s0, $0x0;
	s0 =	rddreg [dreg:$0x2]  }
0x14a: {  	s0 =	sadd.s32 @!p0 $0x100000, s0  }
0x14b: {  	[sflag:s0] =	ssyncadd.tile.s32 @!p0 $0x1;
	_ =	shalt  }
.Lfunc_end2:
_tile_overlayer_lowered:
.L_overlay_start_2:
0x14c: {  	(tag) =	ssettag $0x2  }
0x14d: {  	s0 =	rddreg [dreg:$0x0];
	s2 =	stileid.u32  }
0x14e: {  	s1 =	rddreg [dreg:$0x1];
	p0 =	sne.s32 s2, $0x0  }
0x14f: {  	s3 =	rddreg [dreg:$0x2];
	[bflag:$0x3] =	sbarrier.arrive $0xFFFF;
	s2 =	simm.s32 @!p0 $0x1C03  }
0x150: {  	[timem:s3], [sflag:s2] =	dma.local @!p0 [hbm:s0], s1  }
0x151: {  	s0 =	simm.s32 @!p0 $0x3  }
0x152: {  	_ =	swait.ge @!p0 [sflag:s0], s1  }
0x153: {  	s1 =	ssub.s32 @!p0 $0x0, s1;
	[sflag:s0] =	ssyncset.done @!p0 $0x0  }
0x154: {  	[sflag:s0] =	ssyncadd.s32 @!p0 s1  }
0x155: {  	[bflag:$0x3] =	sbarrier.arrive $0xFFFF  }
0x156: {  	_ =	shalt  }

// kernel: kernel.14.cloned.1.call-start
scs
__scs_entry_jumppad:
0x0: {  	(pc) =	sbr.rel $0x88, $3  }
0x1: {  	(tag) =	ssettag $0x0;
	lr =	simm.s32 $0x1  }
0x2: {  	[smem:$0x3F99] =	sst lr;
	_ =	strace $0xD0000000  }
0x3: {  	_ = 	snop  }
0x4: {  	_ = 	snop  }
0x5: {  	_ = 	snop  }
0x6: {  	_ = 	snop  }
0x7: {  	_ = 	snop  }
__scs_overlays_trampoline_lowered:
0x8: {  	[smem:$0x3FA8] =	sst s0  }
0x9: {  	[smem:$0x3FA9] =	sst s1  }
0xa: {  	[smem:$0x3FAA] =	sst s2  }
0xb: {  	[smem:$0x3FAB] =	sst s3  }
0xc: {  	[smem:$0x3FAC] =	sst s4  }
0xd: {  	[smem:$0x3FAD] =	sst s5  }
0xe: {  	[smem:$0x3FAE] =	sst s6  }
0xf: {  	[smem:$0x3FAF] =	sst s7  }
0x10: {  	[smem:$0x3FB0] =	sst s8  }
0x11: {  	[smem:$0x3FB1] =	sst s9;
	s0 =	simm.s32 @!p0 $0x0  }
0x12: {  	s1 =	sld [smem:$0x3F97];
	s0 =	simm.s32 @p0 $0x1  }
0x13: {  	[smem:$0x3FB2] =	sst s0;
	s0 =	simm.s32 @!p1 $0x0  }
0x14: {  	s2 =	sld [smem:$0x3F96];
	s0 =	simm.s32 @p1 $0x1  }
0x15: {  	[smem:$0x3FB3] =	sst s0;
	s0 =	simm.s32 @!p2 $0x0  }
0x16: {  	s3 =	sld [smem:$0x3FDB];
	s0 =	simm.s32 @p2 $0x1  }
0x17: {  	s4 =	simm.s32 $0x1BF5;
	[smem:$0x3FB5] =	sst s0  }
0x18: {  	s0 =	sld [smem:$0x3F98];
	_ =	swait.ge [sflag:s4], $0x0  }
0x19: {  	s7 =	sld [smem:$0x3F99]  }
0x1a: {  	s8 =	sadd.s32 $0xFFFFE003, lr  }
0x1b: {  	s9 =	sadd.s32 $0xFFFFFEF7, lr;
	s5 =	simm.s32 $0xFFFFFFFF;
	p2 =	slt.u32 s8, $0xFFFFF086  }
0x1c: {  	p1 =	slt.u32 s9, $0xF7A;
	s5 =	simm.s32 @!p2 $0x0  }
0x1d: {  	s5 =	simm.s32 @p1 $0x1;
	p0 =	seq.s32 s7, s2  }
0x1e: {  	s7 =	smul.u32 @!p0 $0xF7A, s2;
	p2 =	seq.s32 @!p0 s5, $0x0  }
0x1f: {  	s9 =	smul.u32 $0xF7A, s1;
	s8 =	simm.s32 @!p0 $0x1BF5;
	p2 =	por !p2, p0  }
0x20: {  	[sflag:s8] =	ssyncset.s32 @!p0 $0xFFFFF086;
	s6 =	sadd.s32 @!p0 s3, s7;
	s7 =	simm.s32 @!p0 $0x108  }
0x21: {  	s3 =	sadd.s32 s3, s9;
	s6 =	sadd.s32 @!p0 $0x88, s6;
	s7 =	simm.s32 @p2 $0x1082  }
0x22: {  	[simem:s7], [sflag:s8] =	dma.local @!p0 [hbm:s6], $0xF7A  }
0x23: {  	s9 =	sor.u32 $0xD0000000, s2;
	s6 =	simm.s32 $0x108;
	_ =	swait.ge @!p0 [sflag:s8], $0x0  }
0x24: {  	s3 =	sadd.s32 $0x88, s3;
	s6 =	simm.s32 @!p1 $0x1082;
	[sflag:s4] =	ssyncset.s32 $0xFFFFF086  }
0x25: {  	[simem:s6], [sflag:s4] =	dma.local [hbm:s3], $0xF7A  }
0x26: {  	[smem:$0x3F99] =	sst s1;
	(tag) =	ssettag s2;
	_ =	strace s9  }
0x27: {  	s1 =	sld [smem:$0x3FA9]  }
0x28: {  	s2 =	sld [smem:$0x3FAA]  }
0x29: {  	s4 =	sld [smem:$0x3FAC]  }
0x2a: {  	p0 =	seq.s32 s5, $0x0;
	s5 =	sld [smem:$0x3FAD]  }
0x2b: {  	s6 =	sld [smem:$0x3FAE]  }
0x2c: {  	s7 =	sld [smem:$0x3FAF]  }
0x2d: {  	s3 =	simm.s32 $0x108;
	s8 =	sld [smem:$0x3FB0]  }
0x2e: {  	s3 =	simm.s32 @!p0 $0x1082;
	s9 =	sld [smem:$0x3FB1]  }
0x2f: {  	lr =	sadd.s32 s0, s3;
	s0 =	sld [smem:$0x3FA8]  }
0x30: {  	s3 =	sld [smem:$0x3FAB]  }
0x31: {  	[smem:$0x3FB4] =	sst s10  }
0x32: {  	s10 =	sld [smem:$0x3FB2];
	_ =	sdelay $0x3  }
0x33: {  	p0 =	seq.s32 s10, $0x1;
	s10 =	sld [smem:$0x3FB4];
	_ =	sdelay $0x3  }
0x34: {  	[smem:$0x3FB4] =	sst s10  }
0x35: {  	s10 =	sld [smem:$0x3FB3];
	_ =	sdelay $0x3  }
0x36: {  	p1 =	seq.s32 s10, $0x1;
	s10 =	sld [smem:$0x3FB4];
	_ =	sdelay $0x3  }
0x37: {  	[smem:$0x3FB4] =	sst s10  }
0x38: {  	s10 =	sld [smem:$0x3FB5]  }
0x39: {  	_ = 	snop;
	(pc) =	sbr.ind lr, $3  }
0x3a: {  	_ = 	snop  }
0x3b: {  	_ = 	snop  }
0x3c: {  	p2 =	seq.s32 s10, $0x1;
	s10 =	sld [smem:$0x3FB4]  }
0x3d: {  	_ =	shalt  }
0x3e: {  	_ =	shalt  }
0x3f: {  	_ =	shalt  }
0x40: {  	_ =	shalt  }
0x41: {  	_ =	shalt  }
0x42: {  	_ =	shalt  }
0x43: {  	_ =	shalt  }
0x44: {  	_ =	shalt  }
0x45: {  	_ =	shalt  }
0x46: {  	_ =	shalt  }
0x47: {  	_ =	shalt  }
0x48: {  	_ =	shalt  }
0x49: {  	_ =	shalt  }
0x4a: {  	_ =	shalt  }
0x4b: {  	_ =	shalt  }
0x4c: {  	_ =	shalt  }
0x4d: {  	_ =	shalt  }
0x4e: {  	_ =	shalt  }
0x4f: {  	_ =	shalt  }
0x50: {  	_ =	shalt  }
0x51: {  	_ =	shalt  }
0x52: {  	_ =	shalt  }
0x53: {  	_ =	shalt  }
0x54: {  	_ =	shalt  }
0x55: {  	_ =	shalt  }
0x56: {  	_ =	shalt  }
0x57: {  	_ =	shalt  }
0x58: {  	_ =	shalt  }
0x59: {  	_ =	shalt  }
0x5a: {  	_ =	shalt  }
0x5b: {  	_ =	shalt  }
0x5c: {  	_ =	shalt  }
0x5d: {  	_ =	shalt  }
0x5e: {  	_ =	shalt  }
0x5f: {  	_ =	shalt  }
0x60: {  	_ =	shalt  }
0x61: {  	_ =	shalt  }
0x62: {  	_ =	shalt  }
0x63: {  	_ =	shalt  }
0x64: {  	_ =	shalt  }
0x65: {  	_ =	shalt  }
0x66: {  	_ =	shalt  }
0x67: {  	_ =	shalt  }
0x68: {  	_ =	shalt  }
0x69: {  	_ =	shalt  }
0x6a: {  	_ =	shalt  }
0x6b: {  	_ =	shalt  }
0x6c: {  	_ =	shalt  }
0x6d: {  	_ =	shalt  }
0x6e: {  	_ =	shalt  }
0x6f: {  	_ =	shalt  }
0x70: {  	_ =	shalt  }
0x71: {  	_ =	shalt  }
0x72: {  	_ =	shalt  }
0x73: {  	_ =	shalt  }
0x74: {  	_ =	shalt  }
0x75: {  	_ =	shalt  }
0x76: {  	_ =	shalt  }
0x77: {  	_ =	shalt  }
0x78: {  	_ =	shalt  }
0x79: {  	_ =	shalt  }
0x7a: {  	_ =	shalt  }
0x7b: {  	_ =	shalt  }
0x7c: {  	_ =	shalt  }
0x7d: {  	_ =	shalt  }
0x7e: {  	_ =	shalt  }
0x7f: {  	_ =	shalt  }
0x80: {  	_ =	shalt  }
0x81: {  	_ =	shalt  }
0x82: {  	_ =	shalt  }
0x83: {  	_ =	shalt  }
0x84: {  	_ =	shalt  }
0x85: {  	_ =	shalt  }
0x86: {  	_ =	shalt  }
0x87: {  	_ =	shalt  }
.Lfunc_end0:
.L_simem_size_0:
called_computation.2_lowered:
.L_overlay_start_0:
0x88: {  	s2 =	sld [smem:$0x3FD9]  }
0x89: {  	s3 =	sld [smem:$0x3FFE];
	_ =	sdelay $0x1  }
0x8a: {  	s1 =	srdreg.scid  }
0x8b: {  	s0 =	sand.u32 $0x1, s1  }
0x8c: {  	s16 =	sshll.u32 s0, $0xA;
	s2 =	sadd.s32 s3, s2  }
0x8d: {  	s2 =	sadd.s32 s2, s16  }
0x8e: {  	[smem:$0x3FC0] =	sst s2  }
0x8f: {  	_ = 	snop  }
0x90: {  	(tm) =	ssettm $0x1  }
0x91: {  	s17 =	sld [smem:$0x3FFB];
	_ =	sdelay $0x3  }
0x92: {  	_ =	strace s17  }
0x93: {  	s2 =	sld [smem:$0x3FFC];
	_ =	sdelay $0x3  }
0x94: {  	_ =	strace s2  }
0x95: {  	s2 =	sld [smem:$0x3FFD];
	_ =	sdelay $0x3  }
0x96: {  	_ =	strace s2  }
0x97: {  	_ =	strace $0x8FFFFFFF  }
0x98: {  	s18 =	sld [smem:$0x3FDB];
	_ =	sdelay $0x1  }
0x99: {  	s19 =	simm.s32 $_scs_section_size  }
0x9a: {  	s4 =	simm.s32 $_size__tile_overlayer_lowered;
	s5 =	simm.s32 $_tile_overlayer_lowered  }
0x9b: {  	s22 =	simm.s32 $0x1BFF;
	s21 =	sshll.u32 s5, $0x1;
	s2 =	sadd.s32 s19, s18  }
0x9c: {  	s6 =	simm.s32 $0x0;
	s20 =	sshll.u32 s4, $0x1;
	s4 =	sadd.s32 s21, s2  }
0x9d: {  	[timem:s6], [sflag:s22] =	dma.local [hbm:s4], s20  }
0x9e: {  	_ =	swait.ge [sflag:s22], s20  }
0x9f: {  	s3 =	ssub.s32 $0x0, s20;
	[sflag:s22] =	ssyncset.done $0x0  }
0xa0: {  	[sflag:s22] =	ssyncadd.s32 s3;
	_ =	sdelay $0x1  }
0xa1: {  	s23 =	simm.s32 $0x1B8B  }
0xa2: {  	_ =	swait.ge [sflag:s23], $0x1  }
0xa3: {  	[sflag:s23] =	ssyncset.done $0x0  }
0xa4: {  	s25 =	simm.s32 $0x1B8E;
	s24 =	sld [smem:$0x3FFE];
	[sflag:s23] =	ssyncadd.s32 $0xFFFFFFFF  }
0xa5: {  	s26 =	simm.s32 $execute0_lowered;
	[smem:$0x3FD2] =	sst s25  }
0xa6: {  	s4 =	sshll.u32 s26, $0x1;
	_ =	strace $0x8000004C;
	[dreg:$0x1] =	wrdreg $0xFFFFFFFF  }
0xa7: {  	s28 =	simm.s32 $_size_execute0_lowered;
	s2 =	sadd.s32 s2, s4;
	[dreg:$0x0] =	wrdreg $0x0  }
0xa8: {  	s4 =	sshll.u32 s28, $0x1;
	[dreg:$0x2] =	wrdreg s2  }
0xa9: {  	[dreg:$0x3] =	wrdreg s4  }
0xaa: {  	[dreg:$0x4] =	wrdreg $0xC0  }
0xab: {  	_ =	task [dreg:s6], $0x5FFFF  }
0xac: {  	[dreg:$0x1] =	wrdreg $0xFFFFFFFF  }
0xad: {  	[dreg:$0x0] =	wrdreg $0x60  }
0xae: {  	[dreg:$0x2] =	wrdreg s24  }
0xaf: {  	[dreg:$0x3] =	wrdreg $0x50000  }
0xb0: {  	[dreg:$0x4] =	wrdreg $0x9  }
0xb1: {  	_ =	task.clear_ibuf [dreg:s6], $0x5FFFF;
	_ =	strace $0x9000004C  }
0xb2: {  	s29 =	simm.s32 $0x9;
	_ =	strace $0x8000004E  }
0xb3: {  	_ =	swait.ge [sflag:s29], $0x1  }
0xb4: {  	[sflag:s29] =	ssyncadd.s32 $0xFFFFFFFF  }
0xb5: {  	_ =	strace $0x9000004E  }
0xb6: {  	_ =	sfence  }
0xb7: {  	s30 =	sld [smem:$0x0];
	_ =	sdelay $0x2  }
0xb8: {  	s31 =	sshll.u32 s1, $0xD;
	s1 =	sshrl.u32 s1, $0x2  }
0xb9: {  	s3 =	sand.u32 $0x4000, s31;
	s1 =	sadd.s32 s1, s30  }
0xba: {  	s0 =	sor.u32 s3, s0;
	s1 =	sshll.u32 s1, $0x11  }
0xbb: {  	s0 =	sor.u32 s1, s0  }
0xbc: {  	s0 =	sadd.s32 $0x8F2B, s0  }
0xbd: {  	[sflag:s0] =	ssyncadd.remote.s32 $0x1  }
0xbe: {  	_ =	sfence.sel $0xFFFF  }
0xbf: {  	[dreg:$0x0] =	wrdreg $0xFFFFFFFF;
	(pc) =	sbr.abs _section_cstart, $3  }
0xc0: {  	[dreg:$0x1] =	wrdreg $0xFFFFFFFF  }
0xc1: {  	_ =	task.clear_ibuf [dreg:s6], $0x2FFFF;
	_ =	strace $0x9FFFFFFF  }
0xc2: {  	(tm) =	ssettm $0x7FFFFFFF  }
0xc3: {  	_ =	shalt  }
tec
execute0_lowered:
.L_overlay_start_1:
0x0: {  	(tag) =	ssettag $0x1  }
0x1: {  	s0 =	rddreg [dreg:$0x0]  }
0x2: {  	s2 =	rddreg [dreg:$0x1];
	s11 =	stileid.u32  }
0x3: {  	s1 =	srdreg.scid;
	s3 =	simm.s32 $0x0;
	s14 =	simm.s32 $0x100  }
0x4: {  	s16 =	simm.s32 $0x180;
	s17 =	simm.s32 $0x200;
	s18 =	simm.s32 $0x280  }
0x5: {  	s20 =	simm.s32 $0x300;
	s21 =	simm.s32 $0x380;
	s22 =	simm.s32 $0x400  }
0x6: {  	s23 =	simm.s32 $0x480;
	s24 =	simm.s32 $0x500;
	[smem:$0x7FF] =	sst s3  }
0x7: {  	s28 =	simm.s32 $0xC80;
	_ =	strace $0x8000004D;
	[dreg:$0x5] =	wrdreg s14  }
0x8: {  	s29 =	simm.s32 $0xD00;
	s30 =	simm.s32 $0xD80;
	[dreg:$0x6] =	wrdreg s16  }
0x9: {  	s31 =	simm.s32 $0xE00;
	s5 =	smul.u32 $0x14000, s11;
	[dreg:$0x7] =	wrdreg s17  }
0xa: {  	s1 =	sand.u32 $0x1, s1;
	s8 =	smul.u32 $0xA, s11;
	[dreg:$0x8] =	wrdreg s18  }
0xb: {  	s4 =	sadd.s32 $0x2000, s0;
	s10 =	smul.u32 $0x50000, s11;
	[dreg:$0x9] =	wrdreg s20  }
0xc: {  	s9 =	sadd.s32 $0x7A000, s0;
	s12 =	smul.u32 $0xA00, s11;
	[dreg:$0xa] =	wrdreg s21  }
0xd: {  	s15 =	sshll.u32 s11, $0x6;
	s6 =	smul.u32 $0x140000, s1;
	[dreg:$0xb] =	wrdreg s22  }
0xe: {  	s11 =	simm.s32 $0x1;
	s7 =	smul.u32 $0xA0, s1;
	[dreg:$0xc] =	wrdreg s23  }
0xf: {  	s25 =	ssub.s32 $0x2, s1;
	s1 =	smul.u32 $0xA000, s1;
	[dreg:$0xd] =	wrdreg s24  }
0x10: {  	s14 =	simm.s32 $0x2;
	s16 =	simm.s32 $0x700;
	s17 =	simm.s32 $0x780  }
0x11: {  	s18 =	simm.s32 $0x800;
	s20 =	simm.s32 $0x900;
	s21 =	simm.s32 $0x980  }
0x12: {  	s22 =	simm.s32 $0xA00;
	s23 =	simm.s32 $0xA80;
	s24 =	simm.s32 $0xB00  }
0x13: {  	s26 =	sshrl.u32 s25, $0x1;
	s10 =	sshrl.u32 s10, $0x2;
	s6 =	sadd.s32 s5, s6  }
0x14: {  	s5 =	sshrl.u32 s5, $0x3;
	s7 =	sadd.s32 s8, s7;
	s1 =	sadd.s32 s1, s9  }
0x15: {  	s13 =	sadd.s32 s10, s2;
	s8 =	sor.u32 $0x1C03, s15;
	s10 =	simm.s32 $0x3  }
0x16: {  	s15 =	simm.s32 $0x680;
	s6 =	sshrl.u32 s6, $0x3;
	s5 =	sadd.s32 s5, s0  }
0x17: {  	s7 =	sshll.u32 s7, $0x8;
	s1 =	sadd.s32 s12, s1;
	[dreg:$0x11] =	wrdreg s8  }
0x18: {  	s0 =	sadd.s32 s6, s0;
	s5 =	sadd.s32 $0x2A000, s5;
	[dreg:$0x4] =	wrdreg s1  }
0x19: {  	s6 =	ssub.s32 s25, s26;
	s25 =	simm.s32 $0x580;
	[dreg:$0x10] =	wrdreg s5  }
0x1a: {  	s12 =	simm.s32 $0x80;
	s26 =	simm.s32 $0x600;
	[dreg:$0xe] =	wrdreg s25  }
0x1b: {  	s7 =	sadd.s32 s7, s9;
	s9 =	sshrl.u32 s13, $0x3;
	[dreg:$0xf] =	wrdreg s26  }
0x1c: {  	s13 =	simm.s32 $0x1000;
	s7 =	sadd.s32 $0x100, s7;
	[dreg:$0x14] =	wrdreg s9  }
0x1d: {  	s1 =	simm.s32 $0xF00;
	s0 =	sadd.s32 $0x8E000, s0;
	[dreg:$0x3] =	wrdreg s7  }
0x1e: {  	s19 =	smax.u32 s6, $0x1;
	s25 =	simm.s32 $0xB80;
	[dreg:$0x12] =	wrdreg s0  }
0x1f: {  	s26 =	simm.s32 $0xC00;
	s5 =	simm.s32 $0xF80;
	[dreg:$0x13] =	wrdreg s19  }
0x20: {  	s19 =	simm.s32 $0x880;
	s0 =	simm.s32 $0xE80;
	s7 =	simm.s32 $0x0  }
.LBB2_1:
0x21: {  	s6 =	rddreg [dreg:$0x10]  }
0x22: {  	[spmem:s9], [sflag:s8] =	dma.local [hbm:s6], $0x2800  }
0x23: {  	_ =	swait.ge [sflag:s10], $0x2800  }
0x24: {  	[sflag:s10] =	ssyncset.done $0x0  }
0x25: {  	[sflag:s10] =	ssyncadd.s32 $0xFFFFD800  }
0x26: {  	[bflag:$0x0] =	sbarrier.arrive $0xFFFF  }
0x27: {  	s9 =	rddreg [dreg:$0x4]  }
0x28: {  	s6 =	sadd.s32 $0x0, s9  }
0x29: {  	[tilespmem:s3], [sflag:$0x1] =	stream.linear.gather [hbm4b:s6+s3], $0x800, $0x38;
	[tilespmem:$0x19000] =	vst v63  }
0x2a: {  	_ =	swait.ge [sflag:s11], $0x800  }
0x2b: {  	[sflag:s11] =	ssyncset.done $0x0  }
0x2c: {  	[sflag:s11] =	ssyncadd.s32 $0xFFFFF800  }
0x2d: {  	[tilespmem:s13], [sflag:$0x2] =	stream.indirect.gather [hbm4b:s4+s12], $0x80, s3, s12, $0xb8;
	[tilespmem:$0x19000] =	vst v63  }
0x2e: {  	_ =	swait.ge [sflag:s14], $0x4000  }
0x2f: {  	[sflag:s14] =	ssyncset.done $0x0  }
0x30: {  	[sflag:s14] =	ssyncadd.s32 $0xFFFFC000  }
0x31: {  	[spmem:s2] =	stream.indirect.scatter.add.f32 [tilespmem:s13], [sflag:$0x3], $0x80, s12, s12, $0xb8;
	[tilespmem:$0x19000] =	vst v63  }
0x32: {  	_ =	swait.ge [sflag:s10], $0x4000  }
0x33: {  	[sflag:s10] =	ssyncset.done $0x0  }
0x34: {  	s8 =	rddreg [dreg:$0x5];
	[sflag:s10] =	ssyncadd.s32 $0xFFFFC000  }
0x35: {  	[tilespmem:s13], [sflag:$0x2] =	stream.indirect.gather [hbm4b:s4+s12], $0x80, s8, s12, $0xb8;
	[tilespmem:$0x19000] =	vst v63  }
0x36: {  	_ =	swait.ge [sflag:s14], $0x4000  }
0x37: {  	[sflag:s14] =	ssyncset.done $0x0  }
0x38: {  	s9 =	rddreg [dreg:$0x6];
	[sflag:s14] =	ssyncadd.s32 $0xFFFFC000  }
0x39: {  	[spmem:s2] =	stream.indirect.scatter.add.f32 [tilespmem:s13], [sflag:$0x3], $0x80, s9, s12, $0xb8;
	[tilespmem:$0x19000] =	vst v63  }
0x3a: {  	_ =	swait.ge [sflag:s10], $0x4000  }
0x3b: {  	[sflag:s10] =	ssyncset.done $0x0  }
0x3c: {  	s8 =	rddreg [dreg:$0x7];
	[sflag:s10] =	ssyncadd.s32 $0xFFFFC000  }
0x3d: {  	[tilespmem:s13], [sflag:$0x2] =	stream.indirect.gather [hbm4b:s4+s12], $0x80, s8, s12, $0xb8;
	[tilespmem:$0x19000] =	vst v63  }
0x3e: {  	_ =	swait.ge [sflag:s14], $0x4000  }
0x3f: {  	[sflag:s14] =	ssyncset.done $0x0  }
0x40: {  	s9 =	rddreg [dreg:$0x8];
	[sflag:s14] =	ssyncadd.s32 $0xFFFFC000  }
0x41: {  	[spmem:s2] =	stream.indirect.scatter.add.f32 [tilespmem:s13], [sflag:$0x3], $0x80, s9, s12, $0xb8;
	[tilespmem:$0x19000] =	vst v63  }
0x42: {  	_ =	swait.ge [sflag:s10], $0x4000  }
0x43: {  	[sflag:s10] =	ssyncset.done $0x0  }
0x44: {  	s8 =	rddreg [dreg:$0x9];
	[sflag:s10] =	ssyncadd.s32 $0xFFFFC000  }
0x45: {  	[tilespmem:s13], [sflag:$0x2] =	stream.indirect.gather [hbm4b:s4+s12], $0x80, s8, s12, $0xb8;
	[tilespmem:$0x19000] =	vst v63  }
0x46: {  	_ =	swait.ge [sflag:s14], $0x4000  }
0x47: {  	[sflag:s14] =	ssyncset.done $0x0  }
0x48: {  	s9 =	rddreg [dreg:$0xa];
	[sflag:s14] =	ssyncadd.s32 $0xFFFFC000  }
0x49: {  	[spmem:s2] =	stream.indirect.scatter.add.f32 [tilespmem:s13], [sflag:$0x3], $0x80, s9, s12, $0xb8;
	[tilespmem:$0x19000] =	vst v63  }
0x4a: {  	_ =	swait.ge [sflag:s10], $0x4000  }
0x4b: {  	[sflag:s10] =	ssyncset.done $0x0  }
0x4c: {  	s8 =	rddreg [dreg:$0xb];
	[sflag:s10] =	ssyncadd.s32 $0xFFFFC000  }
0x4d: {  	[tilespmem:s13], [sflag:$0x2] =	stream.indirect.gather [hbm4b:s4+s12], $0x80, s8, s12, $0xb8;
	[tilespmem:$0x19000] =	vst v63  }
0x4e: {  	_ =	swait.ge [sflag:s14], $0x4000  }
0x4f: {  	[sflag:s14] =	ssyncset.done $0x0  }
0x50: {  	s9 =	rddreg [dreg:$0xc];
	[sflag:s14] =	ssyncadd.s32 $0xFFFFC000  }
0x51: {  	[spmem:s2] =	stream.indirect.scatter.add.f32 [tilespmem:s13], [sflag:$0x3], $0x80, s9, s12, $0xb8;
	[tilespmem:$0x19000] =	vst v63  }
0x52: {  	_ =	swait.ge [sflag:s10], $0x4000  }
0x53: {  	[sflag:s10] =	ssyncset.done $0x0  }
0x54: {  	s8 =	rddreg [dreg:$0xd];
	[sflag:s10] =	ssyncadd.s32 $0xFFFFC000  }
0x55: {  	[tilespmem:s13], [sflag:$0x2] =	stream.indirect.gather [hbm4b:s4+s12], $0x80, s8, s12, $0xb8;
	[tilespmem:$0x19000] =	vst v63  }
0x56: {  	_ =	swait.ge [sflag:s14], $0x4000  }
0x57: {  	[sflag:s14] =	ssyncset.done $0x0  }
0x58: {  	s9 =	rddreg [dreg:$0xe];
	[sflag:s14] =	ssyncadd.s32 $0xFFFFC000  }
0x59: {  	[spmem:s2] =	stream.indirect.scatter.add.f32 [tilespmem:s13], [sflag:$0x3], $0x80, s9, s12, $0xb8;
	[tilespmem:$0x19000] =	vst v63  }
0x5a: {  	_ =	swait.ge [sflag:s10], $0x4000  }
0x5b: {  	[sflag:s10] =	ssyncset.done $0x0  }
0x5c: {  	s8 =	rddreg [dreg:$0xf];
	[sflag:s10] =	ssyncadd.s32 $0xFFFFC000  }
0x5d: {  	[tilespmem:s13], [sflag:$0x2] =	stream.indirect.gather [hbm4b:s4+s12], $0x80, s8, s12, $0xb8;
	[tilespmem:$0x19000] =	vst v63  }
0x5e: {  	_ =	swait.ge [sflag:s14], $0x4000  }
0x5f: {  	[sflag:s14] =	ssyncset.done $0x0  }
0x60: {  	[sflag:s14] =	ssyncadd.s32 $0xFFFFC000  }
0x61: {  	[spmem:s2] =	stream.indirect.scatter.add.f32 [tilespmem:s13], [sflag:$0x3], $0x80, s15, s12, $0xb8;
	[tilespmem:$0x19000] =	vst v63  }
0x62: {  	_ =	swait.ge [sflag:s10], $0x4000  }
0x63: {  	[sflag:s10] =	ssyncset.done $0x0  }
0x64: {  	[sflag:s10] =	ssyncadd.s32 $0xFFFFC000  }
0x65: {  	[tilespmem:s13], [sflag:$0x2] =	stream.indirect.gather [hbm4b:s4+s12], $0x80, s16, s12, $0xb8;
	[tilespmem:$0x19000] =	vst v63  }
0x66: {  	_ =	swait.ge [sflag:s14], $0x4000  }
0x67: {  	[sflag:s14] =	ssyncset.done $0x0  }
0x68: {  	[sflag:s14] =	ssyncadd.s32 $0xFFFFC000  }
0x69: {  	[spmem:s2] =	stream.indirect.scatter.add.f32 [tilespmem:s13], [sflag:$0x3], $0x80, s17, s12, $0xb8;
	[tilespmem:$0x19000] =	vst v63  }
0x6a: {  	_ =	swait.ge [sflag:s10], $0x4000  }
0x6b: {  	s9 =	rddreg [dreg:$0x3];
	[sflag:s10] =	ssyncset.done $0x0  }
0x6c: {  	[sflag:s10] =	ssyncadd.s32 $0xFFFFC000;
	s6 =	sadd.s32 $0x0, s9  }
0x6d: {  	[tilespmem:s18], [sflag:$0x1] =	stream.linear.gather [hbm4b:s6+s3], $0x800, $0x38;
	[tilespmem:$0x19000] =	vst v63  }
0x6e: {  	_ =	swait.ge [sflag:s11], $0x800  }
0x6f: {  	[sflag:s11] =	ssyncset.done $0x0  }
0x70: {  	[sflag:s11] =	ssyncadd.s32 $0xFFFFF800  }
0x71: {  	[tilespmem:s13], [sflag:$0x2] =	stream.indirect.gather [hbm4b:s4+s12], $0x80, s18, s12, $0xb8;
	[tilespmem:$0x19000] =	vst v63  }
0x72: {  	_ =	swait.ge [sflag:s14], $0x4000  }
0x73: {  	[sflag:s14] =	ssyncset.done $0x0  }
0x74: {  	[sflag:s14] =	ssyncadd.s32 $0xFFFFC000  }
0x75: {  	[spmem:s2] =	stream.indirect.scatter.add.f32 [tilespmem:s13], [sflag:$0x3], $0x80, s19, s12, $0xb8;
	[tilespmem:$0x19000] =	vst v63  }
0x76: {  	_ =	swait.ge [sflag:s10], $0x4000  }
0x77: {  	[sflag:s10] =	ssyncset.done $0x0  }
0x78: {  	[sflag:s10] =	ssyncadd.s32 $0xFFFFC000  }
0x79: {  	[tilespmem:s13], [sflag:$0x2] =	stream.indirect.gather [hbm4b:s4+s12], $0x80, s20, s12, $0xb8;
	[tilespmem:$0x19000] =	vst v63  }
0x7a: {  	_ =	swait.ge [sflag:s14], $0x4000  }
0x7b: {  	[sflag:s14] =	ssyncset.done $0x0  }
0x7c: {  	[sflag:s14] =	ssyncadd.s32 $0xFFFFC000  }
0x7d: {  	[spmem:s2] =	stream.indirect.scatter.add.f32 [tilespmem:s13], [sflag:$0x3], $0x80, s21, s12, $0xb8;
	[tilespmem:$0x19000] =	vst v63  }
0x7e: {  	_ =	swait.ge [sflag:s10], $0x4000  }
0x7f: {  	[sflag:s10] =	ssyncset.done $0x0  }
0x80: {  	[sflag:s10] =	ssyncadd.s32 $0xFFFFC000  }
0x81: {  	[tilespmem:s13], [sflag:$0x2] =	stream.indirect.gather [hbm4b:s4+s12], $0x80, s22, s12, $0xb8;
	[tilespmem:$0x19000] =	vst v63  }
0x82: {  	_ =	swait.ge [sflag:s14], $0x4000  }
0x83: {  	[sflag:s14] =	ssyncset.done $0x0  }
0x84: {  	[sflag:s14] =	ssyncadd.s32 $0xFFFFC000  }
0x85: {  	[spmem:s2] =	stream.indirect.scatter.add.f32 [tilespmem:s13], [sflag:$0x3], $0x80, s23, s12, $0xb8;
	[tilespmem:$0x19000] =	vst v63  }
0x86: {  	_ =	swait.ge [sflag:s10], $0x4000  }
0x87: {  	[sflag:s10] =	ssyncset.done $0x0  }
0x88: {  	[sflag:s10] =	ssyncadd.s32 $0xFFFFC000  }
0x89: {  	[tilespmem:s13], [sflag:$0x2] =	stream.indirect.gather [hbm4b:s4+s12], $0x80, s24, s12, $0xb8;
	[tilespmem:$0x19000] =	vst v63  }
0x8a: {  	_ =	swait.ge [sflag:s14], $0x4000  }
0x8b: {  	[sflag:s14] =	ssyncset.done $0x0  }
0x8c: {  	[sflag:s14] =	ssyncadd.s32 $0xFFFFC000  }
0x8d: {  	[spmem:s2] =	stream.indirect.scatter.add.f32 [tilespmem:s13], [sflag:$0x3], $0x80, s25, s12, $0xb8;
	[tilespmem:$0x19000] =	vst v63  }
0x8e: {  	_ =	swait.ge [sflag:s10], $0x4000  }
0x8f: {  	[sflag:s10] =	ssyncset.done $0x0  }
0x90: {  	[sflag:s10] =	ssyncadd.s32 $0xFFFFC000  }
0x91: {  	[tilespmem:s13], [sflag:$0x2] =	stream.indirect.gather [hbm4b:s4+s12], $0x80, s26, s12, $0xb8;
	[tilespmem:$0x19000] =	vst v63  }
0x92: {  	_ =	swait.ge [sflag:s14], $0x4000  }
0x93: {  	[sflag:s14] =	ssyncset.done $0x0  }
0x94: {  	[sflag:s14] =	ssyncadd.s32 $0xFFFFC000  }
0x95: {  	[spmem:s2] =	stream.indirect.scatter.add.f32 [tilespmem:s13], [sflag:$0x3], $0x80, s28, s12, $0xb8;
	[tilespmem:$0x19000] =	vst v63  }
0x96: {  	_ =	swait.ge [sflag:s10], $0x4000  }
0x97: {  	[sflag:s10] =	ssyncset.done $0x0  }
0x98: {  	[sflag:s10] =	ssyncadd.s32 $0xFFFFC000  }
0x99: {  	[tilespmem:s13], [sflag:$0x2] =	stream.indirect.gather [hbm4b:s4+s12], $0x80, s29, s12, $0xb8;
	[tilespmem:$0x19000] =	vst v63  }
0x9a: {  	_ =	swait.ge [sflag:s14], $0x4000  }
0x9b: {  	[sflag:s14] =	ssyncset.done $0x0  }
0x9c: {  	[sflag:s14] =	ssyncadd.s32 $0xFFFFC000  }
0x9d: {  	[spmem:s2] =	stream.indirect.scatter.add.f32 [tilespmem:s13], [sflag:$0x3], $0x80, s30, s12, $0xb8;
	[tilespmem:$0x19000] =	vst v63  }
0x9e: {  	_ =	swait.ge [sflag:s10], $0x4000  }
0x9f: {  	[sflag:s10] =	ssyncset.done $0x0  }
0xa0: {  	[sflag:s10] =	ssyncadd.s32 $0xFFFFC000  }
0xa1: {  	[tilespmem:s13], [sflag:$0x2] =	stream.indirect.gather [hbm4b:s4+s12], $0x80, s31, s12, $0xb8;
	[tilespmem:$0x19000] =	vst v63  }
0xa2: {  	_ =	swait.ge [sflag:s14], $0x4000  }
0xa3: {  	[sflag:s14] =	ssyncset.done $0x0  }
0xa4: {  	[sflag:s14] =	ssyncadd.s32 $0xFFFFC000  }
0xa5: {  	[spmem:s2] =	stream.indirect.scatter.add.f32 [tilespmem:s13], [sflag:$0x3], $0x80, s0, s12, $0xb8;
	[tilespmem:$0x19000] =	vst v63  }
0xa6: {  	_ =	swait.ge [sflag:s10], $0x4000  }
0xa7: {  	[sflag:s10] =	ssyncset.done $0x0  }
0xa8: {  	[sflag:s10] =	ssyncadd.s32 $0xFFFFC000  }
0xa9: {  	[tilespmem:s13], [sflag:$0x2] =	stream.indirect.gather [hbm4b:s4+s12], $0x80, s1, s12, $0xb8;
	[tilespmem:$0x19000] =	vst v63  }
0xaa: {  	_ =	swait.ge [sflag:s14], $0x4000  }
0xab: {  	[sflag:s14] =	ssyncset.done $0x0  }
0xac: {  	[sflag:s14] =	ssyncadd.s32 $0xFFFFC000  }
0xad: {  	[spmem:s2] =	stream.indirect.scatter.add.f32 [tilespmem:s13], [sflag:$0x3], $0x80, s5, s12, $0xb8;
	[tilespmem:$0x19000] =	vst v63  }
0xae: {  	s8 =	simm.s32 $0x200;
	_ =	swait.ge [sflag:s10], $0x4000  }
.LBB2_2:
0xaf: {  	s9 =	rddreg [dreg:$0x4];
	s6 =	smov.u32 s8;
	[sflag:s10] =	ssyncset.done $0x0  }
0xb0: {  	s9 =	sadd.s32 s6, s9;
	[sflag:s10] =	ssyncadd.s32 $0xFFFFC000  }
0xb1: {  	[tilespmem:s3], [sflag:$0x1] =	stream.linear.gather [hbm4b:s9+s3], $0x800, $0x38;
	[tilespmem:$0x19000] =	vst v63  }
0xb2: {  	_ =	swait.ge [sflag:s11], $0x800  }
0xb3: {  	[sflag:s11] =	ssyncset.done $0x0  }
0xb4: {  	[sflag:s11] =	ssyncadd.s32 $0xFFFFF800  }
0xb5: {  	[tilespmem:s13], [sflag:$0x2] =	stream.indirect.gather [hbm4b:s4+s12], $0x80, s3, s12, $0xb8;
	[tilespmem:$0x19000] =	vst v63  }
0xb6: {  	_ =	swait.ge [sflag:s14], $0x4000  }
0xb7: {  	[sflag:s14] =	ssyncset.done $0x0  }
0xb8: {  	[sflag:s14] =	ssyncadd.s32 $0xFFFFC000  }
0xb9: {  	[spmem:s2] =	stream.indirect.scatter.add.f32 [tilespmem:s13], [sflag:$0x3], $0x80, s12, s12, $0xb8;
	[tilespmem:$0x19000] =	vst v63  }
0xba: {  	_ =	swait.ge [sflag:s10], $0x4000  }
0xbb: {  	[sflag:s10] =	ssyncset.done $0x0  }
0xbc: {  	s9 =	rddreg [dreg:$0x5];
	[sflag:s10] =	ssyncadd.s32 $0xFFFFC000  }
0xbd: {  	[tilespmem:s13], [sflag:$0x2] =	stream.indirect.gather [hbm4b:s4+s12], $0x80, s9, s12, $0xb8;
	[tilespmem:$0x19000] =	vst v63  }
0xbe: {  	_ =	swait.ge [sflag:s14], $0x4000  }
0xbf: {  	[sflag:s14] =	ssyncset.done $0x0  }
0xc0: {  	s9 =	rddreg [dreg:$0x6];
	[sflag:s14] =	ssyncadd.s32 $0xFFFFC000  }
0xc1: {  	[spmem:s2] =	stream.indirect.scatter.add.f32 [tilespmem:s13], [sflag:$0x3], $0x80, s9, s12, $0xb8;
	[tilespmem:$0x19000] =	vst v63  }
0xc2: {  	_ =	swait.ge [sflag:s10], $0x4000  }
0xc3: {  	[sflag:s10] =	ssyncset.done $0x0  }
0xc4: {  	s9 =	rddreg [dreg:$0x7];
	[sflag:s10] =	ssyncadd.s32 $0xFFFFC000  }
0xc5: {  	[tilespmem:s13], [sflag:$0x2] =	stream.indirect.gather [hbm4b:s4+s12], $0x80, s9, s12, $0xb8;
	[tilespmem:$0x19000] =	vst v63  }
0xc6: {  	_ =	swait.ge [sflag:s14], $0x4000  }
0xc7: {  	[sflag:s14] =	ssyncset.done $0x0  }
0xc8: {  	s9 =	rddreg [dreg:$0x8];
	[sflag:s14] =	ssyncadd.s32 $0xFFFFC000  }
0xc9: {  	[spmem:s2] =	stream.indirect.scatter.add.f32 [tilespmem:s13], [sflag:$0x3], $0x80, s9, s12, $0xb8;
	[tilespmem:$0x19000] =	vst v63  }
0xca: {  	_ =	swait.ge [sflag:s10], $0x4000  }
0xcb: {  	[sflag:s10] =	ssyncset.done $0x0  }
0xcc: {  	s9 =	rddreg [dreg:$0x9];
	[sflag:s10] =	ssyncadd.s32 $0xFFFFC000  }
0xcd: {  	[tilespmem:s13], [sflag:$0x2] =	stream.indirect.gather [hbm4b:s4+s12], $0x80, s9, s12, $0xb8;
	[tilespmem:$0x19000] =	vst v63  }
0xce: {  	_ =	swait.ge [sflag:s14], $0x4000  }
0xcf: {  	[sflag:s14] =	ssyncset.done $0x0  }
0xd0: {  	s9 =	rddreg [dreg:$0xa];
	[sflag:s14] =	ssyncadd.s32 $0xFFFFC000  }
0xd1: {  	[spmem:s2] =	stream.indirect.scatter.add.f32 [tilespmem:s13], [sflag:$0x3], $0x80, s9, s12, $0xb8;
	[tilespmem:$0x19000] =	vst v63  }
0xd2: {  	_ =	swait.ge [sflag:s10], $0x4000  }
0xd3: {  	[sflag:s10] =	ssyncset.done $0x0  }
0xd4: {  	s9 =	rddreg [dreg:$0xb];
	[sflag:s10] =	ssyncadd.s32 $0xFFFFC000  }
0xd5: {  	[tilespmem:s13], [sflag:$0x2] =	stream.indirect.gather [hbm4b:s4+s12], $0x80, s9, s12, $0xb8;
	[tilespmem:$0x19000] =	vst v63  }
0xd6: {  	_ =	swait.ge [sflag:s14], $0x4000  }
0xd7: {  	[sflag:s14] =	ssyncset.done $0x0  }
0xd8: {  	s9 =	rddreg [dreg:$0xc];
	[sflag:s14] =	ssyncadd.s32 $0xFFFFC000  }
0xd9: {  	[spmem:s2] =	stream.indirect.scatter.add.f32 [tilespmem:s13], [sflag:$0x3], $0x80, s9, s12, $0xb8;
	[tilespmem:$0x19000] =	vst v63  }
0xda: {  	_ =	swait.ge [sflag:s10], $0x4000  }
0xdb: {  	[sflag:s10] =	ssyncset.done $0x0  }
0xdc: {  	s9 =	rddreg [dreg:$0xd];
	[sflag:s10] =	ssyncadd.s32 $0xFFFFC000  }
0xdd: {  	[tilespmem:s13], [sflag:$0x2] =	stream.indirect.gather [hbm4b:s4+s12], $0x80, s9, s12, $0xb8;
	[tilespmem:$0x19000] =	vst v63  }
0xde: {  	_ =	swait.ge [sflag:s14], $0x4000  }
0xdf: {  	[sflag:s14] =	ssyncset.done $0x0  }
0xe0: {  	s9 =	rddreg [dreg:$0xe];
	[sflag:s14] =	ssyncadd.s32 $0xFFFFC000  }
0xe1: {  	[spmem:s2] =	stream.indirect.scatter.add.f32 [tilespmem:s13], [sflag:$0x3], $0x80, s9, s12, $0xb8;
	[tilespmem:$0x19000] =	vst v63  }
0xe2: {  	_ =	swait.ge [sflag:s10], $0x4000  }
0xe3: {  	[sflag:s10] =	ssyncset.done $0x0  }
0xe4: {  	s9 =	rddreg [dreg:$0xf];
	[sflag:s10] =	ssyncadd.s32 $0xFFFFC000  }
0xe5: {  	[tilespmem:s13], [sflag:$0x2] =	stream.indirect.gather [hbm4b:s4+s12], $0x80, s9, s12, $0xb8;
	[tilespmem:$0x19000] =	vst v63  }
0xe6: {  	_ =	swait.ge [sflag:s14], $0x4000  }
0xe7: {  	[sflag:s14] =	ssyncset.done $0x0  }
0xe8: {  	[sflag:s14] =	ssyncadd.s32 $0xFFFFC000  }
0xe9: {  	[spmem:s2] =	stream.indirect.scatter.add.f32 [tilespmem:s13], [sflag:$0x3], $0x80, s15, s12, $0xb8;
	[tilespmem:$0x19000] =	vst v63  }
0xea: {  	_ =	swait.ge [sflag:s10], $0x4000  }
0xeb: {  	[sflag:s10] =	ssyncset.done $0x0  }
0xec: {  	[sflag:s10] =	ssyncadd.s32 $0xFFFFC000  }
0xed: {  	[tilespmem:s13], [sflag:$0x2] =	stream.indirect.gather [hbm4b:s4+s12], $0x80, s16, s12, $0xb8;
	[tilespmem:$0x19000] =	vst v63  }
0xee: {  	_ =	swait.ge [sflag:s14], $0x4000  }
0xef: {  	[sflag:s14] =	ssyncset.done $0x0  }
0xf0: {  	[sflag:s14] =	ssyncadd.s32 $0xFFFFC000  }
0xf1: {  	[spmem:s2] =	stream.indirect.scatter.add.f32 [tilespmem:s13], [sflag:$0x3], $0x80, s17, s12, $0xb8;
	[tilespmem:$0x19000] =	vst v63  }
0xf2: {  	_ =	swait.ge [sflag:s10], $0x4000  }
0xf3: {  	s9 =	rddreg [dreg:$0x3];
	[sflag:s10] =	ssyncset.done $0x0  }
0xf4: {  	[sflag:s10] =	ssyncadd.s32 $0xFFFFC000;
	s6 =	sadd.s32 s6, s9  }
0xf5: {  	[tilespmem:s18], [sflag:$0x1] =	stream.linear.gather [hbm4b:s6+s3], $0x800, $0x38;
	[tilespmem:$0x19000] =	vst v63  }
0xf6: {  	_ =	swait.ge [sflag:s11], $0x800  }
0xf7: {  	[sflag:s11] =	ssyncset.done $0x0  }
0xf8: {  	[sflag:s11] =	ssyncadd.s32 $0xFFFFF800  }
0xf9: {  	[tilespmem:s13], [sflag:$0x2] =	stream.indirect.gather [hbm4b:s4+s12], $0x80, s18, s12, $0xb8;
	[tilespmem:$0x19000] =	vst v63  }
0xfa: {  	_ =	swait.ge [sflag:s14], $0x4000  }
0xfb: {  	[sflag:s14] =	ssyncset.done $0x0  }
0xfc: {  	[sflag:s14] =	ssyncadd.s32 $0xFFFFC000  }
0xfd: {  	[spmem:s2] =	stream.indirect.scatter.add.f32 [tilespmem:s13], [sflag:$0x3], $0x80, s19, s12, $0xb8;
	[tilespmem:$0x19000] =	vst v63  }
0xfe: {  	_ =	swait.ge [sflag:s10], $0x4000  }
0xff: {  	[sflag:s10] =	ssyncset.done $0x0  }
0x100: {  	[sflag:s10] =	ssyncadd.s32 $0xFFFFC000  }
0x101: {  	[tilespmem:s13], [sflag:$0x2] =	stream.indirect.gather [hbm4b:s4+s12], $0x80, s20, s12, $0xb8;
	[tilespmem:$0x19000] =	vst v63  }
0x102: {  	_ =	swait.ge [sflag:s14], $0x4000  }
0x103: {  	[sflag:s14] =	ssyncset.done $0x0  }
0x104: {  	[sflag:s14] =	ssyncadd.s32 $0xFFFFC000  }
0x105: {  	[spmem:s2] =	stream.indirect.scatter.add.f32 [tilespmem:s13], [sflag:$0x3], $0x80, s21, s12, $0xb8;
	[tilespmem:$0x19000] =	vst v63  }
0x106: {  	_ =	swait.ge [sflag:s10], $0x4000  }
0x107: {  	[sflag:s10] =	ssyncset.done $0x0  }
0x108: {  	[sflag:s10] =	ssyncadd.s32 $0xFFFFC000  }
0x109: {  	[tilespmem:s13], [sflag:$0x2] =	stream.indirect.gather [hbm4b:s4+s12], $0x80, s22, s12, $0xb8;
	[tilespmem:$0x19000] =	vst v63  }
0x10a: {  	_ =	swait.ge [sflag:s14], $0x4000  }
0x10b: {  	[sflag:s14] =	ssyncset.done $0x0  }
0x10c: {  	[sflag:s14] =	ssyncadd.s32 $0xFFFFC000  }
0x10d: {  	[spmem:s2] =	stream.indirect.scatter.add.f32 [tilespmem:s13], [sflag:$0x3], $0x80, s23, s12, $0xb8;
	[tilespmem:$0x19000] =	vst v63  }
0x10e: {  	_ =	swait.ge [sflag:s10], $0x4000  }
0x10f: {  	[sflag:s10] =	ssyncset.done $0x0  }
0x110: {  	[sflag:s10] =	ssyncadd.s32 $0xFFFFC000  }
0x111: {  	[tilespmem:s13], [sflag:$0x2] =	stream.indirect.gather [hbm4b:s4+s12], $0x80, s24, s12, $0xb8;
	[tilespmem:$0x19000] =	vst v63  }
0x112: {  	_ =	swait.ge [sflag:s14], $0x4000  }
0x113: {  	[sflag:s14] =	ssyncset.done $0x0  }
0x114: {  	[sflag:s14] =	ssyncadd.s32 $0xFFFFC000  }
0x115: {  	[spmem:s2] =	stream.indirect.scatter.add.f32 [tilespmem:s13], [sflag:$0x3], $0x80, s25, s12, $0xb8;
	[tilespmem:$0x19000] =	vst v63  }
0x116: {  	_ =	swait.ge [sflag:s10], $0x4000  }
0x117: {  	[sflag:s10] =	ssyncset.done $0x0  }
0x118: {  	[sflag:s10] =	ssyncadd.s32 $0xFFFFC000  }
0x119: {  	[tilespmem:s13], [sflag:$0x2] =	stream.indirect.gather [hbm4b:s4+s12], $0x80, s26, s12, $0xb8;
	[tilespmem:$0x19000] =	vst v63  }
0x11a: {  	_ =	swait.ge [sflag:s14], $0x4000  }
0x11b: {  	[sflag:s14] =	ssyncset.done $0x0  }
0x11c: {  	[sflag:s14] =	ssyncadd.s32 $0xFFFFC000  }
0x11d: {  	[spmem:s2] =	stream.indirect.scatter.add.f32 [tilespmem:s13], [sflag:$0x3], $0x80, s28, s12, $0xb8;
	[tilespmem:$0x19000] =	vst v63  }
0x11e: {  	_ =	swait.ge [sflag:s10], $0x4000  }
0x11f: {  	[sflag:s10] =	ssyncset.done $0x0  }
0x120: {  	[sflag:s10] =	ssyncadd.s32 $0xFFFFC000  }
0x121: {  	[tilespmem:s13], [sflag:$0x2] =	stream.indirect.gather [hbm4b:s4+s12], $0x80, s29, s12, $0xb8;
	[tilespmem:$0x19000] =	vst v63  }
0x122: {  	_ =	swait.ge [sflag:s14], $0x4000  }
0x123: {  	[sflag:s14] =	ssyncset.done $0x0  }
0x124: {  	[sflag:s14] =	ssyncadd.s32 $0xFFFFC000  }
0x125: {  	[spmem:s2] =	stream.indirect.scatter.add.f32 [tilespmem:s13], [sflag:$0x3], $0x80, s30, s12, $0xb8;
	[tilespmem:$0x19000] =	vst v63  }
0x126: {  	_ =	swait.ge [sflag:s10], $0x4000  }
0x127: {  	[sflag:s10] =	ssyncset.done $0x0  }
0x128: {  	[sflag:s10] =	ssyncadd.s32 $0xFFFFC000  }
0x129: {  	[tilespmem:s13], [sflag:$0x2] =	stream.indirect.gather [hbm4b:s4+s12], $0x80, s31, s12, $0xb8;
	[tilespmem:$0x19000] =	vst v63  }
0x12a: {  	_ =	swait.ge [sflag:s14], $0x4000  }
0x12b: {  	[sflag:s14] =	ssyncset.done $0x0  }
0x12c: {  	[sflag:s14] =	ssyncadd.s32 $0xFFFFC000  }
0x12d: {  	[spmem:s2] =	stream.indirect.scatter.add.f32 [tilespmem:s13], [sflag:$0x3], $0x80, s0, s12, $0xb8;
	[tilespmem:$0x19000] =	vst v63  }
0x12e: {  	_ =	swait.ge [sflag:s10], $0x4000  }
0x12f: {  	[sflag:s10] =	ssyncset.done $0x0  }
0x130: {  	p0 =	sne.s32 s8, $0x800;
	[sflag:s10] =	ssyncadd.s32 $0xFFFFC000  }
0x131: {  	[tilespmem:s13], [sflag:$0x2] =	stream.indirect.gather [hbm4b:s4+s12], $0x80, s1, s12, $0xb8;
	[tilespmem:$0x19000] =	vst v63  }
.Ltmp0:
0x132: {  	_ =	swait.ge [sflag:s14], $0x4000;
	(pc) =	sbr.rel @p0 .LBB2_2-.Ltmp0, $4  }
0x133: {  	[sflag:s14] =	ssyncset.done $0x0  }
0x134: {  	[sflag:s14] =	ssyncadd.s32 $0xFFFFC000  }
0x135: {  	[spmem:s2] =	stream.indirect.scatter.add.f32 [tilespmem:s13], [sflag:$0x3], $0x80, s5, s12, $0xb8;
	[tilespmem:$0x19000] =	vst v63  }
0x136: {  	s8 =	sadd.s32 $0x200, s8;
	_ =	swait.ge [sflag:s10], $0x4000  }
0x137: {  	[sflag:s10] =	ssyncset.done $0x0  }
0x138: {  	[sflag:s10] =	ssyncadd.s32 $0xFFFFC000  }
0x139: {  	[bflag:$0x0] =	sbarrier.arrive $0xFFFF  }
0x13a: {  	s8 =	rddreg [dreg:$0x11]  }
0x13b: {  	s6 =	rddreg [dreg:$0x12]  }
0x13c: {  	s9 =	rddreg [dreg:$0x14]  }
0x13d: {  	[hbm:s6], [sflag:s8] =	dma.local [spmem:s9], $0x2800  }
0x13e: {  	_ =	swait.ge [sflag:s10], $0x2800  }
0x13f: {  	s7 =	sadd.s32 $0x1, s7;
	s6 =	rddreg [dreg:$0x13]  }
0x140: {  	p0 =	sne.s32 s7, s6  }
.Ltmp1:
0x141: {  	_ = 	snop;
	(pc) =	sbr.rel @p0 .LBB2_1-.Ltmp1, $3  }
0x142: {  	_ =	sdelay $0x1  }
0x143: {  	[sflag:s10] =	ssyncset.done $0x0  }
0x144: {  	[sflag:s10] =	ssyncadd.s32 $0xFFFFD800  }
0x145: {  	_ =	sfence.sel $0x180000  }
0x146: {  	[bflag:$0x0] =	sbarrier.arrive $0xFFFF  }
0x147: {  	_ =	strace $0x9000004D  }
0x148: {  	s0 =	stileid.u32;
	[bflag:$0x2] =	sbarrier.arrive $0xFFFF  }
0x149: {  	p0 =	sne.s32 s0, $0x0;
	s0 =	rddreg [dreg:$0x2]  }
0x14a: {  	s0 =	sadd.s32 @!p0 $0x100000, s0  }
0x14b: {  	[sflag:s0] =	ssyncadd.tile.s32 @!p0 $0x1;
	_ =	shalt  }
.Lfunc_end2:
_tile_overlayer_lowered:
.L_overlay_start_2:
0x14c: {  	(tag) =	ssettag $0x2  }
0x14d: {  	s0 =	rddreg [dreg:$0x0];
	s2 =	stileid.u32  }
0x14e: {  	s1 =	rddreg [dreg:$0x1];
	p0 =	sne.s32 s2, $0x0  }
0x14f: {  	s3 =	rddreg [dreg:$0x2];
	[bflag:$0x3] =	sbarrier.arrive $0xFFFF;
	s2 =	simm.s32 @!p0 $0x1C03  }
0x150: {  	[timem:s3], [sflag:s2] =	dma.local @!p0 [hbm:s0], s1  }
0x151: {  	s0 =	simm.s32 @!p0 $0x3  }
0x152: {  	_ =	swait.ge @!p0 [sflag:s0], s1  }
0x153: {  	s1 =	ssub.s32 @!p0 $0x0, s1;
	[sflag:s0] =	ssyncset.done @!p0 $0x0  }
0x154: {  	[sflag:s0] =	ssyncadd.s32 @!p0 s1  }
0x155: {  	[bflag:$0x3] =	sbarrier.arrive $0xFFFF  }
0x156: {  	_ =	shalt  }

// kernel: kernel.8.cloned.1.call-start
scs
__scs_entry_jumppad:
0x0: {  	(pc) =	sbr.rel $0x88, $3  }
0x1: {  	(tag) =	ssettag $0x0;
	lr =	simm.s32 $0x1  }
0x2: {  	[smem:$0x3F99] =	sst lr;
	_ =	strace $0xD0000000  }
0x3: {  	_ = 	snop  }
0x4: {  	_ = 	snop  }
0x5: {  	_ = 	snop  }
0x6: {  	_ = 	snop  }
0x7: {  	_ = 	snop  }
__scs_overlays_trampoline_lowered:
0x8: {  	[smem:$0x3FA8] =	sst s0  }
0x9: {  	[smem:$0x3FA9] =	sst s1  }
0xa: {  	[smem:$0x3FAA] =	sst s2  }
0xb: {  	[smem:$0x3FAB] =	sst s3  }
0xc: {  	[smem:$0x3FAC] =	sst s4  }
0xd: {  	[smem:$0x3FAD] =	sst s5  }
0xe: {  	[smem:$0x3FAE] =	sst s6  }
0xf: {  	[smem:$0x3FAF] =	sst s7  }
0x10: {  	[smem:$0x3FB0] =	sst s8  }
0x11: {  	[smem:$0x3FB1] =	sst s9;
	s0 =	simm.s32 @!p0 $0x0  }
0x12: {  	s1 =	sld [smem:$0x3F97];
	s0 =	simm.s32 @p0 $0x1  }
0x13: {  	[smem:$0x3FB2] =	sst s0;
	s0 =	simm.s32 @!p1 $0x0  }
0x14: {  	s2 =	sld [smem:$0x3F96];
	s0 =	simm.s32 @p1 $0x1  }
0x15: {  	[smem:$0x3FB3] =	sst s0;
	s0 =	simm.s32 @!p2 $0x0  }
0x16: {  	s3 =	sld [smem:$0x3FDB];
	s0 =	simm.s32 @p2 $0x1  }
0x17: {  	s4 =	simm.s32 $0x1BF5;
	[smem:$0x3FB5] =	sst s0  }
0x18: {  	s0 =	sld [smem:$0x3F98];
	_ =	swait.ge [sflag:s4], $0x0  }
0x19: {  	s7 =	sld [smem:$0x3F99]  }
0x1a: {  	s8 =	sadd.s32 $0xFFFFE003, lr  }
0x1b: {  	s9 =	sadd.s32 $0xFFFFFEF7, lr;
	s5 =	simm.s32 $0xFFFFFFFF;
	p2 =	slt.u32 s8, $0xFFFFF086  }
0x1c: {  	p1 =	slt.u32 s9, $0xF7A;
	s5 =	simm.s32 @!p2 $0x0  }
0x1d: {  	s5 =	simm.s32 @p1 $0x1;
	p0 =	seq.s32 s7, s2  }
0x1e: {  	s7 =	smul.u32 @!p0 $0xF7A, s2;
	p2 =	seq.s32 @!p0 s5, $0x0  }
0x1f: {  	s9 =	smul.u32 $0xF7A, s1;
	s8 =	simm.s32 @!p0 $0x1BF5;
	p2 =	por !p2, p0  }
0x20: {  	[sflag:s8] =	ssyncset.s32 @!p0 $0xFFFFF086;
	s6 =	sadd.s32 @!p0 s3, s7;
	s7 =	simm.s32 @!p0 $0x108  }
0x21: {  	s3 =	sadd.s32 s3, s9;
	s6 =	sadd.s32 @!p0 $0x88, s6;
	s7 =	simm.s32 @p2 $0x1082  }
0x22: {  	[simem:s7], [sflag:s8] =	dma.local @!p0 [hbm:s6], $0xF7A  }
0x23: {  	s9 =	sor.u32 $0xD0000000, s2;
	s6 =	simm.s32 $0x108;
	_ =	swait.ge @!p0 [sflag:s8], $0x0  }
0x24: {  	s3 =	sadd.s32 $0x88, s3;
	s6 =	simm.s32 @!p1 $0x1082;
	[sflag:s4] =	ssyncset.s32 $0xFFFFF086  }
0x25: {  	[simem:s6], [sflag:s4] =	dma.local [hbm:s3], $0xF7A  }
0x26: {  	[smem:$0x3F99] =	sst s1;
	(tag) =	ssettag s2;
	_ =	strace s9  }
0x27: {  	s1 =	sld [smem:$0x3FA9]  }
0x28: {  	s2 =	sld [smem:$0x3FAA]  }
0x29: {  	s4 =	sld [smem:$0x3FAC]  }
0x2a: {  	p0 =	seq.s32 s5, $0x0;
	s5 =	sld [smem:$0x3FAD]  }
0x2b: {  	s6 =	sld [smem:$0x3FAE]  }
0x2c: {  	s7 =	sld [smem:$0x3FAF]  }
0x2d: {  	s3 =	simm.s32 $0x108;
	s8 =	sld [smem:$0x3FB0]  }
0x2e: {  	s3 =	simm.s32 @!p0 $0x1082;
	s9 =	sld [smem:$0x3FB1]  }
0x2f: {  	lr =	sadd.s32 s0, s3;
	s0 =	sld [smem:$0x3FA8]  }
0x30: {  	s3 =	sld [smem:$0x3FAB]  }
0x31: {  	[smem:$0x3FB4] =	sst s10  }
0x32: {  	s10 =	sld [smem:$0x3FB2];
	_ =	sdelay $0x3  }
0x33: {  	p0 =	seq.s32 s10, $0x1;
	s10 =	sld [smem:$0x3FB4];
	_ =	sdelay $0x3  }
0x34: {  	[smem:$0x3FB4] =	sst s10  }
0x35: {  	s10 =	sld [smem:$0x3FB3];
	_ =	sdelay $0x3  }
0x36: {  	p1 =	seq.s32 s10, $0x1;
	s10 =	sld [smem:$0x3FB4];
	_ =	sdelay $0x3  }
0x37: {  	[smem:$0x3FB4] =	sst s10  }
0x38: {  	s10 =	sld [smem:$0x3FB5]  }
0x39: {  	_ = 	snop;
	(pc) =	sbr.ind lr, $3  }
0x3a: {  	_ = 	snop  }
0x3b: {  	_ = 	snop  }
0x3c: {  	p2 =	seq.s32 s10, $0x1;
	s10 =	sld [smem:$0x3FB4]  }
0x3d: {  	_ =	shalt  }
0x3e: {  	_ =	shalt  }
0x3f: {  	_ =	shalt  }
0x40: {  	_ =	shalt  }
0x41: {  	_ =	shalt  }
0x42: {  	_ =	shalt  }
0x43: {  	_ =	shalt  }
0x44: {  	_ =	shalt  }
0x45: {  	_ =	shalt  }
0x46: {  	_ =	shalt  }
0x47: {  	_ =	shalt  }
0x48: {  	_ =	shalt  }
0x49: {  	_ =	shalt  }
0x4a: {  	_ =	shalt  }
0x4b: {  	_ =	shalt  }
0x4c: {  	_ =	shalt  }
0x4d: {  	_ =	shalt  }
0x4e: {  	_ =	shalt  }
0x4f: {  	_ =	shalt  }
0x50: {  	_ =	shalt  }
0x51: {  	_ =	shalt  }
0x52: {  	_ =	shalt  }
0x53: {  	_ =	shalt  }
0x54: {  	_ =	shalt  }
0x55: {  	_ =	shalt  }
0x56: {  	_ =	shalt  }
0x57: {  	_ =	shalt  }
0x58: {  	_ =	shalt  }
0x59: {  	_ =	shalt  }
0x5a: {  	_ =	shalt  }
0x5b: {  	_ =	shalt  }
0x5c: {  	_ =	shalt  }
0x5d: {  	_ =	shalt  }
0x5e: {  	_ =	shalt  }
0x5f: {  	_ =	shalt  }
0x60: {  	_ =	shalt  }
0x61: {  	_ =	shalt  }
0x62: {  	_ =	shalt  }
0x63: {  	_ =	shalt  }
0x64: {  	_ =	shalt  }
0x65: {  	_ =	shalt  }
0x66: {  	_ =	shalt  }
0x67: {  	_ =	shalt  }
0x68: {  	_ =	shalt  }
0x69: {  	_ =	shalt  }
0x6a: {  	_ =	shalt  }
0x6b: {  	_ =	shalt  }
0x6c: {  	_ =	shalt  }
0x6d: {  	_ =	shalt  }
0x6e: {  	_ =	shalt  }
0x6f: {  	_ =	shalt  }
0x70: {  	_ =	shalt  }
0x71: {  	_ =	shalt  }
0x72: {  	_ =	shalt  }
0x73: {  	_ =	shalt  }
0x74: {  	_ =	shalt  }
0x75: {  	_ =	shalt  }
0x76: {  	_ =	shalt  }
0x77: {  	_ =	shalt  }
0x78: {  	_ =	shalt  }
0x79: {  	_ =	shalt  }
0x7a: {  	_ =	shalt  }
0x7b: {  	_ =	shalt  }
0x7c: {  	_ =	shalt  }
0x7d: {  	_ =	shalt  }
0x7e: {  	_ =	shalt  }
0x7f: {  	_ =	shalt  }
0x80: {  	_ =	shalt  }
0x81: {  	_ =	shalt  }
0x82: {  	_ =	shalt  }
0x83: {  	_ =	shalt  }
0x84: {  	_ =	shalt  }
0x85: {  	_ =	shalt  }
0x86: {  	_ =	shalt  }
0x87: {  	_ =	shalt  }
.Lfunc_end0:
.L_simem_size_0:
called_computation_lowered:
.L_overlay_start_0:
0x88: {  	s2 =	sld [smem:$0x3FD9]  }
0x89: {  	s3 =	sld [smem:$0x3FFE];
	_ =	sdelay $0x1  }
0x8a: {  	s1 =	srdreg.scid  }
0x8b: {  	s0 =	sand.u32 $0x1, s1  }
0x8c: {  	s17 =	sshll.u32 s0, $0xA;
	s2 =	sadd.s32 s3, s2  }
0x8d: {  	s2 =	sadd.s32 s2, s17  }
0x8e: {  	[smem:$0x3FC0] =	sst s2  }
0x8f: {  	_ = 	snop  }
0x90: {  	s2 =	sld [smem:$0x3FD0];
	(tm) =	ssettm $0x1  }
0x91: {  	s18 =	sld [smem:$0x3FFB];
	_ =	sdelay $0x3  }
0x92: {  	_ =	strace s18  }
0x93: {  	s3 =	sld [smem:$0x3FFC];
	_ =	sdelay $0x3  }
0x94: {  	_ =	strace s3  }
0x95: {  	s3 =	sld [smem:$0x3FFD];
	_ =	sdelay $0x3  }
0x96: {  	_ =	strace s3  }
0x97: {  	_ =	strace $0x8FFFFFFF  }
0x98: {  	s19 =	sld [smem:$0x3FDB];
	_ =	sdelay $0x1  }
0x99: {  	s4 =	simm.s32 $_scs_section_size  }
0x9a: {  	s5 =	simm.s32 $_size__tile_overlayer_lowered;
	s6 =	simm.s32 $_tile_overlayer_lowered  }
0x9b: {  	s22 =	simm.s32 $0x1BFF;
	s21 =	sshll.u32 s6, $0x1;
	s3 =	sadd.s32 s4, s19  }
0x9c: {  	s7 =	simm.s32 $0x0;
	s20 =	sshll.u32 s5, $0x1;
	s5 =	sadd.s32 s21, s3  }
0x9d: {  	[timem:s7], [sflag:s22] =	dma.local [hbm:s5], s20  }
0x9e: {  	_ =	swait.ge [sflag:s22], s20  }
0x9f: {  	s4 =	ssub.s32 $0x0, s20;
	[sflag:s22] =	ssyncset.done $0x0  }
0xa0: {  	[sflag:s22] =	ssyncadd.s32 s4;
	_ =	sdelay $0x1  }
0xa1: {  	s23 =	simm.s32 $0x1B8B  }
0xa2: {  	_ =	swait.ge [sflag:s23], $0x1  }
0xa3: {  	[sflag:s23] =	ssyncset.done $0x0  }
0xa4: {  	s25 =	simm.s32 $0x1B8E;
	s24 =	sld [smem:$0x3FFE];
	[sflag:s23] =	ssyncadd.s32 $0xFFFFFFFF  }
0xa5: {  	s26 =	simm.s32 $execute0_lowered;
	[smem:$0x3FD2] =	sst s25  }
0xa6: {  	s5 =	sshll.u32 s26, $0x1;
	_ =	strace $0x80000046;
	[dreg:$0x1] =	wrdreg $0xFFFFFFFF  }
0xa7: {  	s28 =	simm.s32 $_size_execute0_lowered;
	s3 =	sadd.s32 s3, s5;
	[dreg:$0x0] =	wrdreg $0x0  }
0xa8: {  	s5 =	sshll.u32 s28, $0x1;
	[dreg:$0x2] =	wrdreg s3  }
0xa9: {  	[dreg:$0x3] =	wrdreg s5  }
0xaa: {  	[dreg:$0x4] =	wrdreg $0xC0  }
0xab: {  	_ =	task [dreg:s7], $0x5FFFF  }
0xac: {  	[dreg:$0x1] =	wrdreg $0xFFFFFFFF  }
0xad: {  	[dreg:$0x0] =	wrdreg $0x60  }
0xae: {  	[dreg:$0x2] =	wrdreg s2  }
0xaf: {  	[dreg:$0x3] =	wrdreg s24  }
0xb0: {  	[dreg:$0x4] =	wrdreg $0x68000  }
0xb1: {  	[dreg:$0x5] =	wrdreg $0x9  }
0xb2: {  	_ =	task.clear_ibuf [dreg:s7], $0x6FFFF;
	_ =	strace $0x90000046  }
0xb3: {  	s29 =	simm.s32 $0x9;
	_ =	strace $0x80000048  }
0xb4: {  	_ =	swait.ge [sflag:s29], $0x1  }
0xb5: {  	[sflag:s29] =	ssyncadd.s32 $0xFFFFFFFF  }
0xb6: {  	_ =	strace $0x90000048  }
0xb7: {  	_ =	sfence  }
0xb8: {  	s30 =	sld [smem:$0x0];
	_ =	sdelay $0x2  }
0xb9: {  	s31 =	sshll.u32 s1, $0xD;
	s1 =	sshrl.u32 s1, $0x2  }
0xba: {  	s3 =	sand.u32 $0x4000, s31;
	s1 =	sadd.s32 s1, s30  }
0xbb: {  	s0 =	sor.u32 s3, s0;
	s1 =	sshll.u32 s1, $0x11  }
0xbc: {  	s0 =	sor.u32 s1, s0  }
0xbd: {  	s0 =	sadd.s32 $0x8F2B, s0  }
0xbe: {  	[sflag:s0] =	ssyncadd.remote.s32 $0x1  }
0xbf: {  	_ =	sfence.sel $0xFFFF  }
0xc0: {  	[dreg:$0x0] =	wrdreg $0xFFFFFFFF;
	(pc) =	sbr.abs _section_cstart, $3  }
0xc1: {  	[dreg:$0x1] =	wrdreg $0xFFFFFFFF  }
0xc2: {  	_ =	task.clear_ibuf [dreg:s7], $0x2FFFF;
	_ =	strace $0x9FFFFFFF  }
0xc3: {  	(tm) =	ssettm $0x7FFFFFFF  }
tec
execute0_lowered:
.L_overlay_start_1:
0x0: {  	(tag) =	ssettag $0x1  }
0x1: {  	s6 =	rddreg [dreg:$0x0]  }
0x2: {  	s4 =	rddreg [dreg:$0x1];
	s0 =	stileid.u32  }
0x3: {  	s1 =	srdreg.scid;
	s2 =	rddreg [dreg:$0x2];
	s3 =	simm.s32 $0x0  }
0x4: {  	s5 =	smul.u32 $0x14000, s0;
	s7 =	sand.u32 $0x1, s1;
	s1 =	rddreg [dreg:$0x3]  }
0x5: {  	[smem:$0x7FF] =	sst s3;
	s10 =	smul.u32 $0x50000, s0;
	s31 =	sshll.u32 s0, $0x6  }
0x6: {  	s8 =	smul.u32 $0x140000, s7;
	_ =	strace $0x80000047;
	s25 =	sshll.u32 s7, $0x4  }
0x7: {  	s26 =	ssub.s32 $0x2, s7;
	s9 =	sshrl.u32 s5, $0x3;
	s28 =	sor.u32 s0, s25  }
0x8: {  	s7 =	sshrl.u32 s26, $0x1;
	s29 =	sshrl.u32 s10, $0x2;
	s10 =	simm.s32 $0x1  }
0x9: {  	s9 =	sadd.s32 s9, s4;
	s5 =	sadd.s32 s5, s8;
	s30 =	smul.u32 $0x500, s28  }
0xa: {  	s12 =	ssub.s32 s26, s7;
	s13 =	sadd.s32 s29, s2;
	s5 =	sshrl.u32 s5, $0x3  }
0xb: {  	s8 =	smax.u32 s12, $0x1;
	s12 =	simm.s32 $0x2800;
	s11 =	sadd.s32 s5, s4  }
0xc: {  	s4 =	sadd.s32 $0x2000, s9;
	s5 =	sor.u32 $0x1C01, s31;
	s6 =	sadd.s32 s6, s30  }
0xd: {  	v0 =	vimm.f32 $1.000000000e+00;
	s9 =	sshrl.u32 s13, $0x3;
	s7 =	sadd.s32 $0x2A000, s11;
	s11 =	simm.s32 $0x80  }
.LBB2_1:
0xe: {  	s13 =	simm.s32 $0x200;
	s14 =	simm.s32 $0x0  }
.LBB2_2:
0xf: {  	p0 =	sne.s32 s13, $0xFE00;
	[tilespmem:s14+$0x2800] =	vst v0;
	s14 =	smov.u32 s13;
	s13 =	sadd.s32 $0x200, s13  }
.Ltmp0:
0x10: {  	(pc) =	sbr.rel @p0 .LBB2_2-.Ltmp0, $2  }
0x11: {  	_ =	sdelay $0x2  }
0x12: {  	s14 =	sshra.s32 s14, $0x2  }
0x13: {  	[tilespmem:s14+$0x2800] =	vst v0  }
0x14: {  	[spmem:s9], [sflag:s5] =	dma.local [hbm:s4], $0x2800  }
0x15: {  	_ =	swait.ge [sflag:s10], $0x2800  }
0x16: {  	[sflag:s10] =	ssyncset.done $0x0  }
0x17: {  	[sflag:s10] =	ssyncadd.s32 $0xFFFFD800  }
0x18: {  	s13 =	simm.s32 $0x0;
	[bflag:$0x0] =	sbarrier.arrive $0xFFFF  }
0x19: {  	[tilespmem:s13], [sflag:$0x1] =	stream.linear.gather [hbm4b:s6+s13], $0x2800, $0x38;
	[tilespmem:$0x9000] =	vst v63  }
0x1a: {  	_ =	swait.ge [sflag:s10], $0x2800  }
0x1b: {  	[sflag:s10] =	ssyncset.done $0x0  }
0x1c: {  	s31 =	simm.s32 $0x0;
	[sflag:s10] =	ssyncadd.s32 $0xFFFFD800  }
0x1d: {  	[spmem:s2] =	stream.indirect.scatter.add.f32 [tilespmem:s12], [sflag:$0x1], $0x10, s31, s11, $0xb8;
	[tilespmem:$0x9000] =	vst v63  }
0x1e: {  	_ =	swait.ge [sflag:s10], $0x800  }
0x1f: {  	s13 =	simm.s32 $0x200;
	[sflag:s10] =	ssyncset.done $0x0  }
.LBB2_4:
0x20: {  	s14 =	sshra.s32 s13, $0x2;
	[sflag:s10] =	ssyncadd.s32 $0xFFFFF800;
	p0 =	sne.s32 s13, $0x9E00  }
0x21: {  	[spmem:s2] =	stream.indirect.scatter.add.f32 [tilespmem:s12], [sflag:$0x1], $0x10, s14, s11, $0xb8;
	[tilespmem:$0x9000] =	vst v63  }
.Ltmp1:
0x22: {  	_ = 	snop;
	(pc) =	sbr.rel @p0 .LBB2_4-.Ltmp1, $4  }
0x23: {  	_ = 	snop  }
0x24: {  	s13 =	sadd.s32 $0x200, s13  }
0x25: {  	_ =	swait.ge [sflag:s10], $0x800  }
0x26: {  	[sflag:s10] =	ssyncset.done $0x0  }
0x27: {  	s3 =	sadd.s32 $0x1, s3  }
0x28: {  	[sflag:s10] =	ssyncadd.s32 $0xFFFFF800;
	p0 =	sne.s32 s3, s8  }
.Ltmp2:
0x29: {  	[bflag:$0x0] =	sbarrier.arrive $0xFFFF;
	(pc) =	sbr.rel @p0 .LBB2_1-.Ltmp2, $4  }
0x2a: {  	[hbm:s7], [sflag:s5] =	dma.local [spmem:s9], $0x2800  }
0x2b: {  	_ =	swait.ge [sflag:s10], $0x2800  }
0x2c: {  	[sflag:s10] =	ssyncset.done $0x0  }
0x2d: {  	[sflag:s10] =	ssyncadd.s32 $0xFFFFD800  }
0x2e: {  	_ =	sfence.sel $0x180000  }
0x2f: {  	[bflag:$0x0] =	sbarrier.arrive $0xFFFF  }
0x30: {  	p0 =	sne.s32 s0, $0x0;
	_ =	strace $0x90000047  }
0x31: {  	s0 =	sadd.s32 @!p0 $0x100000, s1;
	[bflag:$0x2] =	sbarrier.arrive $0xFFFF  }
0x32: {  	[sflag:s0] =	ssyncadd.tile.s32 @!p0 $0x1;
	_ =	shalt  }
.Lfunc_end2:
_tile_overlayer_lowered:
.L_overlay_start_2:
0x33: {  	(tag) =	ssettag $0x2  }
0x34: {  	s0 =	rddreg [dreg:$0x0];
	s2 =	stileid.u32  }
0x35: {  	s1 =	rddreg [dreg:$0x1];
	p0 =	sne.s32 s2, $0x0  }
0x36: {  	s3 =	rddreg [dreg:$0x2];
	[bflag:$0x3] =	sbarrier.arrive $0xFFFF;
	s2 =	simm.s32 @!p0 $0x1C01  }
0x37: {  	[timem:s3], [sflag:s2] =	dma.local @!p0 [hbm:s0], s1  }
0x38: {  	s0 =	simm.s32 @!p0 $0x1  }
0x39: {  	_ =	swait.ge @!p0 [sflag:s0], s1  }
0x3a: {  	s1 =	ssub.s32 @!p0 $0x0, s1;
	[sflag:s0] =	ssyncset.done @!p0 $0x0  }
0x3b: {  	[sflag:s0] =	ssyncadd.s32 @!p0 s1  }
0x3c: {  	[bflag:$0x3] =	sbarrier.arrive $0xFFFF  }
0x3d: {  	_ =	shalt  }

</sc_bundles>
